<compile_context>
chip_gen: v7x
topology: tpu7x:2x2x1
jax: 0.10.2.dev20260603
libtpu: 0.0.44.dev20260713+nightly
codegen_flags: <defaults>
</compile_context>

<pallas_src>
import functools

import jax
import jax.numpy as jnp
from jax import lax
from jax.experimental import pallas as pl
from jax.experimental.pallas import tpu as pltpu
from jax.experimental.pallas import tpu_sc as plsc

L = 16
NW = 16
CH = 8000
VCH = CH // L
SBINS = 1024

_GDN = lax.GatherDimensionNumbers(
    offset_dims=(), collapsed_slice_dims=(0,), start_index_map=(0,))


def _vtake(x, i):
    return lax.gather(x, i[:, None], _GDN, (1,),
                      mode=lax.GatherScatterMode.PROMISE_IN_BOUNDS)


def _ind01(x):
    return jnp.minimum(jnp.maximum(x, 0), 1)


def _prefix_sum(x, io):
    for s in (1, 2, 4, 8):
        x = x + _vtake(x, jnp.maximum(io - s, 0)) * _ind01(io - (s - 1))
    return x


def _tree_splat_sum(x, io):
    for s in (1, 2, 4, 8):
        x = x + _vtake(x, jnp.bitwise_xor(io, s))
    return x


def _rsqrt(y):
    r = 1.28 - 0.29 * y
    for _ in range(3):
        r = r * (1.5 - 0.5 * y * r * r)
    return r


def _body(n_sel, t_max, n_pairs_c,
          q_hbm, pair_hbm, d_hbm, asi_hbm, out_hbm,
          ii_v, jj_v, d_v, qi_v, qj_v, val_v, aidx_v, seg_v,
          acc_v, cnt_v, base_v, allcnt_v, shared_cnt, acc_sh,
          sem1, sem2, sem3):
    w = lax.axis_index("s")
    io = lax.iota(jnp.int32, L)
    zf = jnp.zeros((L,), jnp.float32)
    nspl = jnp.full((L,), n_sel, jnp.int32)

    zw = SBINS // NW
    for k in range(zw // L):
        acc_v[pl.ds(k * L, L)] = zf
    pltpu.sync_copy(acc_v.at[pl.ds(0, zw)], acc_sh.at[pl.ds(w * zw, zw)])
    plsc.subcore_barrier()

    def super_body(t, r_glob):
        run01 = jnp.minimum(jnp.maximum(n_sel - r_glob, 0), 1)
        e0 = t * (NW * CH) + w * CH

        def chunk(_, c):
            pltpu.sync_copy(pair_hbm.at[pl.ds(e0, CH)], ii_v)
            pltpu.sync_copy(pair_hbm.at[pl.ds(n_pairs_c + e0, CH)], jj_v)
            cqi = pltpu.async_copy(q_hbm.at[ii_v], qi_v, sem1)
            cqj = pltpu.async_copy(q_hbm.at[jj_v], qj_v, sem2)
            cd = pltpu.async_copy(d_hbm.at[pl.ds(e0, CH)], d_v, sem3)

            cnt_v[...] = jnp.zeros((L,), jnp.int32)

            def p1(k, c1):
                a = ii_v[pl.ds(k * L, L)]
                b = jj_v[pl.ds(k * L, L)]
                cnt_v[...] = cnt_v[...] + _ind01(b - a)
                return c1
            lax.fori_loop(0, VCH, p1, 0)
            cnt_v[...] = _tree_splat_sum(cnt_v[...], io)

            pltpu.sync_copy(cnt_v, shared_cnt.at[pl.ds(w * L, L)])
            plsc.subcore_barrier()
            pltpu.sync_copy(shared_cnt, allcnt_v)
            plsc.subcore_barrier()

            exv = jnp.zeros((L,), jnp.int32)
            tov = jnp.zeros((L,), jnp.int32)
            for v in range(NW):
                row = allcnt_v[pl.ds(v * L, L)]
                exv = exv + row * jnp.minimum(jnp.maximum(w - v, 0), 1)
                tov = tov + row
            mybase = exv[0] + r_glob
            cnt_v[...] = tov

            cqi.wait()
            cqj.wait()
            cd.wait()

            g2 = jnp.minimum(jnp.maximum(n_sel - mybase, 0), 1)
            mb_spl = jnp.full((L,), mybase, jnp.int32)
            base_v[...] = jnp.zeros((L,), jnp.int32)

            def p2(k, c2):
                bv = base_v[...]
                a = ii_v[pl.ds(k * L, L)]
                b = jj_v[pl.ds(k * L, L)]
                dd = d_v[pl.ds(k * L, L)]
                qi = qi_v[pl.ds(k * L, L)]
                qj = qj_v[pl.ds(k * L, L)]
                mi = _ind01(b - a)
                inc = _prefix_sum(mi, io)
                grank = bv + inc - mi + mb_spl
                act = (mi * _ind01(nspl - grank)).astype(jnp.float32)
                dc = jnp.maximum(dd, 1e-35)
                x = dd * 4.0
                poly = 1.0 + x * x * x * (-10.0 + x * (15.0 - 6.0 * x))
                inside = jnp.maximum(jnp.sign(0.25 - dd), 0.0)
                phi = poly * inside
                chi = phi * _rsqrt(dd * dd + 1.0) + (1.0 - phi) / dc
                val_v[pl.ds(k * L, L)] = qi * qj * chi * act
                aidx_v[pl.ds(k * L, L)] = jnp.minimum(grank, nspl - 1)
                base_v[...] = bv + _vtake(inc, jnp.full((L,), L - 1,
                                                        jnp.int32))
                return c2
            lax.fori_loop(0, VCH * g2, p2, 0)

            def dma_out(_, c3):
                pltpu.async_copy(asi_hbm.at[aidx_v], seg_v, sem1).wait()
                pltpu.async_copy(val_v, acc_sh.at[seg_v], sem2,
                                 add=True).wait()
                return c3
            lax.fori_loop(0, g2, dma_out, 0)
            return c

        cnt_v[...] = jnp.zeros((L,), jnp.int32)
        lax.fori_loop(0, run01, chunk, 0)
        return r_glob + cnt_v[...][0]

    lax.fori_loop(0, t_max, super_body, jnp.int32(0))

    plsc.subcore_barrier()
    pltpu.sync_copy(acc_sh, acc_v)
    for k in range(SBINS // L):
        acc_v[pl.ds(k * L, L)] = acc_v[pl.ds(k * L, L)] * 138.96
    pltpu.sync_copy(acc_v, out_hbm)


def kernel(per_atom_charge, d_ij, per_system_energy,
           atomic_subsystem_indices, pair_indices):
    n_atoms = per_atom_charge.shape[0]
    n_pairs = pair_indices.shape[1]
    n_sys = per_system_energy.shape[0]
    assert n_pairs % (NW * CH) == 0
    t_max = n_pairs // (NW * CH)

    q = per_atom_charge.astype(jnp.float32)
    d = d_ij.reshape(n_pairs).astype(jnp.float32)
    pairs = pair_indices.astype(jnp.int32).reshape(2 * n_pairs)
    asi = atomic_subsystem_indices.astype(jnp.int32)

    mesh = plsc.VectorSubcoreMesh(
        core_axis_name="c", subcore_axis_name="s", num_cores=1)
    fn = pl.kernel(
        functools.partial(_body, n_atoms, t_max, n_pairs),
        out_type=jax.ShapeDtypeStruct((SBINS,), jnp.float32),
        mesh=mesh,
        scratch_types=[
            pltpu.VMEM((CH,), jnp.int32),
            pltpu.VMEM((CH,), jnp.int32),
            pltpu.VMEM((CH,), jnp.float32),
            pltpu.VMEM((CH,), jnp.float32),
            pltpu.VMEM((CH,), jnp.float32),
            pltpu.VMEM((CH,), jnp.float32),
            pltpu.VMEM((CH,), jnp.int32),
            pltpu.VMEM((CH,), jnp.int32),
            pltpu.VMEM((SBINS,), jnp.float32),
            pltpu.VMEM((L,), jnp.int32),
            pltpu.VMEM((L,), jnp.int32),
            pltpu.VMEM((NW * L,), jnp.int32),
            pltpu.VMEM_SHARED((NW * L,), jnp.int32),
            pltpu.VMEM_SHARED((SBINS,), jnp.float32),
            pltpu.SemaphoreType.DMA,
            pltpu.SemaphoreType.DMA,
            pltpu.SemaphoreType.DMA,
        ],
    )
    out = fn(q, pairs, d, asi)
    proj = jnp.eye(SBINS, n_sys, dtype=jnp.float32)
    return (out @ proj).astype(per_system_energy.dtype)

# --- scband reference (transcript-rebuilt; emitter-appended) ---
"""Pipeline reference for scband-coulomb-potential-58128087384372 (READ-ONLY COPY).

The authoritative reference and input builder live on the scoring server;
editing this copy changes nothing except your own understanding.
"""

import jax, jax.numpy as jnp
import numpy as np

CUTOFF = 0.5

def attenuation(d):
    x = d / CUTOFF
    phi = 1.0 - 6.0 * x**5 + 15.0 * x**4 - 10.0 * x**3
    return jnp.where(d < CUTOFF, phi, jnp.zeros_like(d))

def setup_inputs(seed: int = 0) -> dict:
    key = jax.random.key(seed)
    N = 100000
    E = 6400000
    S = 1000
    k1, k2, k3, k4 = jax.random.split(key, 4)
    per_atom_charge = jax.random.normal(k1, (N,), dtype=jnp.float32)
    atomic_subsystem_indices = jnp.sort(jax.random.randint(k2, (N,), 0, S, dtype=jnp.int64))
    pair_indices = jax.random.randint(k3, (2, E), 0, N, dtype=jnp.int64)
    d_ij = jax.random.uniform(k4, (E, 1), dtype=jnp.float32)
    per_system_energy = jnp.zeros((S,), dtype=jnp.float32)
    return {
        'per_atom_charge': per_atom_charge,
        'd_ij': d_ij,
        'per_system_energy': per_system_energy,
        'atomic_subsystem_indices': atomic_subsystem_indices,
        'pair_indices': pair_indices,
    }

def reference(per_atom_charge, d_ij, per_system_energy, atomic_subsystem_indices, pair_indices):
    idx_i_all = pair_indices[0]
    idx_j_all = pair_indices[1]
    # unique_pairs_mask = idx_i < idx_j (depends only on int constants)
    mask = idx_i_all < idx_j_all
    # torch scatter_add_(0, mol_indices, src) with index smaller than src only
    # consumes the first index.numel() elements of src -- reproduce faithfully.
    # Only the first min(n, num_selected) selected pairs ever contribute, so a
    # fixed size of n (static) suffices; slots past num_selected are zeroed.
    n = atomic_subsystem_indices.shape[0]
    E = idx_i_all.shape[0]
    sel = jnp.nonzero(mask, size=n, fill_value=E)[0]
    count = jnp.sum(mask)
    valid = jnp.arange(n) < count
    idx_i = idx_i_all[sel]
    idx_j = idx_j_all[sel]
    pd = d_ij[sel]  # (n, 1)
    phi_2r = attenuation(2.0 * pd)
    chi_r = phi_2r * (1.0 / jnp.sqrt(pd**2 + 1.0)) + (1.0 - phi_2r) * (1.0 / pd)
    coulomb = per_atom_charge[idx_i] * per_atom_charge[idx_j] * jnp.squeeze(chi_r, -1)
    src = jnp.where(valid, coulomb, jnp.zeros_like(coulomb))
    energy = jnp.zeros_like(per_system_energy).at[atomic_subsystem_indices].add(src)
    return energy * 138.96

if __name__ == "__main__":
    import jax
    _d = setup_inputs()
    print(jax.jit(kernel)(*tuple(_d.values())))

</pallas_src>

<mosaic_0001>
#map = affine_map<(d0, d1) -> (0)>
module attributes {stable_mosaic.version = 14 : i64} {
  func.func @_body(%arg0: i32, %arg1: i32, %arg2: memref<100000xf32, #tpu.memory_space<hbm>>, %arg3: memref<12800000xi32, #tpu.memory_space<hbm>>, %arg4: memref<6400000xf32, #tpu.memory_space<hbm>>, %arg5: memref<100000xi32, #tpu.memory_space<hbm>>, %arg6: memref<1024xf32, #tpu.memory_space<hbm>>, %arg7: memref<8000xi32, #tpu.memory_space<vmem>>, %arg8: memref<8000xi32, #tpu.memory_space<vmem>>, %arg9: memref<8000xf32, #tpu.memory_space<vmem>>, %arg10: memref<8000xf32, #tpu.memory_space<vmem>>, %arg11: memref<8000xf32, #tpu.memory_space<vmem>>, %arg12: memref<8000xf32, #tpu.memory_space<vmem>>, %arg13: memref<8000xi32, #tpu.memory_space<vmem>>, %arg14: memref<8000xi32, #tpu.memory_space<vmem>>, %arg15: memref<1024xf32, #tpu.memory_space<vmem>>, %arg16: memref<16xi32, #tpu.memory_space<vmem>>, %arg17: memref<16xi32, #tpu.memory_space<vmem>>, %arg18: memref<256xi32, #tpu.memory_space<vmem>>, %arg19: memref<256xi32, #tpu.memory_space<vmem_shared>>, %arg20: memref<1024xf32, #tpu.memory_space<vmem_shared>>, %arg21: memref<!tpu.dma_semaphore, #tpu.memory_space<semaphore_mem>>, %arg22: memref<!tpu.dma_semaphore, #tpu.memory_space<semaphore_mem>>, %arg23: memref<!tpu.dma_semaphore, #tpu.memory_space<semaphore_mem>>) attributes {dimension_semantics = [#tpu.dimension_semantics<core_parallel>, #tpu.dimension_semantics<subcore_parallel>], iteration_bounds = array<i64: 1, 16>, scalar_prefetch = 0 : i64, scratch_operands = 17 : i64, tpu.core_type = #tpu.core_type<sc_vector_subcore>, window_params = [{transform_indices = #map}, {transform_indices = #map}, {transform_indices = #map}, {transform_indices = #map}, {transform_indices = #map}]} {
    %iota3A = tpu.iota {dimensions = array<i32: 0>} : vector<16xi32>
    %broadcast_in_dim3A = arith.constant 0.000000e+00 : f32
    %broadcast_in_dim3A_0 = vector.broadcast %broadcast_in_dim3A : f32 to vector<16xf32>
    %broadcast_in_dim3A_1 = arith.constant 100000 : i32
    %broadcast_in_dim3A_2 = vector.broadcast %broadcast_in_dim3A_1 : i32 to vector<16xi32>
    %swap3A = arith.constant 0 : index
    %swap3A_3 = tpu.vector_load %arg15[%swap3A] {strides = array<i32>} : memref<1024xf32, #tpu.memory_space<vmem>>, vector<16xf32>,
    %swap3A_4 = vector.shape_cast %swap3A_3 : vector<16xf32> to vector<16xf32>
    %swap3A_5 = vector.shape_cast %broadcast_in_dim3A_0 : vector<16xf32> to vector<16xf32>
    tpu.vector_store %arg15[%swap3A], %swap3A_5 {strides = array<i32>} : memref<1024xf32, #tpu.memory_space<vmem>>, vector<16xf32>,
    %swap3A_6 = arith.constant 16 : index
    %swap3A_7 = tpu.vector_load %arg15[%swap3A_6] {strides = array<i32>} : memref<1024xf32, #tpu.memory_space<vmem>>, vector<16xf32>,
    %swap3A_8 = vector.shape_cast %swap3A_7 : vector<16xf32> to vector<16xf32>
    %swap3A_9 = vector.shape_cast %broadcast_in_dim3A_0 : vector<16xf32> to vector<16xf32>
    tpu.vector_store %arg15[%swap3A_6], %swap3A_9 {strides = array<i32>} : memref<1024xf32, #tpu.memory_space<vmem>>, vector<16xf32>,
    %swap3A_10 = arith.constant 32 : index
    %swap3A_11 = tpu.vector_load %arg15[%swap3A_10] {strides = array<i32>} : memref<1024xf32, #tpu.memory_space<vmem>>, vector<16xf32>,
    %swap3A_12 = vector.shape_cast %swap3A_11 : vector<16xf32> to vector<16xf32>
    %swap3A_13 = vector.shape_cast %broadcast_in_dim3A_0 : vector<16xf32> to vector<16xf32>
    tpu.vector_store %arg15[%swap3A_10], %swap3A_13 {strides = array<i32>} : memref<1024xf32, #tpu.memory_space<vmem>>, vector<16xf32>,
    %swap3A_14 = arith.constant 48 : index
    %swap3A_15 = tpu.vector_load %arg15[%swap3A_14] {strides = array<i32>} : memref<1024xf32, #tpu.memory_space<vmem>>, vector<16xf32>,
    %swap3A_16 = vector.shape_cast %swap3A_15 : vector<16xf32> to vector<16xf32>
    %swap3A_17 = vector.shape_cast %broadcast_in_dim3A_0 : vector<16xf32> to vector<16xf32>
    tpu.vector_store %arg15[%swap3A_14], %swap3A_17 {strides = array<i32>} : memref<1024xf32, #tpu.memory_space<vmem>>, vector<16xf32>,
    %mul3A = arith.constant 64 : i32
    %mul3A_18 = arith.muli %arg1, %mul3A : i32
    "tpu.region"() ({
      %run_scoped3A = tpu.sem_alloc : memref<!tpu.dma_semaphore, #tpu.memory_space<semaphore_mem>>
      %dma_start3A = arith.constant 0 : i32
      %dma_start3A_665 = tpu.memref_slice %arg15[%dma_start3A] : memref<1024xf32, #tpu.memory_space<vmem>> -> memref<64xf32, #tpu.memory_space<vmem>>
      %dma_start3A_666 = tpu.memref_slice %arg20[%mul3A_18] : memref<1024xf32, #tpu.memory_space<vmem_shared>> -> memref<64xf32, #tpu.memory_space<vmem_shared>>
      %dma_start3A_667 = tpu.memref_slice %arg20[%mul3A_18] : memref<1024xf32, #tpu.memory_space<vmem_shared>> -> memref<64xf32, #tpu.memory_space<vmem_shared>>
      %dma_start3A_668 = arith.constant 0 : i32
      %dma_start3A_669 = tpu.memref_slice %arg15[%dma_start3A_668] : memref<1024xf32, #tpu.memory_space<vmem>> -> memref<64xf32, #tpu.memory_space<vmem>>
      tpu.enqueue_dma source(%dma_start3A_669 : memref<64xf32, #tpu.memory_space<vmem>>) target(%dma_start3A_667 : memref<64xf32, #tpu.memory_space<vmem_shared>>) target_semaphore(%run_scoped3A : memref<!tpu.dma_semaphore, #tpu.memory_space<semaphore_mem>>)
      %dma_wait3A = arith.constant 0 : i32
      %dma_wait3A_670 = tpu.memref_slice %arg15[%dma_wait3A] : memref<1024xf32, #tpu.memory_space<vmem>> -> memref<64xf32, #tpu.memory_space<vmem>>
      %dma_wait3A_671 = tpu.memref_slice %arg20[%mul3A_18] : memref<1024xf32, #tpu.memory_space<vmem_shared>> -> memref<64xf32, #tpu.memory_space<vmem_shared>>
      %dma_wait3A_672 = tpu.memref_slice %arg20[%mul3A_18] : memref<1024xf32, #tpu.memory_space<vmem_shared>> -> memref<64xf32, #tpu.memory_space<vmem_shared>>
      %dma_wait3A_673 = arith.constant 0 : i32
      %dma_wait3A_674 = tpu.memref_slice %arg15[%dma_wait3A_673] : memref<1024xf32, #tpu.memory_space<vmem>> -> memref<64xf32, #tpu.memory_space<vmem>>
      tpu.wait_dma2 semaphore(%run_scoped3A : memref<!tpu.dma_semaphore, #tpu.memory_space<semaphore_mem>>) src(%dma_wait3A_674 : memref<64xf32, #tpu.memory_space<vmem>>) dst(%dma_wait3A_672 : memref<64xf32, #tpu.memory_space<vmem_shared>>)
      tpu.yield
    }) : () -> ()
    %barrier3A = arith.constant 0 : index
    tpu.barrier barrier_id(%barrier3A)
    %scan3A = arith.constant 0 : i32
    %scan3A_19 = arith.constant 0 : i32
    %scan3A_20 = arith.constant 50 : i32
    %scan3A_21 = arith.addi %scan3A_19, %scan3A_20 : i32
    %scan3A_22 = arith.constant 1 : i32
    %scan3A_23 = scf.for %scan3A_665 = %scan3A_19 to %scan3A_21 step %scan3A_22 iter_args(%scan3A_666 = %scan3A) -> (i32)  : i32 {
      %sub3A = arith.constant 100000 : i32
      %sub3A_667 = arith.subi %sub3A, %scan3A_666 : i32
      %max3A = arith.constant 0 : i32
      %max3A_668 = arith.maxsi %sub3A_667, %max3A : i32
      %min3A = arith.constant 1 : i32
      %min3A_669 = arith.minsi %max3A_668, %min3A : i32
      %mul3A_670 = arith.constant 128000 : i32
      %mul3A_671 = arith.muli %scan3A_665, %mul3A_670 : i32
      %mul3A_672 = arith.constant 8000 : i32
      %mul3A_673 = arith.muli %arg1, %mul3A_672 : i32
      %add3A = arith.addi %mul3A_671, %mul3A_673 : i32
      %broadcast_in_dim3A_674 = arith.constant 0 : i32
      %broadcast_in_dim3A_675 = vector.broadcast %broadcast_in_dim3A_674 : i32 to vector<16xi32>
      %swap3A_676 = arith.constant 0 : index
      %swap3A_677 = tpu.vector_load %arg16[%swap3A_676] {strides = array<i32>} : memref<16xi32, #tpu.memory_space<vmem>>, vector<16xi32>,
      %swap3A_678 = vector.shape_cast %swap3A_677 : vector<16xi32> to vector<16xi32>
      %swap3A_679 = vector.shape_cast %broadcast_in_dim3A_675 : vector<16xi32> to vector<16xi32>
      tpu.vector_store %arg16[%swap3A_676], %swap3A_679 {strides = array<i32>} : memref<16xi32, #tpu.memory_space<vmem>>, vector<16xi32>,
      %while3A = arith.constant 0 : i32
      %while3A_680 = arith.constant 0 : i32
      %while3A_681 = arith.subi %min3A_669, %while3A_680 : i32
      %while3A_682 = arith.addi %while3A_680, %while3A_681 : i32
      %while3A_683 = arith.constant 1 : i32
      %while3A_684 = arith.divsi %while3A_681, %while3A_683 : i32
      %while3A_685 = arith.muli %while3A_684, %while3A_683 : i32
      %while3A_686 = arith.addi %while3A_680, %while3A_685 : i32
      %while3A_687 = arith.constant 1 : i32
      scf.for %while3A_693 = %while3A_680 to %while3A_686 step %while3A_687  : i32 {
        "tpu.region"() ({
          %run_scoped3A = tpu.sem_alloc : memref<!tpu.dma_semaphore, #tpu.memory_space<semaphore_mem>>
          %dma_start3A_1009 = tpu.memref_slice %arg3[%add3A] : memref<12800000xi32, #tpu.memory_space<hbm>> -> memref<8000xi32, #tpu.memory_space<hbm>>
          %dma_start3A_1010 = tpu.memref_slice %arg3[%add3A] : memref<12800000xi32, #tpu.memory_space<hbm>> -> memref<8000xi32, #tpu.memory_space<hbm>>
          tpu.enqueue_dma source(%dma_start3A_1010 : memref<8000xi32, #tpu.memory_space<hbm>>) target(%arg7 : memref<8000xi32, #tpu.memory_space<vmem>>) target_semaphore(%run_scoped3A : memref<!tpu.dma_semaphore, #tpu.memory_space<semaphore_mem>>)
          %dma_wait3A_1011 = tpu.memref_slice %arg3[%add3A] : memref<12800000xi32, #tpu.memory_space<hbm>> -> memref<8000xi32, #tpu.memory_space<hbm>>
          %dma_wait3A_1012 = tpu.memref_slice %arg3[%add3A] : memref<12800000xi32, #tpu.memory_space<hbm>> -> memref<8000xi32, #tpu.memory_space<hbm>>
          tpu.wait_dma2 semaphore(%run_scoped3A : memref<!tpu.dma_semaphore, #tpu.memory_space<semaphore_mem>>) src(%dma_wait3A_1012 : memref<8000xi32, #tpu.memory_space<hbm>>) dst(%arg7 : memref<8000xi32, #tpu.memory_space<vmem>>)
          tpu.yield
        }) : () -> ()
        %add3A_694 = arith.constant 6400000 : i32
        %add3A_695 = arith.addi %add3A_694, %add3A : i32
        "tpu.region"() ({
          %run_scoped3A = tpu.sem_alloc : memref<!tpu.dma_semaphore, #tpu.memory_space<semaphore_mem>>
          %dma_start3A_1009 = tpu.memref_slice %arg3[%add3A_695] : memref<12800000xi32, #tpu.memory_space<hbm>> -> memref<8000xi32, #tpu.memory_space<hbm>>
          %dma_start3A_1010 = tpu.memref_slice %arg3[%add3A_695] : memref<12800000xi32, #tpu.memory_space<hbm>> -> memref<8000xi32, #tpu.memory_space<hbm>>
          tpu.enqueue_dma source(%dma_start3A_1010 : memref<8000xi32, #tpu.memory_space<hbm>>) target(%arg8 : memref<8000xi32, #tpu.memory_space<vmem>>) target_semaphore(%run_scoped3A : memref<!tpu.dma_semaphore, #tpu.memory_space<semaphore_mem>>)
          %dma_wait3A_1011 = tpu.memref_slice %arg3[%add3A_695] : memref<12800000xi32, #tpu.memory_space<hbm>> -> memref<8000xi32, #tpu.memory_space<hbm>>
          %dma_wait3A_1012 = tpu.memref_slice %arg3[%add3A_695] : memref<12800000xi32, #tpu.memory_space<hbm>> -> memref<8000xi32, #tpu.memory_space<hbm>>
          tpu.wait_dma2 semaphore(%run_scoped3A : memref<!tpu.dma_semaphore, #tpu.memory_space<semaphore_mem>>) src(%dma_wait3A_1012 : memref<8000xi32, #tpu.memory_space<hbm>>) dst(%arg8 : memref<8000xi32, #tpu.memory_space<vmem>>)
          tpu.yield
        }) : () -> ()
        %dma_start3A = arith.constant 0 : i32
        %dma_start3A_696 = tpu.memref_slice %arg2[%dma_start3A] : memref<100000xf32, #tpu.memory_space<hbm>> -> memref<100000xf32, #tpu.memory_space<hbm>>
        tpu.enqueue_indirect_dma source(%dma_start3A_696 : memref<100000xf32, #tpu.memory_space<hbm>>) target(%arg10 : memref<8000xf32, #tpu.memory_space<vmem>>) offsets(%arg7 : memref<8000xi32, #tpu.memory_space<vmem>>) semaphore(%arg21 : memref<!tpu.dma_semaphore, #tpu.memory_space<semaphore_mem>>)
        %dma_start3A_697 = arith.constant 0 : i32
        %dma_start3A_698 = tpu.memref_slice %arg2[%dma_start3A_697] : memref<100000xf32, #tpu.memory_space<hbm>> -> memref<100000xf32, #tpu.memory_space<hbm>>
        tpu.enqueue_indirect_dma source(%dma_start3A_698 : memref<100000xf32, #tpu.memory_space<hbm>>) target(%arg11 : memref<8000xf32, #tpu.memory_space<vmem>>) offsets(%arg8 : memref<8000xi32, #tpu.memory_space<vmem>>) semaphore(%arg22 : memref<!tpu.dma_semaphore, #tpu.memory_space<semaphore_mem>>)
        %dma_start3A_699 = tpu.memref_slice %arg4[%add3A] : memref<6400000xf32, #tpu.memory_space<hbm>> -> memref<8000xf32, #tpu.memory_space<hbm>>
        %dma_start3A_700 = tpu.memref_slice %arg4[%add3A] : memref<6400000xf32, #tpu.memory_space<hbm>> -> memref<8000xf32, #tpu.memory_space<hbm>>
        tpu.enqueue_dma source(%dma_start3A_700 : memref<8000xf32, #tpu.memory_space<hbm>>) target(%arg9 : memref<8000xf32, #tpu.memory_space<vmem>>) target_semaphore(%arg23 : memref<!tpu.dma_semaphore, #tpu.memory_space<semaphore_mem>>)
        %broadcast_in_dim3A_701 = arith.constant 0 : i32
        %broadcast_in_dim3A_702 = vector.broadcast %broadcast_in_dim3A_701 : i32 to vector<16xi32>
        %swap3A_703 = arith.constant 0 : index
        %swap3A_704 = tpu.vector_load %arg16[%swap3A_703] {strides = array<i32>} : memref<16xi32, #tpu.memory_space<vmem>>, vector<16xi32>,
        %swap3A_705 = vector.shape_cast %swap3A_704 : vector<16xi32> to vector<16xi32>
        %swap3A_706 = vector.shape_cast %broadcast_in_dim3A_702 : vector<16xi32> to vector<16xi32>
        tpu.vector_store %arg16[%swap3A_703], %swap3A_706 {strides = array<i32>} : memref<16xi32, #tpu.memory_space<vmem>>, vector<16xi32>,
        %scan3A_707 = arith.constant 0 : i32
        %scan3A_708 = arith.constant 0 : i32
        %scan3A_709 = arith.constant 500 : i32
        %scan3A_710 = arith.addi %scan3A_708, %scan3A_709 : i32
        %scan3A_711 = arith.constant 1 : i32
        scf.for %scan3A_1009 = %scan3A_708 to %scan3A_710 step %scan3A_711  : i32 {
          %mul3A_1010 = arith.constant 16 : i32
          %mul3A_1011 = arith.muli %scan3A_1009, %mul3A_1010 : i32
          %get3A_1012 = arith.index_cast %mul3A_1011 : i32 to index
          %get3A_1013 = tpu.vector_load %arg7[%get3A_1012] {strides = array<i32>} : memref<8000xi32, #tpu.memory_space<vmem>>, vector<16xi32>,
          %get3A_1014 = vector.shape_cast %get3A_1013 : vector<16xi32> to vector<16xi32>
          %mul3A_1015 = arith.constant 16 : i32
          %mul3A_1016 = arith.muli %scan3A_1009, %mul3A_1015 : i32
          %get3A_1017 = arith.index_cast %mul3A_1016 : i32 to index
          %get3A_1018 = tpu.vector_load %arg8[%get3A_1017] {strides = array<i32>} : memref<8000xi32, #tpu.memory_space<vmem>>, vector<16xi32>,
          %get3A_1019 = vector.shape_cast %get3A_1018 : vector<16xi32> to vector<16xi32>
          %get3A_1020 = arith.constant 0 : index
          %get3A_1021 = tpu.vector_load %arg16[%get3A_1020] {strides = array<i32>} : memref<16xi32, #tpu.memory_space<vmem>>, vector<16xi32>,
          %get3A_1022 = vector.shape_cast %get3A_1021 : vector<16xi32> to vector<16xi32>
          %sub3A_1023 = arith.subi %get3A_1019, %get3A_1014 : vector<16xi32>
          %max3A_1024 = arith.constant 0 : i32
          %max3A_1025 = vector.broadcast %max3A_1024 : i32 to vector<16xi32>
          %max3A_1026 = arith.maxsi %sub3A_1023, %max3A_1025 : vector<16xi32>
          %min3A_1027 = arith.constant 1 : i32
          %min3A_1028 = vector.broadcast %min3A_1027 : i32 to vector<16xi32>
          %min3A_1029 = arith.minsi %max3A_1026, %min3A_1028 : vector<16xi32>
          %add3A_1030 = arith.addi %get3A_1022, %min3A_1029 : vector<16xi32>
          %swap3A_1031 = arith.constant 0 : index
          %swap3A_1032 = tpu.vector_load %arg16[%swap3A_1031] {strides = array<i32>} : memref<16xi32, #tpu.memory_space<vmem>>, vector<16xi32>,
          %swap3A_1033 = vector.shape_cast %swap3A_1032 : vector<16xi32> to vector<16xi32>
          %swap3A_1034 = vector.shape_cast %add3A_1030 : vector<16xi32> to vector<16xi32>
          tpu.vector_store %arg16[%swap3A_1031], %swap3A_1034 {strides = array<i32>} : memref<16xi32, #tpu.memory_space<vmem>>, vector<16xi32>,
        }
        %scan3A_712 = arith.constant 500 : i32
        %get3A_713 = arith.constant 0 : index
        %get3A_714 = tpu.vector_load %arg16[%get3A_713] {strides = array<i32>} : memref<16xi32, #tpu.memory_space<vmem>>, vector<16xi32>,
        %get3A_715 = vector.shape_cast %get3A_714 : vector<16xi32> to vector<16xi32>
        %xor3A = arith.constant 1 : i32
        %xor3A_716 = vector.broadcast %xor3A : i32 to vector<16xi32>
        %xor3A_717 = arith.xori %iota3A, %xor3A_716 : vector<16xi32>
        %broadcast_in_dim3A_718 = vector.shape_cast %xor3A_717 : vector<16xi32> to vector<16x1xi32>
        %gather3A = vector.shape_cast %broadcast_in_dim3A_718 : vector<16x1xi32> to vector<16xi32>
        %gather3A_719 = tpu.dynamic_gather %get3A_715[%gather3A] in [0] : vector<16xi32>, vector<16xi32> -> vector<16xi32>
        %add3A_720 = arith.addi %get3A_715, %gather3A_719 : vector<16xi32>
        %xor3A_721 = arith.constant 2 : i32
        %xor3A_722 = vector.broadcast %xor3A_721 : i32 to vector<16xi32>
        %xor3A_723 = arith.xori %iota3A, %xor3A_722 : vector<16xi32>
        %broadcast_in_dim3A_724 = vector.shape_cast %xor3A_723 : vector<16xi32> to vector<16x1xi32>
        %gather3A_725 = vector.shape_cast %broadcast_in_dim3A_724 : vector<16x1xi32> to vector<16xi32>
        %gather3A_726 = tpu.dynamic_gather %add3A_720[%gather3A_725] in [0] : vector<16xi32>, vector<16xi32> -> vector<16xi32>
        %add3A_727 = arith.addi %add3A_720, %gather3A_726 : vector<16xi32>
        %xor3A_728 = arith.constant 4 : i32
        %xor3A_729 = vector.broadcast %xor3A_728 : i32 to vector<16xi32>
        %xor3A_730 = arith.xori %iota3A, %xor3A_729 : vector<16xi32>
        %broadcast_in_dim3A_731 = vector.shape_cast %xor3A_730 : vector<16xi32> to vector<16x1xi32>
        %gather3A_732 = vector.shape_cast %broadcast_in_dim3A_731 : vector<16x1xi32> to vector<16xi32>
        %gather3A_733 = tpu.dynamic_gather %add3A_727[%gather3A_732] in [0] : vector<16xi32>, vector<16xi32> -> vector<16xi32>
        %add3A_734 = arith.addi %add3A_727, %gather3A_733 : vector<16xi32>
        %xor3A_735 = arith.constant 8 : i32
        %xor3A_736 = vector.broadcast %xor3A_735 : i32 to vector<16xi32>
        %xor3A_737 = arith.xori %iota3A, %xor3A_736 : vector<16xi32>
        %broadcast_in_dim3A_738 = vector.shape_cast %xor3A_737 : vector<16xi32> to vector<16x1xi32>
        %gather3A_739 = vector.shape_cast %broadcast_in_dim3A_738 : vector<16x1xi32> to vector<16xi32>
        %gather3A_740 = tpu.dynamic_gather %add3A_734[%gather3A_739] in [0] : vector<16xi32>, vector<16xi32> -> vector<16xi32>
        %add3A_741 = arith.addi %add3A_734, %gather3A_740 : vector<16xi32>
        %swap3A_742 = arith.constant 0 : index
        %swap3A_743 = tpu.vector_load %arg16[%swap3A_742] {strides = array<i32>} : memref<16xi32, #tpu.memory_space<vmem>>, vector<16xi32>,
        %swap3A_744 = vector.shape_cast %swap3A_743 : vector<16xi32> to vector<16xi32>
        %swap3A_745 = vector.shape_cast %add3A_741 : vector<16xi32> to vector<16xi32>
        tpu.vector_store %arg16[%swap3A_742], %swap3A_745 {strides = array<i32>} : memref<16xi32, #tpu.memory_space<vmem>>, vector<16xi32>,
        %mul3A_746 = arith.constant 16 : i32
        %mul3A_747 = arith.muli %arg1, %mul3A_746 : i32
        "tpu.region"() ({
          %run_scoped3A = tpu.sem_alloc : memref<!tpu.dma_semaphore, #tpu.memory_space<semaphore_mem>>
          %dma_start3A_1009 = tpu.memref_slice %arg19[%mul3A_747] : memref<256xi32, #tpu.memory_space<vmem_shared>> -> memref<16xi32, #tpu.memory_space<vmem_shared>>
          %dma_start3A_1010 = tpu.memref_slice %arg19[%mul3A_747] : memref<256xi32, #tpu.memory_space<vmem_shared>> -> memref<16xi32, #tpu.memory_space<vmem_shared>>
          tpu.enqueue_dma source(%arg16 : memref<16xi32, #tpu.memory_space<vmem>>) target(%dma_start3A_1010 : memref<16xi32, #tpu.memory_space<vmem_shared>>) target_semaphore(%run_scoped3A : memref<!tpu.dma_semaphore, #tpu.memory_space<semaphore_mem>>)
          %dma_wait3A_1011 = tpu.memref_slice %arg19[%mul3A_747] : memref<256xi32, #tpu.memory_space<vmem_shared>> -> memref<16xi32, #tpu.memory_space<vmem_shared>>
          %dma_wait3A_1012 = tpu.memref_slice %arg19[%mul3A_747] : memref<256xi32, #tpu.memory_space<vmem_shared>> -> memref<16xi32, #tpu.memory_space<vmem_shared>>
          tpu.wait_dma2 semaphore(%run_scoped3A : memref<!tpu.dma_semaphore, #tpu.memory_space<semaphore_mem>>) src(%arg16 : memref<16xi32, #tpu.memory_space<vmem>>) dst(%dma_wait3A_1012 : memref<16xi32, #tpu.memory_space<vmem_shared>>)
          tpu.yield
        }) : () -> ()
        %barrier3A_748 = arith.constant 0 : index
        tpu.barrier barrier_id(%barrier3A_748)
        "tpu.region"() ({
          %run_scoped3A = tpu.sem_alloc : memref<!tpu.dma_semaphore, #tpu.memory_space<semaphore_mem>>
          tpu.enqueue_dma source(%arg19 : memref<256xi32, #tpu.memory_space<vmem_shared>>) target(%arg18 : memref<256xi32, #tpu.memory_space<vmem>>) target_semaphore(%run_scoped3A : memref<!tpu.dma_semaphore, #tpu.memory_space<semaphore_mem>>)
          tpu.wait_dma2 semaphore(%run_scoped3A : memref<!tpu.dma_semaphore, #tpu.memory_space<semaphore_mem>>) src(%arg19 : memref<256xi32, #tpu.memory_space<vmem_shared>>) dst(%arg18 : memref<256xi32, #tpu.memory_space<vmem>>)
          tpu.yield
        }) : () -> ()
        %barrier3A_749 = arith.constant 0 : index
        tpu.barrier barrier_id(%barrier3A_749)
        %broadcast_in_dim3A_750 = arith.constant 0 : i32
        %broadcast_in_dim3A_751 = vector.broadcast %broadcast_in_dim3A_750 : i32 to vector<16xi32>
        %broadcast_in_dim3A_752 = arith.constant 0 : i32
        %broadcast_in_dim3A_753 = vector.broadcast %broadcast_in_dim3A_752 : i32 to vector<16xi32>
        %get3A_754 = arith.constant 0 : index
        %get3A_755 = tpu.vector_load %arg18[%get3A_754] {strides = array<i32>} : memref<256xi32, #tpu.memory_space<vmem>>, vector<16xi32>,
        %get3A_756 = vector.shape_cast %get3A_755 : vector<16xi32> to vector<16xi32>
        %sub3A_757 = arith.constant 0 : i32
        %sub3A_758 = arith.subi %arg1, %sub3A_757 : i32
        %max3A_759 = arith.constant 0 : i32
        %max3A_760 = arith.maxsi %sub3A_758, %max3A_759 : i32
        %min3A_761 = arith.constant 1 : i32
        %min3A_762 = arith.minsi %max3A_760, %min3A_761 : i32
        %mul3A_763 = vector.broadcast %min3A_762 : i32 to vector<16xi32>
        %mul3A_764 = arith.muli %get3A_756, %mul3A_763 : vector<16xi32>
        %add3A_765 = arith.addi %broadcast_in_dim3A_751, %mul3A_764 : vector<16xi32>
        %add3A_766 = arith.addi %broadcast_in_dim3A_753, %get3A_756 : vector<16xi32>
        %get3A_767 = arith.constant 16 : index
        %get3A_768 = tpu.vector_load %arg18[%get3A_767] {strides = array<i32>} : memref<256xi32, #tpu.memory_space<vmem>>, vector<16xi32>,
        %get3A_769 = vector.shape_cast %get3A_768 : vector<16xi32> to vector<16xi32>
        %sub3A_770 = arith.constant 1 : i32
        %sub3A_771 = arith.subi %arg1, %sub3A_770 : i32
        %max3A_772 = arith.constant 0 : i32
        %max3A_773 = arith.maxsi %sub3A_771, %max3A_772 : i32
        %min3A_774 = arith.constant 1 : i32
        %min3A_775 = arith.minsi %max3A_773, %min3A_774 : i32
        %mul3A_776 = vector.broadcast %min3A_775 : i32 to vector<16xi32>
        %mul3A_777 = arith.muli %get3A_769, %mul3A_776 : vector<16xi32>
        %add3A_778 = arith.addi %add3A_765, %mul3A_777 : vector<16xi32>
        %add3A_779 = arith.addi %add3A_766, %get3A_769 : vector<16xi32>
        %get3A_780 = arith.constant 32 : index
        %get3A_781 = tpu.vector_load %arg18[%get3A_780] {strides = array<i32>} : memref<256xi32, #tpu.memory_space<vmem>>, vector<16xi32>,
        %get3A_782 = vector.shape_cast %get3A_781 : vector<16xi32> to vector<16xi32>
        %sub3A_783 = arith.constant 2 : i32
        %sub3A_784 = arith.subi %arg1, %sub3A_783 : i32
        %max3A_785 = arith.constant 0 : i32
        %max3A_786 = arith.maxsi %sub3A_784, %max3A_785 : i32
        %min3A_787 = arith.constant 1 : i32
        %min3A_788 = arith.minsi %max3A_786, %min3A_787 : i32
        %mul3A_789 = vector.broadcast %min3A_788 : i32 to vector<16xi32>
        %mul3A_790 = arith.muli %get3A_782, %mul3A_789 : vector<16xi32>
        %add3A_791 = arith.addi %add3A_778, %mul3A_790 : vector<16xi32>
        %add3A_792 = arith.addi %add3A_779, %get3A_782 : vector<16xi32>
        %get3A_793 = arith.constant 48 : index
        %get3A_794 = tpu.vector_load %arg18[%get3A_793] {strides = array<i32>} : memref<256xi32, #tpu.memory_space<vmem>>, vector<16xi32>,
        %get3A_795 = vector.shape_cast %get3A_794 : vector<16xi32> to vector<16xi32>
        %sub3A_796 = arith.constant 3 : i32
        %sub3A_797 = arith.subi %arg1, %sub3A_796 : i32
        %max3A_798 = arith.constant 0 : i32
        %max3A_799 = arith.maxsi %sub3A_797, %max3A_798 : i32
        %min3A_800 = arith.constant 1 : i32
        %min3A_801 = arith.minsi %max3A_799, %min3A_800 : i32
        %mul3A_802 = vector.broadcast %min3A_801 : i32 to vector<16xi32>
        %mul3A_803 = arith.muli %get3A_795, %mul3A_802 : vector<16xi32>
        %add3A_804 = arith.addi %add3A_791, %mul3A_803 : vector<16xi32>
        %add3A_805 = arith.addi %add3A_792, %get3A_795 : vector<16xi32>
        %get3A_806 = arith.constant 64 : index
        %get3A_807 = tpu.vector_load %arg18[%get3A_806] {strides = array<i32>} : memref<256xi32, #tpu.memory_space<vmem>>, vector<16xi32>,
        %get3A_808 = vector.shape_cast %get3A_807 : vector<16xi32> to vector<16xi32>
        %sub3A_809 = arith.constant 4 : i32
        %sub3A_810 = arith.subi %arg1, %sub3A_809 : i32
        %max3A_811 = arith.constant 0 : i32
        %max3A_812 = arith.maxsi %sub3A_810, %max3A_811 : i32
        %min3A_813 = arith.constant 1 : i32
        %min3A_814 = arith.minsi %max3A_812, %min3A_813 : i32
        %mul3A_815 = vector.broadcast %min3A_814 : i32 to vector<16xi32>
        %mul3A_816 = arith.muli %get3A_808, %mul3A_815 : vector<16xi32>
        %add3A_817 = arith.addi %add3A_804, %mul3A_816 : vector<16xi32>
        %add3A_818 = arith.addi %add3A_805, %get3A_808 : vector<16xi32>
        %get3A_819 = arith.constant 80 : index
        %get3A_820 = tpu.vector_load %arg18[%get3A_819] {strides = array<i32>} : memref<256xi32, #tpu.memory_space<vmem>>, vector<16xi32>,
        %get3A_821 = vector.shape_cast %get3A_820 : vector<16xi32> to vector<16xi32>
        %sub3A_822 = arith.constant 5 : i32
        %sub3A_823 = arith.subi %arg1, %sub3A_822 : i32
        %max3A_824 = arith.constant 0 : i32
        %max3A_825 = arith.maxsi %sub3A_823, %max3A_824 : i32
        %min3A_826 = arith.constant 1 : i32
        %min3A_827 = arith.minsi %max3A_825, %min3A_826 : i32
        %mul3A_828 = vector.broadcast %min3A_827 : i32 to vector<16xi32>
        %mul3A_829 = arith.muli %get3A_821, %mul3A_828 : vector<16xi32>
        %add3A_830 = arith.addi %add3A_817, %mul3A_829 : vector<16xi32>
        %add3A_831 = arith.addi %add3A_818, %get3A_821 : vector<16xi32>
        %get3A_832 = arith.constant 96 : index
        %get3A_833 = tpu.vector_load %arg18[%get3A_832] {strides = array<i32>} : memref<256xi32, #tpu.memory_space<vmem>>, vector<16xi32>,
        %get3A_834 = vector.shape_cast %get3A_833 : vector<16xi32> to vector<16xi32>
        %sub3A_835 = arith.constant 6 : i32
        %sub3A_836 = arith.subi %arg1, %sub3A_835 : i32
        %max3A_837 = arith.constant 0 : i32
        %max3A_838 = arith.maxsi %sub3A_836, %max3A_837 : i32
        %min3A_839 = arith.constant 1 : i32
        %min3A_840 = arith.minsi %max3A_838, %min3A_839 : i32
        %mul3A_841 = vector.broadcast %min3A_840 : i32 to vector<16xi32>
        %mul3A_842 = arith.muli %get3A_834, %mul3A_841 : vector<16xi32>
        %add3A_843 = arith.addi %add3A_830, %mul3A_842 : vector<16xi32>
        %add3A_844 = arith.addi %add3A_831, %get3A_834 : vector<16xi32>
        %get3A_845 = arith.constant 112 : index
        %get3A_846 = tpu.vector_load %arg18[%get3A_845] {strides = array<i32>} : memref<256xi32, #tpu.memory_space<vmem>>, vector<16xi32>,
        %get3A_847 = vector.shape_cast %get3A_846 : vector<16xi32> to vector<16xi32>
        %sub3A_848 = arith.constant 7 : i32
        %sub3A_849 = arith.subi %arg1, %sub3A_848 : i32
        %max3A_850 = arith.constant 0 : i32
        %max3A_851 = arith.maxsi %sub3A_849, %max3A_850 : i32
        %min3A_852 = arith.constant 1 : i32
        %min3A_853 = arith.minsi %max3A_851, %min3A_852 : i32
        %mul3A_854 = vector.broadcast %min3A_853 : i32 to vector<16xi32>
        %mul3A_855 = arith.muli %get3A_847, %mul3A_854 : vector<16xi32>
        %add3A_856 = arith.addi %add3A_843, %mul3A_855 : vector<16xi32>
        %add3A_857 = arith.addi %add3A_844, %get3A_847 : vector<16xi32>
        %get3A_858 = arith.constant 128 : index
        %get3A_859 = tpu.vector_load %arg18[%get3A_858] {strides = array<i32>} : memref<256xi32, #tpu.memory_space<vmem>>, vector<16xi32>,
        %get3A_860 = vector.shape_cast %get3A_859 : vector<16xi32> to vector<16xi32>
        %sub3A_861 = arith.constant 8 : i32
        %sub3A_862 = arith.subi %arg1, %sub3A_861 : i32
        %max3A_863 = arith.constant 0 : i32
        %max3A_864 = arith.maxsi %sub3A_862, %max3A_863 : i32
        %min3A_865 = arith.constant 1 : i32
        %min3A_866 = arith.minsi %max3A_864, %min3A_865 : i32
        %mul3A_867 = vector.broadcast %min3A_866 : i32 to vector<16xi32>
        %mul3A_868 = arith.muli %get3A_860, %mul3A_867 : vector<16xi32>
        %add3A_869 = arith.addi %add3A_856, %mul3A_868 : vector<16xi32>
        %add3A_870 = arith.addi %add3A_857, %get3A_860 : vector<16xi32>
        %get3A_871 = arith.constant 144 : index
        %get3A_872 = tpu.vector_load %arg18[%get3A_871] {strides = array<i32>} : memref<256xi32, #tpu.memory_space<vmem>>, vector<16xi32>,
        %get3A_873 = vector.shape_cast %get3A_872 : vector<16xi32> to vector<16xi32>
        %sub3A_874 = arith.constant 9 : i32
        %sub3A_875 = arith.subi %arg1, %sub3A_874 : i32
        %max3A_876 = arith.constant 0 : i32
        %max3A_877 = arith.maxsi %sub3A_875, %max3A_876 : i32
        %min3A_878 = arith.constant 1 : i32
        %min3A_879 = arith.minsi %max3A_877, %min3A_878 : i32
        %mul3A_880 = vector.broadcast %min3A_879 : i32 to vector<16xi32>
        %mul3A_881 = arith.muli %get3A_873, %mul3A_880 : vector<16xi32>
        %add3A_882 = arith.addi %add3A_869, %mul3A_881 : vector<16xi32>
        %add3A_883 = arith.addi %add3A_870, %get3A_873 : vector<16xi32>
        %get3A_884 = arith.constant 160 : index
        %get3A_885 = tpu.vector_load %arg18[%get3A_884] {strides = array<i32>} : memref<256xi32, #tpu.memory_space<vmem>>, vector<16xi32>,
        %get3A_886 = vector.shape_cast %get3A_885 : vector<16xi32> to vector<16xi32>
        %sub3A_887 = arith.constant 10 : i32
        %sub3A_888 = arith.subi %arg1, %sub3A_887 : i32
        %max3A_889 = arith.constant 0 : i32
        %max3A_890 = arith.maxsi %sub3A_888, %max3A_889 : i32
        %min3A_891 = arith.constant 1 : i32
        %min3A_892 = arith.minsi %max3A_890, %min3A_891 : i32
        %mul3A_893 = vector.broadcast %min3A_892 : i32 to vector<16xi32>
        %mul3A_894 = arith.muli %get3A_886, %mul3A_893 : vector<16xi32>
        %add3A_895 = arith.addi %add3A_882, %mul3A_894 : vector<16xi32>
        %add3A_896 = arith.addi %add3A_883, %get3A_886 : vector<16xi32>
        %get3A_897 = arith.constant 176 : index
        %get3A_898 = tpu.vector_load %arg18[%get3A_897] {strides = array<i32>} : memref<256xi32, #tpu.memory_space<vmem>>, vector<16xi32>,
        %get3A_899 = vector.shape_cast %get3A_898 : vector<16xi32> to vector<16xi32>
        %sub3A_900 = arith.constant 11 : i32
        %sub3A_901 = arith.subi %arg1, %sub3A_900 : i32
        %max3A_902 = arith.constant 0 : i32
        %max3A_903 = arith.maxsi %sub3A_901, %max3A_902 : i32
        %min3A_904 = arith.constant 1 : i32
        %min3A_905 = arith.minsi %max3A_903, %min3A_904 : i32
        %mul3A_906 = vector.broadcast %min3A_905 : i32 to vector<16xi32>
        %mul3A_907 = arith.muli %get3A_899, %mul3A_906 : vector<16xi32>
        %add3A_908 = arith.addi %add3A_895, %mul3A_907 : vector<16xi32>
        %add3A_909 = arith.addi %add3A_896, %get3A_899 : vector<16xi32>
        %get3A_910 = arith.constant 192 : index
        %get3A_911 = tpu.vector_load %arg18[%get3A_910] {strides = array<i32>} : memref<256xi32, #tpu.memory_space<vmem>>, vector<16xi32>,
        %get3A_912 = vector.shape_cast %get3A_911 : vector<16xi32> to vector<16xi32>
        %sub3A_913 = arith.constant 12 : i32
        %sub3A_914 = arith.subi %arg1, %sub3A_913 : i32
        %max3A_915 = arith.constant 0 : i32
        %max3A_916 = arith.maxsi %sub3A_914, %max3A_915 : i32
        %min3A_917 = arith.constant 1 : i32
        %min3A_918 = arith.minsi %max3A_916, %min3A_917 : i32
        %mul3A_919 = vector.broadcast %min3A_918 : i32 to vector<16xi32>
        %mul3A_920 = arith.muli %get3A_912, %mul3A_919 : vector<16xi32>
        %add3A_921 = arith.addi %add3A_908, %mul3A_920 : vector<16xi32>
        %add3A_922 = arith.addi %add3A_909, %get3A_912 : vector<16xi32>
        %get3A_923 = arith.constant 208 : index
        %get3A_924 = tpu.vector_load %arg18[%get3A_923] {strides = array<i32>} : memref<256xi32, #tpu.memory_space<vmem>>, vector<16xi32>,
        %get3A_925 = vector.shape_cast %get3A_924 : vector<16xi32> to vector<16xi32>
        %sub3A_926 = arith.constant 13 : i32
        %sub3A_927 = arith.subi %arg1, %sub3A_926 : i32
        %max3A_928 = arith.constant 0 : i32
        %max3A_929 = arith.maxsi %sub3A_927, %max3A_928 : i32
        %min3A_930 = arith.constant 1 : i32
        %min3A_931 = arith.minsi %max3A_929, %min3A_930 : i32
        %mul3A_932 = vector.broadcast %min3A_931 : i32 to vector<16xi32>
        %mul3A_933 = arith.muli %get3A_925, %mul3A_932 : vector<16xi32>
        %add3A_934 = arith.addi %add3A_921, %mul3A_933 : vector<16xi32>
        %add3A_935 = arith.addi %add3A_922, %get3A_925 : vector<16xi32>
        %get3A_936 = arith.constant 224 : index
        %get3A_937 = tpu.vector_load %arg18[%get3A_936] {strides = array<i32>} : memref<256xi32, #tpu.memory_space<vmem>>, vector<16xi32>,
        %get3A_938 = vector.shape_cast %get3A_937 : vector<16xi32> to vector<16xi32>
        %sub3A_939 = arith.constant 14 : i32
        %sub3A_940 = arith.subi %arg1, %sub3A_939 : i32
        %max3A_941 = arith.constant 0 : i32
        %max3A_942 = arith.maxsi %sub3A_940, %max3A_941 : i32
        %min3A_943 = arith.constant 1 : i32
        %min3A_944 = arith.minsi %max3A_942, %min3A_943 : i32
        %mul3A_945 = vector.broadcast %min3A_944 : i32 to vector<16xi32>
        %mul3A_946 = arith.muli %get3A_938, %mul3A_945 : vector<16xi32>
        %add3A_947 = arith.addi %add3A_934, %mul3A_946 : vector<16xi32>
        %add3A_948 = arith.addi %add3A_935, %get3A_938 : vector<16xi32>
        %get3A_949 = arith.constant 240 : index
        %get3A_950 = tpu.vector_load %arg18[%get3A_949] {strides = array<i32>} : memref<256xi32, #tpu.memory_space<vmem>>, vector<16xi32>,
        %get3A_951 = vector.shape_cast %get3A_950 : vector<16xi32> to vector<16xi32>
        %sub3A_952 = arith.constant 15 : i32
        %sub3A_953 = arith.subi %arg1, %sub3A_952 : i32
        %max3A_954 = arith.constant 0 : i32
        %max3A_955 = arith.maxsi %sub3A_953, %max3A_954 : i32
        %min3A_956 = arith.constant 1 : i32
        %min3A_957 = arith.minsi %max3A_955, %min3A_956 : i32
        %mul3A_958 = vector.broadcast %min3A_957 : i32 to vector<16xi32>
        %mul3A_959 = arith.muli %get3A_951, %mul3A_958 : vector<16xi32>
        %add3A_960 = arith.addi %add3A_947, %mul3A_959 : vector<16xi32>
        %add3A_961 = arith.addi %add3A_948, %get3A_951 : vector<16xi32>
        %slice3A_962 = vector.extract_strided_slice %add3A_960 {offsets = [0], sizes = [1], strides = [1]} : vector<16xi32> to vector<1xi32>
        %squeeze3A_963 = vector.extract %slice3A_962[0] : i32 from vector<1xi32>
        %add3A_964 = arith.addi %squeeze3A_963, %scan3A_666 : i32
        %swap3A_965 = arith.constant 0 : index
        %swap3A_966 = tpu.vector_load %arg16[%swap3A_965] {strides = array<i32>} : memref<16xi32, #tpu.memory_space<vmem>>, vector<16xi32>,
        %swap3A_967 = vector.shape_cast %swap3A_966 : vector<16xi32> to vector<16xi32>
        %swap3A_968 = vector.shape_cast %add3A_961 : vector<16xi32> to vector<16xi32>
        tpu.vector_store %arg16[%swap3A_965], %swap3A_968 {strides = array<i32>} : memref<16xi32, #tpu.memory_space<vmem>>, vector<16xi32>,
        %dma_wait3A = arith.constant 0 : i32
        %dma_wait3A_969 = tpu.memref_slice %arg2[%dma_wait3A] : memref<100000xf32, #tpu.memory_space<hbm>> -> memref<100000xf32, #tpu.memory_space<hbm>>
        tpu.wait_indirect_dma semaphore(%arg21 : memref<!tpu.dma_semaphore, #tpu.memory_space<semaphore_mem>>) src(%dma_wait3A_969 : memref<100000xf32, #tpu.memory_space<hbm>>) dst(%arg10 : memref<8000xf32, #tpu.memory_space<vmem>>)
        %dma_wait3A_970 = arith.constant 0 : i32
        %dma_wait3A_971 = tpu.memref_slice %arg2[%dma_wait3A_970] : memref<100000xf32, #tpu.memory_space<hbm>> -> memref<100000xf32, #tpu.memory_space<hbm>>
        tpu.wait_indirect_dma semaphore(%arg22 : memref<!tpu.dma_semaphore, #tpu.memory_space<semaphore_mem>>) src(%dma_wait3A_971 : memref<100000xf32, #tpu.memory_space<hbm>>) dst(%arg11 : memref<8000xf32, #tpu.memory_space<vmem>>)
        %dma_wait3A_972 = tpu.memref_slice %arg4[%add3A] : memref<6400000xf32, #tpu.memory_space<hbm>> -> memref<8000xf32, #tpu.memory_space<hbm>>
        %dma_wait3A_973 = tpu.memref_slice %arg4[%add3A] : memref<6400000xf32, #tpu.memory_space<hbm>> -> memref<8000xf32, #tpu.memory_space<hbm>>
        tpu.wait_dma2 semaphore(%arg23 : memref<!tpu.dma_semaphore, #tpu.memory_space<semaphore_mem>>) src(%dma_wait3A_973 : memref<8000xf32, #tpu.memory_space<hbm>>) dst(%arg9 : memref<8000xf32, #tpu.memory_space<vmem>>)
        %sub3A_974 = arith.constant 100000 : i32
        %sub3A_975 = arith.subi %sub3A_974, %add3A_964 : i32
        %max3A_976 = arith.constant 0 : i32
        %max3A_977 = arith.maxsi %sub3A_975, %max3A_976 : i32
        %min3A_978 = arith.constant 1 : i32
        %min3A_979 = arith.minsi %max3A_977, %min3A_978 : i32
        %broadcast_in_dim3A_980 = vector.broadcast %add3A_964 : i32 to vector<16xi32>
        %broadcast_in_dim3A_981 = arith.constant 0 : i32
        %broadcast_in_dim3A_982 = vector.broadcast %broadcast_in_dim3A_981 : i32 to vector<16xi32>
        %swap3A_983 = arith.constant 0 : index
        %swap3A_984 = tpu.vector_load %arg17[%swap3A_983] {strides = array<i32>} : memref<16xi32, #tpu.memory_space<vmem>>, vector<16xi32>,
        %swap3A_985 = vector.shape_cast %swap3A_984 : vector<16xi32> to vector<16xi32>
        %swap3A_986 = vector.shape_cast %broadcast_in_dim3A_982 : vector<16xi32> to vector<16xi32>
        tpu.vector_store %arg17[%swap3A_983], %swap3A_986 {strides = array<i32>} : memref<16xi32, #tpu.memory_space<vmem>>, vector<16xi32>,
        %mul3A_987 = arith.constant 500 : i32
        %mul3A_988 = arith.muli %mul3A_987, %min3A_979 : i32
        %while3A_989 = arith.constant 0 : i32
        %while3A_990 = arith.constant 0 : i32
        %while3A_991 = arith.subi %mul3A_988, %while3A_990 : i32
        %while3A_992 = arith.addi %while3A_990, %while3A_991 : i32
        %while3A_993 = arith.constant 1 : i32
        %while3A_994 = arith.divsi %while3A_991, %while3A_993 : i32
        %while3A_995 = arith.muli %while3A_994, %while3A_993 : i32
        %while3A_996 = arith.addi %while3A_990, %while3A_995 : i32
        %while3A_997 = arith.constant 1 : i32
        scf.for %while3A_1009 = %while3A_990 to %while3A_996 step %while3A_997  : i32 {
          %get3A_1010 = arith.constant 0 : index
          %get3A_1011 = tpu.vector_load %arg17[%get3A_1010] {strides = array<i32>} : memref<16xi32, #tpu.memory_space<vmem>>, vector<16xi32>,
          %get3A_1012 = vector.shape_cast %get3A_1011 : vector<16xi32> to vector<16xi32>
          %mul3A_1013 = arith.constant 16 : i32
          %mul3A_1014 = arith.muli %while3A_1009, %mul3A_1013 : i32
          %get3A_1015 = arith.index_cast %mul3A_1014 : i32 to index
          %get3A_1016 = tpu.vector_load %arg7[%get3A_1015] {strides = array<i32>} : memref<8000xi32, #tpu.memory_space<vmem>>, vector<16xi32>,
          %get3A_1017 = vector.shape_cast %get3A_1016 : vector<16xi32> to vector<16xi32>
          %mul3A_1018 = arith.constant 16 : i32
          %mul3A_1019 = arith.muli %while3A_1009, %mul3A_1018 : i32
          %get3A_1020 = arith.index_cast %mul3A_1019 : i32 to index
          %get3A_1021 = tpu.vector_load %arg8[%get3A_1020] {strides = array<i32>} : memref<8000xi32, #tpu.memory_space<vmem>>, vector<16xi32>,
          %get3A_1022 = vector.shape_cast %get3A_1021 : vector<16xi32> to vector<16xi32>
          %mul3A_1023 = arith.constant 16 : i32
          %mul3A_1024 = arith.muli %while3A_1009, %mul3A_1023 : i32
          %get3A_1025 = arith.index_cast %mul3A_1024 : i32 to index
          %get3A_1026 = tpu.vector_load %arg9[%get3A_1025] {strides = array<i32>} : memref<8000xf32, #tpu.memory_space<vmem>>, vector<16xf32>,
          %get3A_1027 = vector.shape_cast %get3A_1026 : vector<16xf32> to vector<16xf32>
          %mul3A_1028 = arith.constant 16 : i32
          %mul3A_1029 = arith.muli %while3A_1009, %mul3A_1028 : i32
          %get3A_1030 = arith.index_cast %mul3A_1029 : i32 to index
          %get3A_1031 = tpu.vector_load %arg10[%get3A_1030] {strides = array<i32>} : memref<8000xf32, #tpu.memory_space<vmem>>, vector<16xf32>,
          %get3A_1032 = vector.shape_cast %get3A_1031 : vector<16xf32> to vector<16xf32>
          %mul3A_1033 = arith.constant 16 : i32
          %mul3A_1034 = arith.muli %while3A_1009, %mul3A_1033 : i32
          %get3A_1035 = arith.index_cast %mul3A_1034 : i32 to index
          %get3A_1036 = tpu.vector_load %arg11[%get3A_1035] {strides = array<i32>} : memref<8000xf32, #tpu.memory_space<vmem>>, vector<16xf32>,
          %get3A_1037 = vector.shape_cast %get3A_1036 : vector<16xf32> to vector<16xf32>
          %sub3A_1038 = arith.subi %get3A_1022, %get3A_1017 : vector<16xi32>
          %max3A_1039 = arith.constant 0 : i32
          %max3A_1040 = vector.broadcast %max3A_1039 : i32 to vector<16xi32>
          %max3A_1041 = arith.maxsi %sub3A_1038, %max3A_1040 : vector<16xi32>
          %min3A_1042 = arith.constant 1 : i32
          %min3A_1043 = vector.broadcast %min3A_1042 : i32 to vector<16xi32>
          %min3A_1044 = arith.minsi %max3A_1041, %min3A_1043 : vector<16xi32>
          %sub3A_1045 = arith.constant 1 : i32
          %sub3A_1046 = vector.broadcast %sub3A_1045 : i32 to vector<16xi32>
          %sub3A_1047 = arith.subi %iota3A, %sub3A_1046 : vector<16xi32>
          %max3A_1048 = arith.constant 0 : i32
          %max3A_1049 = vector.broadcast %max3A_1048 : i32 to vector<16xi32>
          %max3A_1050 = arith.maxsi %sub3A_1047, %max3A_1049 : vector<16xi32>
          %broadcast_in_dim3A_1051 = vector.shape_cast %max3A_1050 : vector<16xi32> to vector<16x1xi32>
          %gather3A_1052 = vector.shape_cast %broadcast_in_dim3A_1051 : vector<16x1xi32> to vector<16xi32>
          %gather3A_1053 = tpu.dynamic_gather %min3A_1044[%gather3A_1052] in [0] : vector<16xi32>, vector<16xi32> -> vector<16xi32>
          %sub3A_1054 = arith.constant 0 : i32
          %sub3A_1055 = vector.broadcast %sub3A_1054 : i32 to vector<16xi32>
          %sub3A_1056 = arith.subi %iota3A, %sub3A_1055 : vector<16xi32>
          %max3A_1057 = arith.constant 0 : i32
          %max3A_1058 = vector.broadcast %max3A_1057 : i32 to vector<16xi32>
          %max3A_1059 = arith.maxsi %sub3A_1056, %max3A_1058 : vector<16xi32>
          %min3A_1060 = arith.constant 1 : i32
          %min3A_1061 = vector.broadcast %min3A_1060 : i32 to vector<16xi32>
          %min3A_1062 = arith.minsi %max3A_1059, %min3A_1061 : vector<16xi32>
          %mul3A_1063 = arith.muli %gather3A_1053, %min3A_1062 : vector<16xi32>
          %add3A_1064 = arith.addi %min3A_1044, %mul3A_1063 : vector<16xi32>
          %sub3A_1065 = arith.constant 2 : i32
          %sub3A_1066 = vector.broadcast %sub3A_1065 : i32 to vector<16xi32>
          %sub3A_1067 = arith.subi %iota3A, %sub3A_1066 : vector<16xi32>
          %max3A_1068 = arith.constant 0 : i32
          %max3A_1069 = vector.broadcast %max3A_1068 : i32 to vector<16xi32>
          %max3A_1070 = arith.maxsi %sub3A_1067, %max3A_1069 : vector<16xi32>
          %broadcast_in_dim3A_1071 = vector.shape_cast %max3A_1070 : vector<16xi32> to vector<16x1xi32>
          %gather3A_1072 = vector.shape_cast %broadcast_in_dim3A_1071 : vector<16x1xi32> to vector<16xi32>
          %gather3A_1073 = tpu.dynamic_gather %add3A_1064[%gather3A_1072] in [0] : vector<16xi32>, vector<16xi32> -> vector<16xi32>
          %sub3A_1074 = arith.constant 1 : i32
          %sub3A_1075 = vector.broadcast %sub3A_1074 : i32 to vector<16xi32>
          %sub3A_1076 = arith.subi %iota3A, %sub3A_1075 : vector<16xi32>
          %max3A_1077 = arith.constant 0 : i32
          %max3A_1078 = vector.broadcast %max3A_1077 : i32 to vector<16xi32>
          %max3A_1079 = arith.maxsi %sub3A_1076, %max3A_1078 : vector<16xi32>
          %min3A_1080 = arith.constant 1 : i32
          %min3A_1081 = vector.broadcast %min3A_1080 : i32 to vector<16xi32>
          %min3A_1082 = arith.minsi %max3A_1079, %min3A_1081 : vector<16xi32>
          %mul3A_1083 = arith.muli %gather3A_1073, %min3A_1082 : vector<16xi32>
          %add3A_1084 = arith.addi %add3A_1064, %mul3A_1083 : vector<16xi32>
          %sub3A_1085 = arith.constant 4 : i32
          %sub3A_1086 = vector.broadcast %sub3A_1085 : i32 to vector<16xi32>
          %sub3A_1087 = arith.subi %iota3A, %sub3A_1086 : vector<16xi32>
          %max3A_1088 = arith.constant 0 : i32
          %max3A_1089 = vector.broadcast %max3A_1088 : i32 to vector<16xi32>
          %max3A_1090 = arith.maxsi %sub3A_1087, %max3A_1089 : vector<16xi32>
          %broadcast_in_dim3A_1091 = vector.shape_cast %max3A_1090 : vector<16xi32> to vector<16x1xi32>
          %gather3A_1092 = vector.shape_cast %broadcast_in_dim3A_1091 : vector<16x1xi32> to vector<16xi32>
          %gather3A_1093 = tpu.dynamic_gather %add3A_1084[%gather3A_1092] in [0] : vector<16xi32>, vector<16xi32> -> vector<16xi32>
          %sub3A_1094 = arith.constant 3 : i32
          %sub3A_1095 = vector.broadcast %sub3A_1094 : i32 to vector<16xi32>
          %sub3A_1096 = arith.subi %iota3A, %sub3A_1095 : vector<16xi32>
          %max3A_1097 = arith.constant 0 : i32
          %max3A_1098 = vector.broadcast %max3A_1097 : i32 to vector<16xi32>
          %max3A_1099 = arith.maxsi %sub3A_1096, %max3A_1098 : vector<16xi32>
          %min3A_1100 = arith.constant 1 : i32
          %min3A_1101 = vector.broadcast %min3A_1100 : i32 to vector<16xi32>
          %min3A_1102 = arith.minsi %max3A_1099, %min3A_1101 : vector<16xi32>
          %mul3A_1103 = arith.muli %gather3A_1093, %min3A_1102 : vector<16xi32>
          %add3A_1104 = arith.addi %add3A_1084, %mul3A_1103 : vector<16xi32>
          %sub3A_1105 = arith.constant 8 : i32
          %sub3A_1106 = vector.broadcast %sub3A_1105 : i32 to vector<16xi32>
          %sub3A_1107 = arith.subi %iota3A, %sub3A_1106 : vector<16xi32>
          %max3A_1108 = arith.constant 0 : i32
          %max3A_1109 = vector.broadcast %max3A_1108 : i32 to vector<16xi32>
          %max3A_1110 = arith.maxsi %sub3A_1107, %max3A_1109 : vector<16xi32>
          %broadcast_in_dim3A_1111 = vector.shape_cast %max3A_1110 : vector<16xi32> to vector<16x1xi32>
          %gather3A_1112 = vector.shape_cast %broadcast_in_dim3A_1111 : vector<16x1xi32> to vector<16xi32>
          %gather3A_1113 = tpu.dynamic_gather %add3A_1104[%gather3A_1112] in [0] : vector<16xi32>, vector<16xi32> -> vector<16xi32>
          %sub3A_1114 = arith.constant 7 : i32
          %sub3A_1115 = vector.broadcast %sub3A_1114 : i32 to vector<16xi32>
          %sub3A_1116 = arith.subi %iota3A, %sub3A_1115 : vector<16xi32>
          %max3A_1117 = arith.constant 0 : i32
          %max3A_1118 = vector.broadcast %max3A_1117 : i32 to vector<16xi32>
          %max3A_1119 = arith.maxsi %sub3A_1116, %max3A_1118 : vector<16xi32>
          %min3A_1120 = arith.constant 1 : i32
          %min3A_1121 = vector.broadcast %min3A_1120 : i32 to vector<16xi32>
          %min3A_1122 = arith.minsi %max3A_1119, %min3A_1121 : vector<16xi32>
          %mul3A_1123 = arith.muli %gather3A_1113, %min3A_1122 : vector<16xi32>
          %add3A_1124 = arith.addi %add3A_1104, %mul3A_1123 : vector<16xi32>
          %add3A_1125 = arith.addi %get3A_1012, %add3A_1124 : vector<16xi32>
          %sub3A_1126 = arith.subi %add3A_1125, %min3A_1044 : vector<16xi32>
          %add3A_1127 = arith.addi %sub3A_1126, %broadcast_in_dim3A_980 : vector<16xi32>
          %sub3A_1128 = arith.subi %broadcast_in_dim3A_2, %add3A_1127 : vector<16xi32>
          %max3A_1129 = arith.constant 0 : i32
          %max3A_1130 = vector.broadcast %max3A_1129 : i32 to vector<16xi32>
          %max3A_1131 = arith.maxsi %sub3A_1128, %max3A_1130 : vector<16xi32>
          %min3A_1132 = arith.constant 1 : i32
          %min3A_1133 = vector.broadcast %min3A_1132 : i32 to vector<16xi32>
          %min3A_1134 = arith.minsi %max3A_1131, %min3A_1133 : vector<16xi32>
          %mul3A_1135 = arith.muli %min3A_1044, %min3A_1134 : vector<16xi32>
          %convert_element_type3A = arith.sitofp %mul3A_1135 : vector<16xi32> to vector<16xf32>
          %max3A_1136 = arith.constant 1.000000e-35 : f32
          %max3A_1137 = vector.broadcast %max3A_1136 : f32 to vector<16xf32>
          %max3A_1138 = arith.maximumf %get3A_1027, %max3A_1137 : vector<16xf32>
          %mul3A_1139 = arith.constant 4.000000e+00 : f32
          %mul3A_1140 = vector.broadcast %mul3A_1139 : f32 to vector<16xf32>
          %mul3A_1141 = arith.mulf %get3A_1027, %mul3A_1140 : vector<16xf32>
          %mul3A_1142 = arith.mulf %mul3A_1141, %mul3A_1141 : vector<16xf32>
          %mul3A_1143 = arith.mulf %mul3A_1142, %mul3A_1141 : vector<16xf32>
          %mul3A_1144 = arith.constant 6.000000e+00 : f32
          %mul3A_1145 = vector.broadcast %mul3A_1144 : f32 to vector<16xf32>
          %mul3A_1146 = arith.mulf %mul3A_1145, %mul3A_1141 : vector<16xf32>
          %sub3A_1147 = arith.constant 1.500000e+01 : f32
          %sub3A_1148 = vector.broadcast %sub3A_1147 : f32 to vector<16xf32>
          %sub3A_1149 = arith.subf %sub3A_1148, %mul3A_1146 : vector<16xf32>
          %mul3A_1150 = arith.mulf %mul3A_1141, %sub3A_1149 : vector<16xf32>
          %add3A_1151 = arith.constant -1.000000e+01 : f32
          %add3A_1152 = vector.broadcast %add3A_1151 : f32 to vector<16xf32>
          %add3A_1153 = arith.addf %add3A_1152, %mul3A_1150 : vector<16xf32>
          %mul3A_1154 = arith.mulf %mul3A_1143, %add3A_1153 : vector<16xf32>
          %add3A_1155 = arith.constant 1.000000e+00 : f32
          %add3A_1156 = vector.broadcast %add3A_1155 : f32 to vector<16xf32>
          %add3A_1157 = arith.addf %add3A_1156, %mul3A_1154 : vector<16xf32>
          %sub3A_1158 = arith.constant 2.500000e-01 : f32
          %sub3A_1159 = vector.broadcast %sub3A_1158 : f32 to vector<16xf32>
          %sub3A_1160 = arith.subf %sub3A_1159, %get3A_1027 : vector<16xf32>
          %sign3A = tpu.bitcast %sub3A_1160 : vector<16xf32> -> vector<16xi32>
          %sign3A_1161 = arith.constant -2147483648 : i32
          %sign3A_1162 = vector.broadcast %sign3A_1161 : i32 to vector<16xi32>
          %sign3A_1163 = arith.andi %sign3A, %sign3A_1162 : vector<16xi32>
          %sign3A_1164 = arith.constant 1065353216 : i32
          %sign3A_1165 = vector.broadcast %sign3A_1164 : i32 to vector<16xi32>
          %sign3A_1166 = arith.ori %sign3A_1165, %sign3A_1163 : vector<16xi32>
          %sign3A_1167 = tpu.bitcast %sign3A_1166 : vector<16xi32> -> vector<16xf32>
          %sign3A_1168 = math.absf %sub3A_1160 : vector<16xf32>
          %sign3A_1169 = arith.constant 0.000000e+00 : f32
          %sign3A_1170 = vector.broadcast %sign3A_1169 : f32 to vector<16xf32>
          %sign3A_1171 = arith.cmpf ogt, %sign3A_1168, %sign3A_1170 : vector<16xf32>
          %sign3A_1172 = arith.select %sign3A_1171, %sign3A_1167, %sub3A_1160 : vector<16xi1>, vector<16xf32>
          %max3A_1173 = arith.constant 0.000000e+00 : f32
          %max3A_1174 = vector.broadcast %max3A_1173 : f32 to vector<16xf32>
          %max3A_1175 = arith.maximumf %sign3A_1172, %max3A_1174 : vector<16xf32>
          %mul3A_1176 = arith.mulf %add3A_1157, %max3A_1175 : vector<16xf32>
          %mul3A_1177 = arith.mulf %get3A_1027, %get3A_1027 : vector<16xf32>
          %add3A_1178 = arith.constant 1.000000e+00 : f32
          %add3A_1179 = vector.broadcast %add3A_1178 : f32 to vector<16xf32>
          %add3A_1180 = arith.addf %mul3A_1177, %add3A_1179 : vector<16xf32>
          %mul3A_1181 = arith.constant 2.900000e-01 : f32
          %mul3A_1182 = vector.broadcast %mul3A_1181 : f32 to vector<16xf32>
          %mul3A_1183 = arith.mulf %mul3A_1182, %add3A_1180 : vector<16xf32>
          %sub3A_1184 = arith.constant 1.280000e+00 : f32
          %sub3A_1185 = vector.broadcast %sub3A_1184 : f32 to vector<16xf32>
          %sub3A_1186 = arith.subf %sub3A_1185, %mul3A_1183 : vector<16xf32>
          %mul3A_1187 = arith.constant 5.000000e-01 : f32
          %mul3A_1188 = vector.broadcast %mul3A_1187 : f32 to vector<16xf32>
          %mul3A_1189 = arith.mulf %mul3A_1188, %add3A_1180 : vector<16xf32>
          %mul3A_1190 = arith.mulf %mul3A_1189, %sub3A_1186 : vector<16xf32>
          %mul3A_1191 = arith.mulf %mul3A_1190, %sub3A_1186 : vector<16xf32>
          %sub3A_1192 = arith.constant 1.500000e+00 : f32
          %sub3A_1193 = vector.broadcast %sub3A_1192 : f32 to vector<16xf32>
          %sub3A_1194 = arith.subf %sub3A_1193, %mul3A_1191 : vector<16xf32>
          %mul3A_1195 = arith.mulf %sub3A_1186, %sub3A_1194 : vector<16xf32>
          %mul3A_1196 = arith.constant 5.000000e-01 : f32
          %mul3A_1197 = vector.broadcast %mul3A_1196 : f32 to vector<16xf32>
          %mul3A_1198 = arith.mulf %mul3A_1197, %add3A_1180 : vector<16xf32>
          %mul3A_1199 = arith.mulf %mul3A_1198, %mul3A_1195 : vector<16xf32>
          %mul3A_1200 = arith.mulf %mul3A_1199, %mul3A_1195 : vector<16xf32>
          %sub3A_1201 = arith.constant 1.500000e+00 : f32
          %sub3A_1202 = vector.broadcast %sub3A_1201 : f32 to vector<16xf32>
          %sub3A_1203 = arith.subf %sub3A_1202, %mul3A_1200 : vector<16xf32>
          %mul3A_1204 = arith.mulf %mul3A_1195, %sub3A_1203 : vector<16xf32>
          %mul3A_1205 = arith.constant 5.000000e-01 : f32
          %mul3A_1206 = vector.broadcast %mul3A_1205 : f32 to vector<16xf32>
          %mul3A_1207 = arith.mulf %mul3A_1206, %add3A_1180 : vector<16xf32>
          %mul3A_1208 = arith.mulf %mul3A_1207, %mul3A_1204 : vector<16xf32>
          %mul3A_1209 = arith.mulf %mul3A_1208, %mul3A_1204 : vector<16xf32>
          %sub3A_1210 = arith.constant 1.500000e+00 : f32
          %sub3A_1211 = vector.broadcast %sub3A_1210 : f32 to vector<16xf32>
          %sub3A_1212 = arith.subf %sub3A_1211, %mul3A_1209 : vector<16xf32>
          %mul3A_1213 = arith.mulf %mul3A_1204, %sub3A_1212 : vector<16xf32>
          %mul3A_1214 = arith.mulf %mul3A_1176, %mul3A_1213 : vector<16xf32>
          %sub3A_1215 = arith.constant 1.000000e+00 : f32
          %sub3A_1216 = vector.broadcast %sub3A_1215 : f32 to vector<16xf32>
          %sub3A_1217 = arith.subf %sub3A_1216, %mul3A_1176 : vector<16xf32>
          %div3A = arith.divf %sub3A_1217, %max3A_1138 : vector<16xf32>
          %add3A_1218 = arith.addf %mul3A_1214, %div3A : vector<16xf32>
          %mul3A_1219 = arith.mulf %get3A_1032, %get3A_1037 : vector<16xf32>
          %mul3A_1220 = arith.mulf %mul3A_1219, %add3A_1218 : vector<16xf32>
          %mul3A_1221 = arith.mulf %mul3A_1220, %convert_element_type3A : vector<16xf32>
          %mul3A_1222 = arith.constant 16 : i32
          %mul3A_1223 = arith.muli %while3A_1009, %mul3A_1222 : i32
          %swap3A_1224 = arith.index_cast %mul3A_1223 : i32 to index
          %swap3A_1225 = tpu.vector_load %arg12[%swap3A_1224] {strides = array<i32>} : memref<8000xf32, #tpu.memory_space<vmem>>, vector<16xf32>,
          %swap3A_1226 = vector.shape_cast %swap3A_1225 : vector<16xf32> to vector<16xf32>
          %swap3A_1227 = vector.shape_cast %mul3A_1221 : vector<16xf32> to vector<16xf32>
          tpu.vector_store %arg12[%swap3A_1224], %swap3A_1227 {strides = array<i32>} : memref<8000xf32, #tpu.memory_space<vmem>>, vector<16xf32>,
          %sub3A_1228 = arith.constant 1 : i32
          %sub3A_1229 = vector.broadcast %sub3A_1228 : i32 to vector<16xi32>
          %sub3A_1230 = arith.subi %broadcast_in_dim3A_2, %sub3A_1229 : vector<16xi32>
          %min3A_1231 = arith.minsi %add3A_1127, %sub3A_1230 : vector<16xi32>
          %mul3A_1232 = arith.constant 16 : i32
          %mul3A_1233 = arith.muli %while3A_1009, %mul3A_1232 : i32
          %swap3A_1234 = arith.index_cast %mul3A_1233 : i32 to index
          %swap3A_1235 = tpu.vector_load %arg13[%swap3A_1234] {strides = array<i32>} : memref<8000xi32, #tpu.memory_space<vmem>>, vector<16xi32>,
          %swap3A_1236 = vector.shape_cast %swap3A_1235 : vector<16xi32> to vector<16xi32>
          %swap3A_1237 = vector.shape_cast %min3A_1231 : vector<16xi32> to vector<16xi32>
          tpu.vector_store %arg13[%swap3A_1234], %swap3A_1237 {strides = array<i32>} : memref<8000xi32, #tpu.memory_space<vmem>>, vector<16xi32>,
          %broadcast_in_dim3A_1238 = arith.constant 15 : i32
          %broadcast_in_dim3A_1239 = vector.broadcast %broadcast_in_dim3A_1238 : i32 to vector<16xi32>
          %broadcast_in_dim3A_1240 = vector.shape_cast %broadcast_in_dim3A_1239 : vector<16xi32> to vector<16x1xi32>
          %gather3A_1241 = vector.shape_cast %broadcast_in_dim3A_1240 : vector<16x1xi32> to vector<16xi32>
          %gather3A_1242 = tpu.dynamic_gather %add3A_1124[%gather3A_1241] in [0] : vector<16xi32>, vector<16xi32> -> vector<16xi32>
          %add3A_1243 = arith.addi %get3A_1012, %gather3A_1242 : vector<16xi32>
          %swap3A_1244 = arith.constant 0 : index
          %swap3A_1245 = tpu.vector_load %arg17[%swap3A_1244] {strides = array<i32>} : memref<16xi32, #tpu.memory_space<vmem>>, vector<16xi32>,
          %swap3A_1246 = vector.shape_cast %swap3A_1245 : vector<16xi32> to vector<16xi32>
          %swap3A_1247 = vector.shape_cast %add3A_1243 : vector<16xi32> to vector<16xi32>
          tpu.vector_store %arg17[%swap3A_1244], %swap3A_1247 {strides = array<i32>} : memref<16xi32, #tpu.memory_space<vmem>>, vector<16xi32>,
        }
        %while3A_998 = arith.constant 1 : i32
        scf.for %while3A_1009 = %while3A_996 to %while3A_992 step %while3A_998  : i32 {
          %get3A_1010 = arith.constant 0 : index
          %get3A_1011 = tpu.vector_load %arg17[%get3A_1010] {strides = array<i32>} : memref<16xi32, #tpu.memory_space<vmem>>, vector<16xi32>,
          %get3A_1012 = vector.shape_cast %get3A_1011 : vector<16xi32> to vector<16xi32>
          %mul3A_1013 = arith.constant 16 : i32
          %mul3A_1014 = arith.muli %while3A_1009, %mul3A_1013 : i32
          %get3A_1015 = arith.index_cast %mul3A_1014 : i32 to index
          %get3A_1016 = tpu.vector_load %arg7[%get3A_1015] {strides = array<i32>} : memref<8000xi32, #tpu.memory_space<vmem>>, vector<16xi32>,
          %get3A_1017 = vector.shape_cast %get3A_1016 : vector<16xi32> to vector<16xi32>
          %mul3A_1018 = arith.constant 16 : i32
          %mul3A_1019 = arith.muli %while3A_1009, %mul3A_1018 : i32
          %get3A_1020 = arith.index_cast %mul3A_1019 : i32 to index
          %get3A_1021 = tpu.vector_load %arg8[%get3A_1020] {strides = array<i32>} : memref<8000xi32, #tpu.memory_space<vmem>>, vector<16xi32>,
          %get3A_1022 = vector.shape_cast %get3A_1021 : vector<16xi32> to vector<16xi32>
          %mul3A_1023 = arith.constant 16 : i32
          %mul3A_1024 = arith.muli %while3A_1009, %mul3A_1023 : i32
          %get3A_1025 = arith.index_cast %mul3A_1024 : i32 to index
          %get3A_1026 = tpu.vector_load %arg9[%get3A_1025] {strides = array<i32>} : memref<8000xf32, #tpu.memory_space<vmem>>, vector<16xf32>,
          %get3A_1027 = vector.shape_cast %get3A_1026 : vector<16xf32> to vector<16xf32>
          %mul3A_1028 = arith.constant 16 : i32
          %mul3A_1029 = arith.muli %while3A_1009, %mul3A_1028 : i32
          %get3A_1030 = arith.index_cast %mul3A_1029 : i32 to index
          %get3A_1031 = tpu.vector_load %arg10[%get3A_1030] {strides = array<i32>} : memref<8000xf32, #tpu.memory_space<vmem>>, vector<16xf32>,
          %get3A_1032 = vector.shape_cast %get3A_1031 : vector<16xf32> to vector<16xf32>
          %mul3A_1033 = arith.constant 16 : i32
          %mul3A_1034 = arith.muli %while3A_1009, %mul3A_1033 : i32
          %get3A_1035 = arith.index_cast %mul3A_1034 : i32 to index
          %get3A_1036 = tpu.vector_load %arg11[%get3A_1035] {strides = array<i32>} : memref<8000xf32, #tpu.memory_space<vmem>>, vector<16xf32>,
          %get3A_1037 = vector.shape_cast %get3A_1036 : vector<16xf32> to vector<16xf32>
          %sub3A_1038 = arith.subi %get3A_1022, %get3A_1017 : vector<16xi32>
          %max3A_1039 = arith.constant 0 : i32
          %max3A_1040 = vector.broadcast %max3A_1039 : i32 to vector<16xi32>
          %max3A_1041 = arith.maxsi %sub3A_1038, %max3A_1040 : vector<16xi32>
          %min3A_1042 = arith.constant 1 : i32
          %min3A_1043 = vector.broadcast %min3A_1042 : i32 to vector<16xi32>
          %min3A_1044 = arith.minsi %max3A_1041, %min3A_1043 : vector<16xi32>
          %sub3A_1045 = arith.constant 1 : i32
          %sub3A_1046 = vector.broadcast %sub3A_1045 : i32 to vector<16xi32>
          %sub3A_1047 = arith.subi %iota3A, %sub3A_1046 : vector<16xi32>
          %max3A_1048 = arith.constant 0 : i32
          %max3A_1049 = vector.broadcast %max3A_1048 : i32 to vector<16xi32>
          %max3A_1050 = arith.maxsi %sub3A_1047, %max3A_1049 : vector<16xi32>
          %broadcast_in_dim3A_1051 = vector.shape_cast %max3A_1050 : vector<16xi32> to vector<16x1xi32>
          %gather3A_1052 = vector.shape_cast %broadcast_in_dim3A_1051 : vector<16x1xi32> to vector<16xi32>
          %gather3A_1053 = tpu.dynamic_gather %min3A_1044[%gather3A_1052] in [0] : vector<16xi32>, vector<16xi32> -> vector<16xi32>
          %sub3A_1054 = arith.constant 0 : i32
          %sub3A_1055 = vector.broadcast %sub3A_1054 : i32 to vector<16xi32>
          %sub3A_1056 = arith.subi %iota3A, %sub3A_1055 : vector<16xi32>
          %max3A_1057 = arith.constant 0 : i32
          %max3A_1058 = vector.broadcast %max3A_1057 : i32 to vector<16xi32>
          %max3A_1059 = arith.maxsi %sub3A_1056, %max3A_1058 : vector<16xi32>
          %min3A_1060 = arith.constant 1 : i32
          %min3A_1061 = vector.broadcast %min3A_1060 : i32 to vector<16xi32>
          %min3A_1062 = arith.minsi %max3A_1059, %min3A_1061 : vector<16xi32>
          %mul3A_1063 = arith.muli %gather3A_1053, %min3A_1062 : vector<16xi32>
          %add3A_1064 = arith.addi %min3A_1044, %mul3A_1063 : vector<16xi32>
          %sub3A_1065 = arith.constant 2 : i32
          %sub3A_1066 = vector.broadcast %sub3A_1065 : i32 to vector<16xi32>
          %sub3A_1067 = arith.subi %iota3A, %sub3A_1066 : vector<16xi32>
          %max3A_1068 = arith.constant 0 : i32
          %max3A_1069 = vector.broadcast %max3A_1068 : i32 to vector<16xi32>
          %max3A_1070 = arith.maxsi %sub3A_1067, %max3A_1069 : vector<16xi32>
          %broadcast_in_dim3A_1071 = vector.shape_cast %max3A_1070 : vector<16xi32> to vector<16x1xi32>
          %gather3A_1072 = vector.shape_cast %broadcast_in_dim3A_1071 : vector<16x1xi32> to vector<16xi32>
          %gather3A_1073 = tpu.dynamic_gather %add3A_1064[%gather3A_1072] in [0] : vector<16xi32>, vector<16xi32> -> vector<16xi32>
          %sub3A_1074 = arith.constant 1 : i32
          %sub3A_1075 = vector.broadcast %sub3A_1074 : i32 to vector<16xi32>
          %sub3A_1076 = arith.subi %iota3A, %sub3A_1075 : vector<16xi32>
          %max3A_1077 = arith.constant 0 : i32
          %max3A_1078 = vector.broadcast %max3A_1077 : i32 to vector<16xi32>
          %max3A_1079 = arith.maxsi %sub3A_1076, %max3A_1078 : vector<16xi32>
          %min3A_1080 = arith.constant 1 : i32
          %min3A_1081 = vector.broadcast %min3A_1080 : i32 to vector<16xi32>
          %min3A_1082 = arith.minsi %max3A_1079, %min3A_1081 : vector<16xi32>
          %mul3A_1083 = arith.muli %gather3A_1073, %min3A_1082 : vector<16xi32>
          %add3A_1084 = arith.addi %add3A_1064, %mul3A_1083 : vector<16xi32>
          %sub3A_1085 = arith.constant 4 : i32
          %sub3A_1086 = vector.broadcast %sub3A_1085 : i32 to vector<16xi32>
          %sub3A_1087 = arith.subi %iota3A, %sub3A_1086 : vector<16xi32>
          %max3A_1088 = arith.constant 0 : i32
          %max3A_1089 = vector.broadcast %max3A_1088 : i32 to vector<16xi32>
          %max3A_1090 = arith.maxsi %sub3A_1087, %max3A_1089 : vector<16xi32>
          %broadcast_in_dim3A_1091 = vector.shape_cast %max3A_1090 : vector<16xi32> to vector<16x1xi32>
          %gather3A_1092 = vector.shape_cast %broadcast_in_dim3A_1091 : vector<16x1xi32> to vector<16xi32>
          %gather3A_1093 = tpu.dynamic_gather %add3A_1084[%gather3A_1092] in [0] : vector<16xi32>, vector<16xi32> -> vector<16xi32>
          %sub3A_1094 = arith.constant 3 : i32
          %sub3A_1095 = vector.broadcast %sub3A_1094 : i32 to vector<16xi32>
          %sub3A_1096 = arith.subi %iota3A, %sub3A_1095 : vector<16xi32>
          %max3A_1097 = arith.constant 0 : i32
          %max3A_1098 = vector.broadcast %max3A_1097 : i32 to vector<16xi32>
          %max3A_1099 = arith.maxsi %sub3A_1096, %max3A_1098 : vector<16xi32>
          %min3A_1100 = arith.constant 1 : i32
          %min3A_1101 = vector.broadcast %min3A_1100 : i32 to vector<16xi32>
          %min3A_1102 = arith.minsi %max3A_1099, %min3A_1101 : vector<16xi32>
          %mul3A_1103 = arith.muli %gather3A_1093, %min3A_1102 : vector<16xi32>
          %add3A_1104 = arith.addi %add3A_1084, %mul3A_1103 : vector<16xi32>
          %sub3A_1105 = arith.constant 8 : i32
          %sub3A_1106 = vector.broadcast %sub3A_1105 : i32 to vector<16xi32>
          %sub3A_1107 = arith.subi %iota3A, %sub3A_1106 : vector<16xi32>
          %max3A_1108 = arith.constant 0 : i32
          %max3A_1109 = vector.broadcast %max3A_1108 : i32 to vector<16xi32>
          %max3A_1110 = arith.maxsi %sub3A_1107, %max3A_1109 : vector<16xi32>
          %broadcast_in_dim3A_1111 = vector.shape_cast %max3A_1110 : vector<16xi32> to vector<16x1xi32>
          %gather3A_1112 = vector.shape_cast %broadcast_in_dim3A_1111 : vector<16x1xi32> to vector<16xi32>
          %gather3A_1113 = tpu.dynamic_gather %add3A_1104[%gather3A_1112] in [0] : vector<16xi32>, vector<16xi32> -> vector<16xi32>
          %sub3A_1114 = arith.constant 7 : i32
          %sub3A_1115 = vector.broadcast %sub3A_1114 : i32 to vector<16xi32>
          %sub3A_1116 = arith.subi %iota3A, %sub3A_1115 : vector<16xi32>
          %max3A_1117 = arith.constant 0 : i32
          %max3A_1118 = vector.broadcast %max3A_1117 : i32 to vector<16xi32>
          %max3A_1119 = arith.maxsi %sub3A_1116, %max3A_1118 : vector<16xi32>
          %min3A_1120 = arith.constant 1 : i32
          %min3A_1121 = vector.broadcast %min3A_1120 : i32 to vector<16xi32>
          %min3A_1122 = arith.minsi %max3A_1119, %min3A_1121 : vector<16xi32>
          %mul3A_1123 = arith.muli %gather3A_1113, %min3A_1122 : vector<16xi32>
          %add3A_1124 = arith.addi %add3A_1104, %mul3A_1123 : vector<16xi32>
          %add3A_1125 = arith.addi %get3A_1012, %add3A_1124 : vector<16xi32>
          %sub3A_1126 = arith.subi %add3A_1125, %min3A_1044 : vector<16xi32>
          %add3A_1127 = arith.addi %sub3A_1126, %broadcast_in_dim3A_980 : vector<16xi32>
          %sub3A_1128 = arith.subi %broadcast_in_dim3A_2, %add3A_1127 : vector<16xi32>
          %max3A_1129 = arith.constant 0 : i32
          %max3A_1130 = vector.broadcast %max3A_1129 : i32 to vector<16xi32>
          %max3A_1131 = arith.maxsi %sub3A_1128, %max3A_1130 : vector<16xi32>
          %min3A_1132 = arith.constant 1 : i32
          %min3A_1133 = vector.broadcast %min3A_1132 : i32 to vector<16xi32>
          %min3A_1134 = arith.minsi %max3A_1131, %min3A_1133 : vector<16xi32>
          %mul3A_1135 = arith.muli %min3A_1044, %min3A_1134 : vector<16xi32>
          %convert_element_type3A = arith.sitofp %mul3A_1135 : vector<16xi32> to vector<16xf32>
          %max3A_1136 = arith.constant 1.000000e-35 : f32
          %max3A_1137 = vector.broadcast %max3A_1136 : f32 to vector<16xf32>
          %max3A_1138 = arith.maximumf %get3A_1027, %max3A_1137 : vector<16xf32>
          %mul3A_1139 = arith.constant 4.000000e+00 : f32
          %mul3A_1140 = vector.broadcast %mul3A_1139 : f32 to vector<16xf32>
          %mul3A_1141 = arith.mulf %get3A_1027, %mul3A_1140 : vector<16xf32>
          %mul3A_1142 = arith.mulf %mul3A_1141, %mul3A_1141 : vector<16xf32>
          %mul3A_1143 = arith.mulf %mul3A_1142, %mul3A_1141 : vector<16xf32>
          %mul3A_1144 = arith.constant 6.000000e+00 : f32
          %mul3A_1145 = vector.broadcast %mul3A_1144 : f32 to vector<16xf32>
          %mul3A_1146 = arith.mulf %mul3A_1145, %mul3A_1141 : vector<16xf32>
          %sub3A_1147 = arith.constant 1.500000e+01 : f32
          %sub3A_1148 = vector.broadcast %sub3A_1147 : f32 to vector<16xf32>
          %sub3A_1149 = arith.subf %sub3A_1148, %mul3A_1146 : vector<16xf32>
          %mul3A_1150 = arith.mulf %mul3A_1141, %sub3A_1149 : vector<16xf32>
          %add3A_1151 = arith.constant -1.000000e+01 : f32
          %add3A_1152 = vector.broadcast %add3A_1151 : f32 to vector<16xf32>
          %add3A_1153 = arith.addf %add3A_1152, %mul3A_1150 : vector<16xf32>
          %mul3A_1154 = arith.mulf %mul3A_1143, %add3A_1153 : vector<16xf32>
          %add3A_1155 = arith.constant 1.000000e+00 : f32
          %add3A_1156 = vector.broadcast %add3A_1155 : f32 to vector<16xf32>
          %add3A_1157 = arith.addf %add3A_1156, %mul3A_1154 : vector<16xf32>
          %sub3A_1158 = arith.constant 2.500000e-01 : f32
          %sub3A_1159 = vector.broadcast %sub3A_1158 : f32 to vector<16xf32>
          %sub3A_1160 = arith.subf %sub3A_1159, %get3A_1027 : vector<16xf32>
          %sign3A = tpu.bitcast %sub3A_1160 : vector<16xf32> -> vector<16xi32>
          %sign3A_1161 = arith.constant -2147483648 : i32
          %sign3A_1162 = vector.broadcast %sign3A_1161 : i32 to vector<16xi32>
          %sign3A_1163 = arith.andi %sign3A, %sign3A_1162 : vector<16xi32>
          %sign3A_1164 = arith.constant 1065353216 : i32
          %sign3A_1165 = vector.broadcast %sign3A_1164 : i32 to vector<16xi32>
          %sign3A_1166 = arith.ori %sign3A_1165, %sign3A_1163 : vector<16xi32>
          %sign3A_1167 = tpu.bitcast %sign3A_1166 : vector<16xi32> -> vector<16xf32>
          %sign3A_1168 = math.absf %sub3A_1160 : vector<16xf32>
          %sign3A_1169 = arith.constant 0.000000e+00 : f32
          %sign3A_1170 = vector.broadcast %sign3A_1169 : f32 to vector<16xf32>
          %sign3A_1171 = arith.cmpf ogt, %sign3A_1168, %sign3A_1170 : vector<16xf32>
          %sign3A_1172 = arith.select %sign3A_1171, %sign3A_1167, %sub3A_1160 : vector<16xi1>, vector<16xf32>
          %max3A_1173 = arith.constant 0.000000e+00 : f32
          %max3A_1174 = vector.broadcast %max3A_1173 : f32 to vector<16xf32>
          %max3A_1175 = arith.maximumf %sign3A_1172, %max3A_1174 : vector<16xf32>
          %mul3A_1176 = arith.mulf %add3A_1157, %max3A_1175 : vector<16xf32>
          %mul3A_1177 = arith.mulf %get3A_1027, %get3A_1027 : vector<16xf32>
          %add3A_1178 = arith.constant 1.000000e+00 : f32
          %add3A_1179 = vector.broadcast %add3A_1178 : f32 to vector<16xf32>
          %add3A_1180 = arith.addf %mul3A_1177, %add3A_1179 : vector<16xf32>
          %mul3A_1181 = arith.constant 2.900000e-01 : f32
          %mul3A_1182 = vector.broadcast %mul3A_1181 : f32 to vector<16xf32>
          %mul3A_1183 = arith.mulf %mul3A_1182, %add3A_1180 : vector<16xf32>
          %sub3A_1184 = arith.constant 1.280000e+00 : f32
          %sub3A_1185 = vector.broadcast %sub3A_1184 : f32 to vector<16xf32>
          %sub3A_1186 = arith.subf %sub3A_1185, %mul3A_1183 : vector<16xf32>
          %mul3A_1187 = arith.constant 5.000000e-01 : f32
          %mul3A_1188 = vector.broadcast %mul3A_1187 : f32 to vector<16xf32>
          %mul3A_1189 = arith.mulf %mul3A_1188, %add3A_1180 : vector<16xf32>
          %mul3A_1190 = arith.mulf %mul3A_1189, %sub3A_1186 : vector<16xf32>
          %mul3A_1191 = arith.mulf %mul3A_1190, %sub3A_1186 : vector<16xf32>
          %sub3A_1192 = arith.constant 1.500000e+00 : f32
          %sub3A_1193 = vector.broadcast %sub3A_1192 : f32 to vector<16xf32>
          %sub3A_1194 = arith.subf %sub3A_1193, %mul3A_1191 : vector<16xf32>
          %mul3A_1195 = arith.mulf %sub3A_1186, %sub3A_1194 : vector<16xf32>
          %mul3A_1196 = arith.constant 5.000000e-01 : f32
          %mul3A_1197 = vector.broadcast %mul3A_1196 : f32 to vector<16xf32>
          %mul3A_1198 = arith.mulf %mul3A_1197, %add3A_1180 : vector<16xf32>
          %mul3A_1199 = arith.mulf %mul3A_1198, %mul3A_1195 : vector<16xf32>
          %mul3A_1200 = arith.mulf %mul3A_1199, %mul3A_1195 : vector<16xf32>
          %sub3A_1201 = arith.constant 1.500000e+00 : f32
          %sub3A_1202 = vector.broadcast %sub3A_1201 : f32 to vector<16xf32>
          %sub3A_1203 = arith.subf %sub3A_1202, %mul3A_1200 : vector<16xf32>
          %mul3A_1204 = arith.mulf %mul3A_1195, %sub3A_1203 : vector<16xf32>
          %mul3A_1205 = arith.constant 5.000000e-01 : f32
          %mul3A_1206 = vector.broadcast %mul3A_1205 : f32 to vector<16xf32>
          %mul3A_1207 = arith.mulf %mul3A_1206, %add3A_1180 : vector<16xf32>
          %mul3A_1208 = arith.mulf %mul3A_1207, %mul3A_1204 : vector<16xf32>
          %mul3A_1209 = arith.mulf %mul3A_1208, %mul3A_1204 : vector<16xf32>
          %sub3A_1210 = arith.constant 1.500000e+00 : f32
          %sub3A_1211 = vector.broadcast %sub3A_1210 : f32 to vector<16xf32>
          %sub3A_1212 = arith.subf %sub3A_1211, %mul3A_1209 : vector<16xf32>
          %mul3A_1213 = arith.mulf %mul3A_1204, %sub3A_1212 : vector<16xf32>
          %mul3A_1214 = arith.mulf %mul3A_1176, %mul3A_1213 : vector<16xf32>
          %sub3A_1215 = arith.constant 1.000000e+00 : f32
          %sub3A_1216 = vector.broadcast %sub3A_1215 : f32 to vector<16xf32>
          %sub3A_1217 = arith.subf %sub3A_1216, %mul3A_1176 : vector<16xf32>
          %div3A = arith.divf %sub3A_1217, %max3A_1138 : vector<16xf32>
          %add3A_1218 = arith.addf %mul3A_1214, %div3A : vector<16xf32>
          %mul3A_1219 = arith.mulf %get3A_1032, %get3A_1037 : vector<16xf32>
          %mul3A_1220 = arith.mulf %mul3A_1219, %add3A_1218 : vector<16xf32>
          %mul3A_1221 = arith.mulf %mul3A_1220, %convert_element_type3A : vector<16xf32>
          %mul3A_1222 = arith.constant 16 : i32
          %mul3A_1223 = arith.muli %while3A_1009, %mul3A_1222 : i32
          %swap3A_1224 = arith.index_cast %mul3A_1223 : i32 to index
          %swap3A_1225 = tpu.vector_load %arg12[%swap3A_1224] {strides = array<i32>} : memref<8000xf32, #tpu.memory_space<vmem>>, vector<16xf32>,
          %swap3A_1226 = vector.shape_cast %swap3A_1225 : vector<16xf32> to vector<16xf32>
          %swap3A_1227 = vector.shape_cast %mul3A_1221 : vector<16xf32> to vector<16xf32>
          tpu.vector_store %arg12[%swap3A_1224], %swap3A_1227 {strides = array<i32>} : memref<8000xf32, #tpu.memory_space<vmem>>, vector<16xf32>,
          %sub3A_1228 = arith.constant 1 : i32
          %sub3A_1229 = vector.broadcast %sub3A_1228 : i32 to vector<16xi32>
          %sub3A_1230 = arith.subi %broadcast_in_dim3A_2, %sub3A_1229 : vector<16xi32>
          %min3A_1231 = arith.minsi %add3A_1127, %sub3A_1230 : vector<16xi32>
          %mul3A_1232 = arith.constant 16 : i32
          %mul3A_1233 = arith.muli %while3A_1009, %mul3A_1232 : i32
          %swap3A_1234 = arith.index_cast %mul3A_1233 : i32 to index
          %swap3A_1235 = tpu.vector_load %arg13[%swap3A_1234] {strides = array<i32>} : memref<8000xi32, #tpu.memory_space<vmem>>, vector<16xi32>,
          %swap3A_1236 = vector.shape_cast %swap3A_1235 : vector<16xi32> to vector<16xi32>
          %swap3A_1237 = vector.shape_cast %min3A_1231 : vector<16xi32> to vector<16xi32>
          tpu.vector_store %arg13[%swap3A_1234], %swap3A_1237 {strides = array<i32>} : memref<8000xi32, #tpu.memory_space<vmem>>, vector<16xi32>,
          %broadcast_in_dim3A_1238 = arith.constant 15 : i32
          %broadcast_in_dim3A_1239 = vector.broadcast %broadcast_in_dim3A_1238 : i32 to vector<16xi32>
          %broadcast_in_dim3A_1240 = vector.shape_cast %broadcast_in_dim3A_1239 : vector<16xi32> to vector<16x1xi32>
          %gather3A_1241 = vector.shape_cast %broadcast_in_dim3A_1240 : vector<16x1xi32> to vector<16xi32>
          %gather3A_1242 = tpu.dynamic_gather %add3A_1124[%gather3A_1241] in [0] : vector<16xi32>, vector<16xi32> -> vector<16xi32>
          %add3A_1243 = arith.addi %get3A_1012, %gather3A_1242 : vector<16xi32>
          %swap3A_1244 = arith.constant 0 : index
          %swap3A_1245 = tpu.vector_load %arg17[%swap3A_1244] {strides = array<i32>} : memref<16xi32, #tpu.memory_space<vmem>>, vector<16xi32>,
          %swap3A_1246 = vector.shape_cast %swap3A_1245 : vector<16xi32> to vector<16xi32>
          %swap3A_1247 = vector.shape_cast %add3A_1243 : vector<16xi32> to vector<16xi32>
          tpu.vector_store %arg17[%swap3A_1244], %swap3A_1247 {strides = array<i32>} : memref<16xi32, #tpu.memory_space<vmem>>, vector<16xi32>,
        }
        %while3A_999 = arith.constant 0 : i32
        %while3A_1000 = arith.constant 0 : i32
        %while3A_1001 = arith.subi %min3A_979, %while3A_1000 : i32
        %while3A_1002 = arith.addi %while3A_1000, %while3A_1001 : i32
        %while3A_1003 = arith.constant 1 : i32
        %while3A_1004 = arith.divsi %while3A_1001, %while3A_1003 : i32
        %while3A_1005 = arith.muli %while3A_1004, %while3A_1003 : i32
        %while3A_1006 = arith.addi %while3A_1000, %while3A_1005 : i32
        %while3A_1007 = arith.constant 1 : i32
        scf.for %while3A_1009 = %while3A_1000 to %while3A_1006 step %while3A_1007  : i32 {
          %dma_start3A_1010 = arith.constant 0 : i32
          %dma_start3A_1011 = tpu.memref_slice %arg5[%dma_start3A_1010] : memref<100000xi32, #tpu.memory_space<hbm>> -> memref<100000xi32, #tpu.memory_space<hbm>>
          tpu.enqueue_indirect_dma source(%dma_start3A_1011 : memref<100000xi32, #tpu.memory_space<hbm>>) target(%arg14 : memref<8000xi32, #tpu.memory_space<vmem>>) offsets(%arg13 : memref<8000xi32, #tpu.memory_space<vmem>>) semaphore(%arg21 : memref<!tpu.dma_semaphore, #tpu.memory_space<semaphore_mem>>)
          %dma_wait3A_1012 = arith.constant 0 : i32
          %dma_wait3A_1013 = tpu.memref_slice %arg5[%dma_wait3A_1012] : memref<100000xi32, #tpu.memory_space<hbm>> -> memref<100000xi32, #tpu.memory_space<hbm>>
          tpu.wait_indirect_dma semaphore(%arg21 : memref<!tpu.dma_semaphore, #tpu.memory_space<semaphore_mem>>) src(%dma_wait3A_1013 : memref<100000xi32, #tpu.memory_space<hbm>>) dst(%arg14 : memref<8000xi32, #tpu.memory_space<vmem>>)
          %dma_start3A_1014 = arith.constant 0 : i32
          %dma_start3A_1015 = tpu.memref_slice %arg20[%dma_start3A_1014] : memref<1024xf32, #tpu.memory_space<vmem_shared>> -> memref<1024xf32, #tpu.memory_space<vmem_shared>>
          tpu.enqueue_indirect_dma source(%arg12 : memref<8000xf32, #tpu.memory_space<vmem>>) target(%dma_start3A_1015 : memref<1024xf32, #tpu.memory_space<vmem_shared>>) offsets(%arg14 : memref<8000xi32, #tpu.memory_space<vmem>>) semaphore(%arg22 : memref<!tpu.dma_semaphore, #tpu.memory_space<semaphore_mem>>) {add = true}
          %dma_wait3A_1016 = arith.constant 0 : i32
          %dma_wait3A_1017 = tpu.memref_slice %arg20[%dma_wait3A_1016] : memref<1024xf32, #tpu.memory_space<vmem_shared>> -> memref<1024xf32, #tpu.memory_space<vmem_shared>>
          tpu.wait_indirect_dma semaphore(%arg22 : memref<!tpu.dma_semaphore, #tpu.memory_space<semaphore_mem>>) src(%arg12 : memref<8000xf32, #tpu.memory_space<vmem>>) dst(%dma_wait3A_1017 : memref<1024xf32, #tpu.memory_space<vmem_shared>>)
        }
        %while3A_1008 = arith.constant 1 : i32
        scf.for %while3A_1009 = %while3A_1006 to %while3A_1002 step %while3A_1008  : i32 {
          %dma_start3A_1010 = arith.constant 0 : i32
          %dma_start3A_1011 = tpu.memref_slice %arg5[%dma_start3A_1010] : memref<100000xi32, #tpu.memory_space<hbm>> -> memref<100000xi32, #tpu.memory_space<hbm>>
          tpu.enqueue_indirect_dma source(%dma_start3A_1011 : memref<100000xi32, #tpu.memory_space<hbm>>) target(%arg14 : memref<8000xi32, #tpu.memory_space<vmem>>) offsets(%arg13 : memref<8000xi32, #tpu.memory_space<vmem>>) semaphore(%arg21 : memref<!tpu.dma_semaphore, #tpu.memory_space<semaphore_mem>>)
          %dma_wait3A_1012 = arith.constant 0 : i32
          %dma_wait3A_1013 = tpu.memref_slice %arg5[%dma_wait3A_1012] : memref<100000xi32, #tpu.memory_space<hbm>> -> memref<100000xi32, #tpu.memory_space<hbm>>
          tpu.wait_indirect_dma semaphore(%arg21 : memref<!tpu.dma_semaphore, #tpu.memory_space<semaphore_mem>>) src(%dma_wait3A_1013 : memref<100000xi32, #tpu.memory_space<hbm>>) dst(%arg14 : memref<8000xi32, #tpu.memory_space<vmem>>)
          %dma_start3A_1014 = arith.constant 0 : i32
          %dma_start3A_1015 = tpu.memref_slice %arg20[%dma_start3A_1014] : memref<1024xf32, #tpu.memory_space<vmem_shared>> -> memref<1024xf32, #tpu.memory_space<vmem_shared>>
          tpu.enqueue_indirect_dma source(%arg12 : memref<8000xf32, #tpu.memory_space<vmem>>) target(%dma_start3A_1015 : memref<1024xf32, #tpu.memory_space<vmem_shared>>) offsets(%arg14 : memref<8000xi32, #tpu.memory_space<vmem>>) semaphore(%arg22 : memref<!tpu.dma_semaphore, #tpu.memory_space<semaphore_mem>>) {add = true}
          %dma_wait3A_1016 = arith.constant 0 : i32
          %dma_wait3A_1017 = tpu.memref_slice %arg20[%dma_wait3A_1016] : memref<1024xf32, #tpu.memory_space<vmem_shared>> -> memref<1024xf32, #tpu.memory_space<vmem_shared>>
          tpu.wait_indirect_dma semaphore(%arg22 : memref<!tpu.dma_semaphore, #tpu.memory_space<semaphore_mem>>) src(%arg12 : memref<8000xf32, #tpu.memory_space<vmem>>) dst(%dma_wait3A_1017 : memref<1024xf32, #tpu.memory_space<vmem_shared>>)
        }
      }
      %while3A_688 = arith.constant 1 : i32
      scf.for %while3A_693 = %while3A_686 to %while3A_682 step %while3A_688  : i32 {
        "tpu.region"() ({
          %run_scoped3A = tpu.sem_alloc : memref<!tpu.dma_semaphore, #tpu.memory_space<semaphore_mem>>
          %dma_start3A_1009 = tpu.memref_slice %arg3[%add3A] : memref<12800000xi32, #tpu.memory_space<hbm>> -> memref<8000xi32, #tpu.memory_space<hbm>>
          %dma_start3A_1010 = tpu.memref_slice %arg3[%add3A] : memref<12800000xi32, #tpu.memory_space<hbm>> -> memref<8000xi32, #tpu.memory_space<hbm>>
          tpu.enqueue_dma source(%dma_start3A_1010 : memref<8000xi32, #tpu.memory_space<hbm>>) target(%arg7 : memref<8000xi32, #tpu.memory_space<vmem>>) target_semaphore(%run_scoped3A : memref<!tpu.dma_semaphore, #tpu.memory_space<semaphore_mem>>)
          %dma_wait3A_1011 = tpu.memref_slice %arg3[%add3A] : memref<12800000xi32, #tpu.memory_space<hbm>> -> memref<8000xi32, #tpu.memory_space<hbm>>
          %dma_wait3A_1012 = tpu.memref_slice %arg3[%add3A] : memref<12800000xi32, #tpu.memory_space<hbm>> -> memref<8000xi32, #tpu.memory_space<hbm>>
          tpu.wait_dma2 semaphore(%run_scoped3A : memref<!tpu.dma_semaphore, #tpu.memory_space<semaphore_mem>>) src(%dma_wait3A_1012 : memref<8000xi32, #tpu.memory_space<hbm>>) dst(%arg7 : memref<8000xi32, #tpu.memory_space<vmem>>)
          tpu.yield
        }) : () -> ()
        %add3A_694 = arith.constant 6400000 : i32
        %add3A_695 = arith.addi %add3A_694, %add3A : i32
        "tpu.region"() ({
          %run_scoped3A = tpu.sem_alloc : memref<!tpu.dma_semaphore, #tpu.memory_space<semaphore_mem>>
          %dma_start3A_1009 = tpu.memref_slice %arg3[%add3A_695] : memref<12800000xi32, #tpu.memory_space<hbm>> -> memref<8000xi32, #tpu.memory_space<hbm>>
          %dma_start3A_1010 = tpu.memref_slice %arg3[%add3A_695] : memref<12800000xi32, #tpu.memory_space<hbm>> -> memref<8000xi32, #tpu.memory_space<hbm>>
          tpu.enqueue_dma source(%dma_start3A_1010 : memref<8000xi32, #tpu.memory_space<hbm>>) target(%arg8 : memref<8000xi32, #tpu.memory_space<vmem>>) target_semaphore(%run_scoped3A : memref<!tpu.dma_semaphore, #tpu.memory_space<semaphore_mem>>)
          %dma_wait3A_1011 = tpu.memref_slice %arg3[%add3A_695] : memref<12800000xi32, #tpu.memory_space<hbm>> -> memref<8000xi32, #tpu.memory_space<hbm>>
          %dma_wait3A_1012 = tpu.memref_slice %arg3[%add3A_695] : memref<12800000xi32, #tpu.memory_space<hbm>> -> memref<8000xi32, #tpu.memory_space<hbm>>
          tpu.wait_dma2 semaphore(%run_scoped3A : memref<!tpu.dma_semaphore, #tpu.memory_space<semaphore_mem>>) src(%dma_wait3A_1012 : memref<8000xi32, #tpu.memory_space<hbm>>) dst(%arg8 : memref<8000xi32, #tpu.memory_space<vmem>>)
          tpu.yield
        }) : () -> ()
        %dma_start3A = arith.constant 0 : i32
        %dma_start3A_696 = tpu.memref_slice %arg2[%dma_start3A] : memref<100000xf32, #tpu.memory_space<hbm>> -> memref<100000xf32, #tpu.memory_space<hbm>>
        tpu.enqueue_indirect_dma source(%dma_start3A_696 : memref<100000xf32, #tpu.memory_space<hbm>>) target(%arg10 : memref<8000xf32, #tpu.memory_space<vmem>>) offsets(%arg7 : memref<8000xi32, #tpu.memory_space<vmem>>) semaphore(%arg21 : memref<!tpu.dma_semaphore, #tpu.memory_space<semaphore_mem>>)
        %dma_start3A_697 = arith.constant 0 : i32
        %dma_start3A_698 = tpu.memref_slice %arg2[%dma_start3A_697] : memref<100000xf32, #tpu.memory_space<hbm>> -> memref<100000xf32, #tpu.memory_space<hbm>>
        tpu.enqueue_indirect_dma source(%dma_start3A_698 : memref<100000xf32, #tpu.memory_space<hbm>>) target(%arg11 : memref<8000xf32, #tpu.memory_space<vmem>>) offsets(%arg8 : memref<8000xi32, #tpu.memory_space<vmem>>) semaphore(%arg22 : memref<!tpu.dma_semaphore, #tpu.memory_space<semaphore_mem>>)
        %dma_start3A_699 = tpu.memref_slice %arg4[%add3A] : memref<6400000xf32, #tpu.memory_space<hbm>> -> memref<8000xf32, #tpu.memory_space<hbm>>
        %dma_start3A_700 = tpu.memref_slice %arg4[%add3A] : memref<6400000xf32, #tpu.memory_space<hbm>> -> memref<8000xf32, #tpu.memory_space<hbm>>
        tpu.enqueue_dma source(%dma_start3A_700 : memref<8000xf32, #tpu.memory_space<hbm>>) target(%arg9 : memref<8000xf32, #tpu.memory_space<vmem>>) target_semaphore(%arg23 : memref<!tpu.dma_semaphore, #tpu.memory_space<semaphore_mem>>)
        %broadcast_in_dim3A_701 = arith.constant 0 : i32
        %broadcast_in_dim3A_702 = vector.broadcast %broadcast_in_dim3A_701 : i32 to vector<16xi32>
        %swap3A_703 = arith.constant 0 : index
        %swap3A_704 = tpu.vector_load %arg16[%swap3A_703] {strides = array<i32>} : memref<16xi32, #tpu.memory_space<vmem>>, vector<16xi32>,
        %swap3A_705 = vector.shape_cast %swap3A_704 : vector<16xi32> to vector<16xi32>
        %swap3A_706 = vector.shape_cast %broadcast_in_dim3A_702 : vector<16xi32> to vector<16xi32>
        tpu.vector_store %arg16[%swap3A_703], %swap3A_706 {strides = array<i32>} : memref<16xi32, #tpu.memory_space<vmem>>, vector<16xi32>,
        %scan3A_707 = arith.constant 0 : i32
        %scan3A_708 = arith.constant 0 : i32
        %scan3A_709 = arith.constant 500 : i32
        %scan3A_710 = arith.addi %scan3A_708, %scan3A_709 : i32
        %scan3A_711 = arith.constant 1 : i32
        scf.for %scan3A_1009 = %scan3A_708 to %scan3A_710 step %scan3A_711  : i32 {
          %mul3A_1010 = arith.constant 16 : i32
          %mul3A_1011 = arith.muli %scan3A_1009, %mul3A_1010 : i32
          %get3A_1012 = arith.index_cast %mul3A_1011 : i32 to index
          %get3A_1013 = tpu.vector_load %arg7[%get3A_1012] {strides = array<i32>} : memref<8000xi32, #tpu.memory_space<vmem>>, vector<16xi32>,
          %get3A_1014 = vector.shape_cast %get3A_1013 : vector<16xi32> to vector<16xi32>
          %mul3A_1015 = arith.constant 16 : i32
          %mul3A_1016 = arith.muli %scan3A_1009, %mul3A_1015 : i32
          %get3A_1017 = arith.index_cast %mul3A_1016 : i32 to index
          %get3A_1018 = tpu.vector_load %arg8[%get3A_1017] {strides = array<i32>} : memref<8000xi32, #tpu.memory_space<vmem>>, vector<16xi32>,
          %get3A_1019 = vector.shape_cast %get3A_1018 : vector<16xi32> to vector<16xi32>
          %get3A_1020 = arith.constant 0 : index
          %get3A_1021 = tpu.vector_load %arg16[%get3A_1020] {strides = array<i32>} : memref<16xi32, #tpu.memory_space<vmem>>, vector<16xi32>,
          %get3A_1022 = vector.shape_cast %get3A_1021 : vector<16xi32> to vector<16xi32>
          %sub3A_1023 = arith.subi %get3A_1019, %get3A_1014 : vector<16xi32>
          %max3A_1024 = arith.constant 0 : i32
          %max3A_1025 = vector.broadcast %max3A_1024 : i32 to vector<16xi32>
          %max3A_1026 = arith.maxsi %sub3A_1023, %max3A_1025 : vector<16xi32>
          %min3A_1027 = arith.constant 1 : i32
          %min3A_1028 = vector.broadcast %min3A_1027 : i32 to vector<16xi32>
          %min3A_1029 = arith.minsi %max3A_1026, %min3A_1028 : vector<16xi32>
          %add3A_1030 = arith.addi %get3A_1022, %min3A_1029 : vector<16xi32>
          %swap3A_1031 = arith.constant 0 : index
          %swap3A_1032 = tpu.vector_load %arg16[%swap3A_1031] {strides = array<i32>} : memref<16xi32, #tpu.memory_space<vmem>>, vector<16xi32>,
          %swap3A_1033 = vector.shape_cast %swap3A_1032 : vector<16xi32> to vector<16xi32>
          %swap3A_1034 = vector.shape_cast %add3A_1030 : vector<16xi32> to vector<16xi32>
          tpu.vector_store %arg16[%swap3A_1031], %swap3A_1034 {strides = array<i32>} : memref<16xi32, #tpu.memory_space<vmem>>, vector<16xi32>,
        }
        %scan3A_712 = arith.constant 500 : i32
        %get3A_713 = arith.constant 0 : index
        %get3A_714 = tpu.vector_load %arg16[%get3A_713] {strides = array<i32>} : memref<16xi32, #tpu.memory_space<vmem>>, vector<16xi32>,
        %get3A_715 = vector.shape_cast %get3A_714 : vector<16xi32> to vector<16xi32>
        %xor3A = arith.constant 1 : i32
        %xor3A_716 = vector.broadcast %xor3A : i32 to vector<16xi32>
        %xor3A_717 = arith.xori %iota3A, %xor3A_716 : vector<16xi32>
        %broadcast_in_dim3A_718 = vector.shape_cast %xor3A_717 : vector<16xi32> to vector<16x1xi32>
        %gather3A = vector.shape_cast %broadcast_in_dim3A_718 : vector<16x1xi32> to vector<16xi32>
        %gather3A_719 = tpu.dynamic_gather %get3A_715[%gather3A] in [0] : vector<16xi32>, vector<16xi32> -> vector<16xi32>
        %add3A_720 = arith.addi %get3A_715, %gather3A_719 : vector<16xi32>
        %xor3A_721 = arith.constant 2 : i32
        %xor3A_722 = vector.broadcast %xor3A_721 : i32 to vector<16xi32>
        %xor3A_723 = arith.xori %iota3A, %xor3A_722 : vector<16xi32>
        %broadcast_in_dim3A_724 = vector.shape_cast %xor3A_723 : vector<16xi32> to vector<16x1xi32>
        %gather3A_725 = vector.shape_cast %broadcast_in_dim3A_724 : vector<16x1xi32> to vector<16xi32>
        %gather3A_726 = tpu.dynamic_gather %add3A_720[%gather3A_725] in [0] : vector<16xi32>, vector<16xi32> -> vector<16xi32>
        %add3A_727 = arith.addi %add3A_720, %gather3A_726 : vector<16xi32>
        %xor3A_728 = arith.constant 4 : i32
        %xor3A_729 = vector.broadcast %xor3A_728 : i32 to vector<16xi32>
        %xor3A_730 = arith.xori %iota3A, %xor3A_729 : vector<16xi32>
        %broadcast_in_dim3A_731 = vector.shape_cast %xor3A_730 : vector<16xi32> to vector<16x1xi32>
        %gather3A_732 = vector.shape_cast %broadcast_in_dim3A_731 : vector<16x1xi32> to vector<16xi32>
        %gather3A_733 = tpu.dynamic_gather %add3A_727[%gather3A_732] in [0] : vector<16xi32>, vector<16xi32> -> vector<16xi32>
        %add3A_734 = arith.addi %add3A_727, %gather3A_733 : vector<16xi32>
        %xor3A_735 = arith.constant 8 : i32
        %xor3A_736 = vector.broadcast %xor3A_735 : i32 to vector<16xi32>
        %xor3A_737 = arith.xori %iota3A, %xor3A_736 : vector<16xi32>
        %broadcast_in_dim3A_738 = vector.shape_cast %xor3A_737 : vector<16xi32> to vector<16x1xi32>
        %gather3A_739 = vector.shape_cast %broadcast_in_dim3A_738 : vector<16x1xi32> to vector<16xi32>
        %gather3A_740 = tpu.dynamic_gather %add3A_734[%gather3A_739] in [0] : vector<16xi32>, vector<16xi32> -> vector<16xi32>
        %add3A_741 = arith.addi %add3A_734, %gather3A_740 : vector<16xi32>
        %swap3A_742 = arith.constant 0 : index
        %swap3A_743 = tpu.vector_load %arg16[%swap3A_742] {strides = array<i32>} : memref<16xi32, #tpu.memory_space<vmem>>, vector<16xi32>,
        %swap3A_744 = vector.shape_cast %swap3A_743 : vector<16xi32> to vector<16xi32>
        %swap3A_745 = vector.shape_cast %add3A_741 : vector<16xi32> to vector<16xi32>
        tpu.vector_store %arg16[%swap3A_742], %swap3A_745 {strides = array<i32>} : memref<16xi32, #tpu.memory_space<vmem>>, vector<16xi32>,
        %mul3A_746 = arith.constant 16 : i32
        %mul3A_747 = arith.muli %arg1, %mul3A_746 : i32
        "tpu.region"() ({
          %run_scoped3A = tpu.sem_alloc : memref<!tpu.dma_semaphore, #tpu.memory_space<semaphore_mem>>
          %dma_start3A_1009 = tpu.memref_slice %arg19[%mul3A_747] : memref<256xi32, #tpu.memory_space<vmem_shared>> -> memref<16xi32, #tpu.memory_space<vmem_shared>>
          %dma_start3A_1010 = tpu.memref_slice %arg19[%mul3A_747] : memref<256xi32, #tpu.memory_space<vmem_shared>> -> memref<16xi32, #tpu.memory_space<vmem_shared>>
          tpu.enqueue_dma source(%arg16 : memref<16xi32, #tpu.memory_space<vmem>>) target(%dma_start3A_1010 : memref<16xi32, #tpu.memory_space<vmem_shared>>) target_semaphore(%run_scoped3A : memref<!tpu.dma_semaphore, #tpu.memory_space<semaphore_mem>>)
          %dma_wait3A_1011 = tpu.memref_slice %arg19[%mul3A_747] : memref<256xi32, #tpu.memory_space<vmem_shared>> -> memref<16xi32, #tpu.memory_space<vmem_shared>>
          %dma_wait3A_1012 = tpu.memref_slice %arg19[%mul3A_747] : memref<256xi32, #tpu.memory_space<vmem_shared>> -> memref<16xi32, #tpu.memory_space<vmem_shared>>
          tpu.wait_dma2 semaphore(%run_scoped3A : memref<!tpu.dma_semaphore, #tpu.memory_space<semaphore_mem>>) src(%arg16 : memref<16xi32, #tpu.memory_space<vmem>>) dst(%dma_wait3A_1012 : memref<16xi32, #tpu.memory_space<vmem_shared>>)
          tpu.yield
        }) : () -> ()
        %barrier3A_748 = arith.constant 0 : index
        tpu.barrier barrier_id(%barrier3A_748)
        "tpu.region"() ({
          %run_scoped3A = tpu.sem_alloc : memref<!tpu.dma_semaphore, #tpu.memory_space<semaphore_mem>>
          tpu.enqueue_dma source(%arg19 : memref<256xi32, #tpu.memory_space<vmem_shared>>) target(%arg18 : memref<256xi32, #tpu.memory_space<vmem>>) target_semaphore(%run_scoped3A : memref<!tpu.dma_semaphore, #tpu.memory_space<semaphore_mem>>)
          tpu.wait_dma2 semaphore(%run_scoped3A : memref<!tpu.dma_semaphore, #tpu.memory_space<semaphore_mem>>) src(%arg19 : memref<256xi32, #tpu.memory_space<vmem_shared>>) dst(%arg18 : memref<256xi32, #tpu.memory_space<vmem>>)
          tpu.yield
        }) : () -> ()
        %barrier3A_749 = arith.constant 0 : index
        tpu.barrier barrier_id(%barrier3A_749)
        %broadcast_in_dim3A_750 = arith.constant 0 : i32
        %broadcast_in_dim3A_751 = vector.broadcast %broadcast_in_dim3A_750 : i32 to vector<16xi32>
        %broadcast_in_dim3A_752 = arith.constant 0 : i32
        %broadcast_in_dim3A_753 = vector.broadcast %broadcast_in_dim3A_752 : i32 to vector<16xi32>
        %get3A_754 = arith.constant 0 : index
        %get3A_755 = tpu.vector_load %arg18[%get3A_754] {strides = array<i32>} : memref<256xi32, #tpu.memory_space<vmem>>, vector<16xi32>,
        %get3A_756 = vector.shape_cast %get3A_755 : vector<16xi32> to vector<16xi32>
        %sub3A_757 = arith.constant 0 : i32
        %sub3A_758 = arith.subi %arg1, %sub3A_757 : i32
        %max3A_759 = arith.constant 0 : i32
        %max3A_760 = arith.maxsi %sub3A_758, %max3A_759 : i32
        %min3A_761 = arith.constant 1 : i32
        %min3A_762 = arith.minsi %max3A_760, %min3A_761 : i32
        %mul3A_763 = vector.broadcast %min3A_762 : i32 to vector<16xi32>
        %mul3A_764 = arith.muli %get3A_756, %mul3A_763 : vector<16xi32>
        %add3A_765 = arith.addi %broadcast_in_dim3A_751, %mul3A_764 : vector<16xi32>
        %add3A_766 = arith.addi %broadcast_in_dim3A_753, %get3A_756 : vector<16xi32>
        %get3A_767 = arith.constant 16 : index
        %get3A_768 = tpu.vector_load %arg18[%get3A_767] {strides = array<i32>} : memref<256xi32, #tpu.memory_space<vmem>>, vector<16xi32>,
        %get3A_769 = vector.shape_cast %get3A_768 : vector<16xi32> to vector<16xi32>
        %sub3A_770 = arith.constant 1 : i32
        %sub3A_771 = arith.subi %arg1, %sub3A_770 : i32
        %max3A_772 = arith.constant 0 : i32
        %max3A_773 = arith.maxsi %sub3A_771, %max3A_772 : i32
        %min3A_774 = arith.constant 1 : i32
        %min3A_775 = arith.minsi %max3A_773, %min3A_774 : i32
        %mul3A_776 = vector.broadcast %min3A_775 : i32 to vector<16xi32>
        %mul3A_777 = arith.muli %get3A_769, %mul3A_776 : vector<16xi32>
        %add3A_778 = arith.addi %add3A_765, %mul3A_777 : vector<16xi32>
        %add3A_779 = arith.addi %add3A_766, %get3A_769 : vector<16xi32>
        %get3A_780 = arith.constant 32 : index
        %get3A_781 = tpu.vector_load %arg18[%get3A_780] {strides = array<i32>} : memref<256xi32, #tpu.memory_space<vmem>>, vector<16xi32>,
        %get3A_782 = vector.shape_cast %get3A_781 : vector<16xi32> to vector<16xi32>
        %sub3A_783 = arith.constant 2 : i32
        %sub3A_784 = arith.subi %arg1, %sub3A_783 : i32
        %max3A_785 = arith.constant 0 : i32
        %max3A_786 = arith.maxsi %sub3A_784, %max3A_785 : i32
        %min3A_787 = arith.constant 1 : i32
        %min3A_788 = arith.minsi %max3A_786, %min3A_787 : i32
        %mul3A_789 = vector.broadcast %min3A_788 : i32 to vector<16xi32>
        %mul3A_790 = arith.muli %get3A_782, %mul3A_789 : vector<16xi32>
        %add3A_791 = arith.addi %add3A_778, %mul3A_790 : vector<16xi32>
        %add3A_792 = arith.addi %add3A_779, %get3A_782 : vector<16xi32>
        %get3A_793 = arith.constant 48 : index
        %get3A_794 = tpu.vector_load %arg18[%get3A_793] {strides = array<i32>} : memref<256xi32, #tpu.memory_space<vmem>>, vector<16xi32>,
        %get3A_795 = vector.shape_cast %get3A_794 : vector<16xi32> to vector<16xi32>
        %sub3A_796 = arith.constant 3 : i32
        %sub3A_797 = arith.subi %arg1, %sub3A_796 : i32
        %max3A_798 = arith.constant 0 : i32
        %max3A_799 = arith.maxsi %sub3A_797, %max3A_798 : i32
        %min3A_800 = arith.constant 1 : i32
        %min3A_801 = arith.minsi %max3A_799, %min3A_800 : i32
        %mul3A_802 = vector.broadcast %min3A_801 : i32 to vector<16xi32>
        %mul3A_803 = arith.muli %get3A_795, %mul3A_802 : vector<16xi32>
        %add3A_804 = arith.addi %add3A_791, %mul3A_803 : vector<16xi32>
        %add3A_805 = arith.addi %add3A_792, %get3A_795 : vector<16xi32>
        %get3A_806 = arith.constant 64 : index
        %get3A_807 = tpu.vector_load %arg18[%get3A_806] {strides = array<i32>} : memref<256xi32, #tpu.memory_space<vmem>>, vector<16xi32>,
        %get3A_808 = vector.shape_cast %get3A_807 : vector<16xi32> to vector<16xi32>
        %sub3A_809 = arith.constant 4 : i32
        %sub3A_810 = arith.subi %arg1, %sub3A_809 : i32
        %max3A_811 = arith.constant 0 : i32
        %max3A_812 = arith.maxsi %sub3A_810, %max3A_811 : i32
        %min3A_813 = arith.constant 1 : i32
        %min3A_814 = arith.minsi %max3A_812, %min3A_813 : i32
        %mul3A_815 = vector.broadcast %min3A_814 : i32 to vector<16xi32>
        %mul3A_816 = arith.muli %get3A_808, %mul3A_815 : vector<16xi32>
        %add3A_817 = arith.addi %add3A_804, %mul3A_816 : vector<16xi32>
        %add3A_818 = arith.addi %add3A_805, %get3A_808 : vector<16xi32>
        %get3A_819 = arith.constant 80 : index
        %get3A_820 = tpu.vector_load %arg18[%get3A_819] {strides = array<i32>} : memref<256xi32, #tpu.memory_space<vmem>>, vector<16xi32>,
        %get3A_821 = vector.shape_cast %get3A_820 : vector<16xi32> to vector<16xi32>
        %sub3A_822 = arith.constant 5 : i32
        %sub3A_823 = arith.subi %arg1, %sub3A_822 : i32
        %max3A_824 = arith.constant 0 : i32
        %max3A_825 = arith.maxsi %sub3A_823, %max3A_824 : i32
        %min3A_826 = arith.constant 1 : i32
        %min3A_827 = arith.minsi %max3A_825, %min3A_826 : i32
        %mul3A_828 = vector.broadcast %min3A_827 : i32 to vector<16xi32>
        %mul3A_829 = arith.muli %get3A_821, %mul3A_828 : vector<16xi32>
        %add3A_830 = arith.addi %add3A_817, %mul3A_829 : vector<16xi32>
        %add3A_831 = arith.addi %add3A_818, %get3A_821 : vector<16xi32>
        %get3A_832 = arith.constant 96 : index
        %get3A_833 = tpu.vector_load %arg18[%get3A_832] {strides = array<i32>} : memref<256xi32, #tpu.memory_space<vmem>>, vector<16xi32>,
        %get3A_834 = vector.shape_cast %get3A_833 : vector<16xi32> to vector<16xi32>
        %sub3A_835 = arith.constant 6 : i32
        %sub3A_836 = arith.subi %arg1, %sub3A_835 : i32
        %max3A_837 = arith.constant 0 : i32
        %max3A_838 = arith.maxsi %sub3A_836, %max3A_837 : i32
        %min3A_839 = arith.constant 1 : i32
        %min3A_840 = arith.minsi %max3A_838, %min3A_839 : i32
        %mul3A_841 = vector.broadcast %min3A_840 : i32 to vector<16xi32>
        %mul3A_842 = arith.muli %get3A_834, %mul3A_841 : vector<16xi32>
        %add3A_843 = arith.addi %add3A_830, %mul3A_842 : vector<16xi32>
        %add3A_844 = arith.addi %add3A_831, %get3A_834 : vector<16xi32>
        %get3A_845 = arith.constant 112 : index
        %get3A_846 = tpu.vector_load %arg18[%get3A_845] {strides = array<i32>} : memref<256xi32, #tpu.memory_space<vmem>>, vector<16xi32>,
        %get3A_847 = vector.shape_cast %get3A_846 : vector<16xi32> to vector<16xi32>
        %sub3A_848 = arith.constant 7 : i32
        %sub3A_849 = arith.subi %arg1, %sub3A_848 : i32
        %max3A_850 = arith.constant 0 : i32
        %max3A_851 = arith.maxsi %sub3A_849, %max3A_850 : i32
        %min3A_852 = arith.constant 1 : i32
        %min3A_853 = arith.minsi %max3A_851, %min3A_852 : i32
        %mul3A_854 = vector.broadcast %min3A_853 : i32 to vector<16xi32>
        %mul3A_855 = arith.muli %get3A_847, %mul3A_854 : vector<16xi32>
        %add3A_856 = arith.addi %add3A_843, %mul3A_855 : vector<16xi32>
        %add3A_857 = arith.addi %add3A_844, %get3A_847 : vector<16xi32>
        %get3A_858 = arith.constant 128 : index
        %get3A_859 = tpu.vector_load %arg18[%get3A_858] {strides = array<i32>} : memref<256xi32, #tpu.memory_space<vmem>>, vector<16xi32>,
        %get3A_860 = vector.shape_cast %get3A_859 : vector<16xi32> to vector<16xi32>
        %sub3A_861 = arith.constant 8 : i32
        %sub3A_862 = arith.subi %arg1, %sub3A_861 : i32
        %max3A_863 = arith.constant 0 : i32
        %max3A_864 = arith.maxsi %sub3A_862, %max3A_863 : i32
        %min3A_865 = arith.constant 1 : i32
        %min3A_866 = arith.minsi %max3A_864, %min3A_865 : i32
        %mul3A_867 = vector.broadcast %min3A_866 : i32 to vector<16xi32>
        %mul3A_868 = arith.muli %get3A_860, %mul3A_867 : vector<16xi32>
        %add3A_869 = arith.addi %add3A_856, %mul3A_868 : vector<16xi32>
        %add3A_870 = arith.addi %add3A_857, %get3A_860 : vector<16xi32>
        %get3A_871 = arith.constant 144 : index
        %get3A_872 = tpu.vector_load %arg18[%get3A_871] {strides = array<i32>} : memref<256xi32, #tpu.memory_space<vmem>>, vector<16xi32>,
        %get3A_873 = vector.shape_cast %get3A_872 : vector<16xi32> to vector<16xi32>
        %sub3A_874 = arith.constant 9 : i32
        %sub3A_875 = arith.subi %arg1, %sub3A_874 : i32
        %max3A_876 = arith.constant 0 : i32
        %max3A_877 = arith.maxsi %sub3A_875, %max3A_876 : i32
        %min3A_878 = arith.constant 1 : i32
        %min3A_879 = arith.minsi %max3A_877, %min3A_878 : i32
        %mul3A_880 = vector.broadcast %min3A_879 : i32 to vector<16xi32>
        %mul3A_881 = arith.muli %get3A_873, %mul3A_880 : vector<16xi32>
        %add3A_882 = arith.addi %add3A_869, %mul3A_881 : vector<16xi32>
        %add3A_883 = arith.addi %add3A_870, %get3A_873 : vector<16xi32>
        %get3A_884 = arith.constant 160 : index
        %get3A_885 = tpu.vector_load %arg18[%get3A_884] {strides = array<i32>} : memref<256xi32, #tpu.memory_space<vmem>>, vector<16xi32>,
        %get3A_886 = vector.shape_cast %get3A_885 : vector<16xi32> to vector<16xi32>
        %sub3A_887 = arith.constant 10 : i32
        %sub3A_888 = arith.subi %arg1, %sub3A_887 : i32
        %max3A_889 = arith.constant 0 : i32
        %max3A_890 = arith.maxsi %sub3A_888, %max3A_889 : i32
        %min3A_891 = arith.constant 1 : i32
        %min3A_892 = arith.minsi %max3A_890, %min3A_891 : i32
        %mul3A_893 = vector.broadcast %min3A_892 : i32 to vector<16xi32>
        %mul3A_894 = arith.muli %get3A_886, %mul3A_893 : vector<16xi32>
        %add3A_895 = arith.addi %add3A_882, %mul3A_894 : vector<16xi32>
        %add3A_896 = arith.addi %add3A_883, %get3A_886 : vector<16xi32>
        %get3A_897 = arith.constant 176 : index
        %get3A_898 = tpu.vector_load %arg18[%get3A_897] {strides = array<i32>} : memref<256xi32, #tpu.memory_space<vmem>>, vector<16xi32>,
        %get3A_899 = vector.shape_cast %get3A_898 : vector<16xi32> to vector<16xi32>
        %sub3A_900 = arith.constant 11 : i32
        %sub3A_901 = arith.subi %arg1, %sub3A_900 : i32
        %max3A_902 = arith.constant 0 : i32
        %max3A_903 = arith.maxsi %sub3A_901, %max3A_902 : i32
        %min3A_904 = arith.constant 1 : i32
        %min3A_905 = arith.minsi %max3A_903, %min3A_904 : i32
        %mul3A_906 = vector.broadcast %min3A_905 : i32 to vector<16xi32>
        %mul3A_907 = arith.muli %get3A_899, %mul3A_906 : vector<16xi32>
        %add3A_908 = arith.addi %add3A_895, %mul3A_907 : vector<16xi32>
        %add3A_909 = arith.addi %add3A_896, %get3A_899 : vector<16xi32>
        %get3A_910 = arith.constant 192 : index
        %get3A_911 = tpu.vector_load %arg18[%get3A_910] {strides = array<i32>} : memref<256xi32, #tpu.memory_space<vmem>>, vector<16xi32>,
        %get3A_912 = vector.shape_cast %get3A_911 : vector<16xi32> to vector<16xi32>
        %sub3A_913 = arith.constant 12 : i32
        %sub3A_914 = arith.subi %arg1, %sub3A_913 : i32
        %max3A_915 = arith.constant 0 : i32
        %max3A_916 = arith.maxsi %sub3A_914, %max3A_915 : i32
        %min3A_917 = arith.constant 1 : i32
        %min3A_918 = arith.minsi %max3A_916, %min3A_917 : i32
        %mul3A_919 = vector.broadcast %min3A_918 : i32 to vector<16xi32>
        %mul3A_920 = arith.muli %get3A_912, %mul3A_919 : vector<16xi32>
        %add3A_921 = arith.addi %add3A_908, %mul3A_920 : vector<16xi32>
        %add3A_922 = arith.addi %add3A_909, %get3A_912 : vector<16xi32>
        %get3A_923 = arith.constant 208 : index
        %get3A_924 = tpu.vector_load %arg18[%get3A_923] {strides = array<i32>} : memref<256xi32, #tpu.memory_space<vmem>>, vector<16xi32>,
        %get3A_925 = vector.shape_cast %get3A_924 : vector<16xi32> to vector<16xi32>
        %sub3A_926 = arith.constant 13 : i32
        %sub3A_927 = arith.subi %arg1, %sub3A_926 : i32
        %max3A_928 = arith.constant 0 : i32
        %max3A_929 = arith.maxsi %sub3A_927, %max3A_928 : i32
        %min3A_930 = arith.constant 1 : i32
        %min3A_931 = arith.minsi %max3A_929, %min3A_930 : i32
        %mul3A_932 = vector.broadcast %min3A_931 : i32 to vector<16xi32>
        %mul3A_933 = arith.muli %get3A_925, %mul3A_932 : vector<16xi32>
        %add3A_934 = arith.addi %add3A_921, %mul3A_933 : vector<16xi32>
        %add3A_935 = arith.addi %add3A_922, %get3A_925 : vector<16xi32>
        %get3A_936 = arith.constant 224 : index
        %get3A_937 = tpu.vector_load %arg18[%get3A_936] {strides = array<i32>} : memref<256xi32, #tpu.memory_space<vmem>>, vector<16xi32>,
        %get3A_938 = vector.shape_cast %get3A_937 : vector<16xi32> to vector<16xi32>
        %sub3A_939 = arith.constant 14 : i32
        %sub3A_940 = arith.subi %arg1, %sub3A_939 : i32
        %max3A_941 = arith.constant 0 : i32
        %max3A_942 = arith.maxsi %sub3A_940, %max3A_941 : i32
        %min3A_943 = arith.constant 1 : i32
        %min3A_944 = arith.minsi %max3A_942, %min3A_943 : i32
        %mul3A_945 = vector.broadcast %min3A_944 : i32 to vector<16xi32>
        %mul3A_946 = arith.muli %get3A_938, %mul3A_945 : vector<16xi32>
        %add3A_947 = arith.addi %add3A_934, %mul3A_946 : vector<16xi32>
        %add3A_948 = arith.addi %add3A_935, %get3A_938 : vector<16xi32>
        %get3A_949 = arith.constant 240 : index
        %get3A_950 = tpu.vector_load %arg18[%get3A_949] {strides = array<i32>} : memref<256xi32, #tpu.memory_space<vmem>>, vector<16xi32>,
        %get3A_951 = vector.shape_cast %get3A_950 : vector<16xi32> to vector<16xi32>
        %sub3A_952 = arith.constant 15 : i32
        %sub3A_953 = arith.subi %arg1, %sub3A_952 : i32
        %max3A_954 = arith.constant 0 : i32
        %max3A_955 = arith.maxsi %sub3A_953, %max3A_954 : i32
        %min3A_956 = arith.constant 1 : i32
        %min3A_957 = arith.minsi %max3A_955, %min3A_956 : i32
        %mul3A_958 = vector.broadcast %min3A_957 : i32 to vector<16xi32>
        %mul3A_959 = arith.muli %get3A_951, %mul3A_958 : vector<16xi32>
        %add3A_960 = arith.addi %add3A_947, %mul3A_959 : vector<16xi32>
        %add3A_961 = arith.addi %add3A_948, %get3A_951 : vector<16xi32>
        %slice3A_962 = vector.extract_strided_slice %add3A_960 {offsets = [0], sizes = [1], strides = [1]} : vector<16xi32> to vector<1xi32>
        %squeeze3A_963 = vector.extract %slice3A_962[0] : i32 from vector<1xi32>
        %add3A_964 = arith.addi %squeeze3A_963, %scan3A_666 : i32
        %swap3A_965 = arith.constant 0 : index
        %swap3A_966 = tpu.vector_load %arg16[%swap3A_965] {strides = array<i32>} : memref<16xi32, #tpu.memory_space<vmem>>, vector<16xi32>,
        %swap3A_967 = vector.shape_cast %swap3A_966 : vector<16xi32> to vector<16xi32>
        %swap3A_968 = vector.shape_cast %add3A_961 : vector<16xi32> to vector<16xi32>
        tpu.vector_store %arg16[%swap3A_965], %swap3A_968 {strides = array<i32>} : memref<16xi32, #tpu.memory_space<vmem>>, vector<16xi32>,
        %dma_wait3A = arith.constant 0 : i32
        %dma_wait3A_969 = tpu.memref_slice %arg2[%dma_wait3A] : memref<100000xf32, #tpu.memory_space<hbm>> -> memref<100000xf32, #tpu.memory_space<hbm>>
        tpu.wait_indirect_dma semaphore(%arg21 : memref<!tpu.dma_semaphore, #tpu.memory_space<semaphore_mem>>) src(%dma_wait3A_969 : memref<100000xf32, #tpu.memory_space<hbm>>) dst(%arg10 : memref<8000xf32, #tpu.memory_space<vmem>>)
        %dma_wait3A_970 = arith.constant 0 : i32
        %dma_wait3A_971 = tpu.memref_slice %arg2[%dma_wait3A_970] : memref<100000xf32, #tpu.memory_space<hbm>> -> memref<100000xf32, #tpu.memory_space<hbm>>
        tpu.wait_indirect_dma semaphore(%arg22 : memref<!tpu.dma_semaphore, #tpu.memory_space<semaphore_mem>>) src(%dma_wait3A_971 : memref<100000xf32, #tpu.memory_space<hbm>>) dst(%arg11 : memref<8000xf32, #tpu.memory_space<vmem>>)
        %dma_wait3A_972 = tpu.memref_slice %arg4[%add3A] : memref<6400000xf32, #tpu.memory_space<hbm>> -> memref<8000xf32, #tpu.memory_space<hbm>>
        %dma_wait3A_973 = tpu.memref_slice %arg4[%add3A] : memref<6400000xf32, #tpu.memory_space<hbm>> -> memref<8000xf32, #tpu.memory_space<hbm>>
        tpu.wait_dma2 semaphore(%arg23 : memref<!tpu.dma_semaphore, #tpu.memory_space<semaphore_mem>>) src(%dma_wait3A_973 : memref<8000xf32, #tpu.memory_space<hbm>>) dst(%arg9 : memref<8000xf32, #tpu.memory_space<vmem>>)
        %sub3A_974 = arith.constant 100000 : i32
        %sub3A_975 = arith.subi %sub3A_974, %add3A_964 : i32
        %max3A_976 = arith.constant 0 : i32
        %max3A_977 = arith.maxsi %sub3A_975, %max3A_976 : i32
        %min3A_978 = arith.constant 1 : i32
        %min3A_979 = arith.minsi %max3A_977, %min3A_978 : i32
        %broadcast_in_dim3A_980 = vector.broadcast %add3A_964 : i32 to vector<16xi32>
        %broadcast_in_dim3A_981 = arith.constant 0 : i32
        %broadcast_in_dim3A_982 = vector.broadcast %broadcast_in_dim3A_981 : i32 to vector<16xi32>
        %swap3A_983 = arith.constant 0 : index
        %swap3A_984 = tpu.vector_load %arg17[%swap3A_983] {strides = array<i32>} : memref<16xi32, #tpu.memory_space<vmem>>, vector<16xi32>,
        %swap3A_985 = vector.shape_cast %swap3A_984 : vector<16xi32> to vector<16xi32>
        %swap3A_986 = vector.shape_cast %broadcast_in_dim3A_982 : vector<16xi32> to vector<16xi32>
        tpu.vector_store %arg17[%swap3A_983], %swap3A_986 {strides = array<i32>} : memref<16xi32, #tpu.memory_space<vmem>>, vector<16xi32>,
        %mul3A_987 = arith.constant 500 : i32
        %mul3A_988 = arith.muli %mul3A_987, %min3A_979 : i32
        %while3A_989 = arith.constant 0 : i32
        %while3A_990 = arith.constant 0 : i32
        %while3A_991 = arith.subi %mul3A_988, %while3A_990 : i32
        %while3A_992 = arith.addi %while3A_990, %while3A_991 : i32
        %while3A_993 = arith.constant 1 : i32
        %while3A_994 = arith.divsi %while3A_991, %while3A_993 : i32
        %while3A_995 = arith.muli %while3A_994, %while3A_993 : i32
        %while3A_996 = arith.addi %while3A_990, %while3A_995 : i32
        %while3A_997 = arith.constant 1 : i32
        scf.for %while3A_1009 = %while3A_990 to %while3A_996 step %while3A_997  : i32 {
          %get3A_1010 = arith.constant 0 : index
          %get3A_1011 = tpu.vector_load %arg17[%get3A_1010] {strides = array<i32>} : memref<16xi32, #tpu.memory_space<vmem>>, vector<16xi32>,
          %get3A_1012 = vector.shape_cast %get3A_1011 : vector<16xi32> to vector<16xi32>
          %mul3A_1013 = arith.constant 16 : i32
          %mul3A_1014 = arith.muli %while3A_1009, %mul3A_1013 : i32
          %get3A_1015 = arith.index_cast %mul3A_1014 : i32 to index
          %get3A_1016 = tpu.vector_load %arg7[%get3A_1015] {strides = array<i32>} : memref<8000xi32, #tpu.memory_space<vmem>>, vector<16xi32>,
          %get3A_1017 = vector.shape_cast %get3A_1016 : vector<16xi32> to vector<16xi32>
          %mul3A_1018 = arith.constant 16 : i32
          %mul3A_1019 = arith.muli %while3A_1009, %mul3A_1018 : i32
          %get3A_1020 = arith.index_cast %mul3A_1019 : i32 to index
          %get3A_1021 = tpu.vector_load %arg8[%get3A_1020] {strides = array<i32>} : memref<8000xi32, #tpu.memory_space<vmem>>, vector<16xi32>,
          %get3A_1022 = vector.shape_cast %get3A_1021 : vector<16xi32> to vector<16xi32>
          %mul3A_1023 = arith.constant 16 : i32
          %mul3A_1024 = arith.muli %while3A_1009, %mul3A_1023 : i32
          %get3A_1025 = arith.index_cast %mul3A_1024 : i32 to index
          %get3A_1026 = tpu.vector_load %arg9[%get3A_1025] {strides = array<i32>} : memref<8000xf32, #tpu.memory_space<vmem>>, vector<16xf32>,
          %get3A_1027 = vector.shape_cast %get3A_1026 : vector<16xf32> to vector<16xf32>
          %mul3A_1028 = arith.constant 16 : i32
          %mul3A_1029 = arith.muli %while3A_1009, %mul3A_1028 : i32
          %get3A_1030 = arith.index_cast %mul3A_1029 : i32 to index
          %get3A_1031 = tpu.vector_load %arg10[%get3A_1030] {strides = array<i32>} : memref<8000xf32, #tpu.memory_space<vmem>>, vector<16xf32>,
          %get3A_1032 = vector.shape_cast %get3A_1031 : vector<16xf32> to vector<16xf32>
          %mul3A_1033 = arith.constant 16 : i32
          %mul3A_1034 = arith.muli %while3A_1009, %mul3A_1033 : i32
          %get3A_1035 = arith.index_cast %mul3A_1034 : i32 to index
          %get3A_1036 = tpu.vector_load %arg11[%get3A_1035] {strides = array<i32>} : memref<8000xf32, #tpu.memory_space<vmem>>, vector<16xf32>,
          %get3A_1037 = vector.shape_cast %get3A_1036 : vector<16xf32> to vector<16xf32>
          %sub3A_1038 = arith.subi %get3A_1022, %get3A_1017 : vector<16xi32>
          %max3A_1039 = arith.constant 0 : i32
          %max3A_1040 = vector.broadcast %max3A_1039 : i32 to vector<16xi32>
          %max3A_1041 = arith.maxsi %sub3A_1038, %max3A_1040 : vector<16xi32>
          %min3A_1042 = arith.constant 1 : i32
          %min3A_1043 = vector.broadcast %min3A_1042 : i32 to vector<16xi32>
          %min3A_1044 = arith.minsi %max3A_1041, %min3A_1043 : vector<16xi32>
          %sub3A_1045 = arith.constant 1 : i32
          %sub3A_1046 = vector.broadcast %sub3A_1045 : i32 to vector<16xi32>
          %sub3A_1047 = arith.subi %iota3A, %sub3A_1046 : vector<16xi32>
          %max3A_1048 = arith.constant 0 : i32
          %max3A_1049 = vector.broadcast %max3A_1048 : i32 to vector<16xi32>
          %max3A_1050 = arith.maxsi %sub3A_1047, %max3A_1049 : vector<16xi32>
          %broadcast_in_dim3A_1051 = vector.shape_cast %max3A_1050 : vector<16xi32> to vector<16x1xi32>
          %gather3A_1052 = vector.shape_cast %broadcast_in_dim3A_1051 : vector<16x1xi32> to vector<16xi32>
          %gather3A_1053 = tpu.dynamic_gather %min3A_1044[%gather3A_1052] in [0] : vector<16xi32>, vector<16xi32> -> vector<16xi32>
          %sub3A_1054 = arith.constant 0 : i32
          %sub3A_1055 = vector.broadcast %sub3A_1054 : i32 to vector<16xi32>
          %sub3A_1056 = arith.subi %iota3A, %sub3A_1055 : vector<16xi32>
          %max3A_1057 = arith.constant 0 : i32
          %max3A_1058 = vector.broadcast %max3A_1057 : i32 to vector<16xi32>
          %max3A_1059 = arith.maxsi %sub3A_1056, %max3A_1058 : vector<16xi32>
          %min3A_1060 = arith.constant 1 : i32
          %min3A_1061 = vector.broadcast %min3A_1060 : i32 to vector<16xi32>
          %min3A_1062 = arith.minsi %max3A_1059, %min3A_1061 : vector<16xi32>
          %mul3A_1063 = arith.muli %gather3A_1053, %min3A_1062 : vector<16xi32>
          %add3A_1064 = arith.addi %min3A_1044, %mul3A_1063 : vector<16xi32>
          %sub3A_1065 = arith.constant 2 : i32
          %sub3A_1066 = vector.broadcast %sub3A_1065 : i32 to vector<16xi32>
          %sub3A_1067 = arith.subi %iota3A, %sub3A_1066 : vector<16xi32>
          %max3A_1068 = arith.constant 0 : i32
          %max3A_1069 = vector.broadcast %max3A_1068 : i32 to vector<16xi32>
          %max3A_1070 = arith.maxsi %sub3A_1067, %max3A_1069 : vector<16xi32>
          %broadcast_in_dim3A_1071 = vector.shape_cast %max3A_1070 : vector<16xi32> to vector<16x1xi32>
          %gather3A_1072 = vector.shape_cast %broadcast_in_dim3A_1071 : vector<16x1xi32> to vector<16xi32>
          %gather3A_1073 = tpu.dynamic_gather %add3A_1064[%gather3A_1072] in [0] : vector<16xi32>, vector<16xi32> -> vector<16xi32>
          %sub3A_1074 = arith.constant 1 : i32
          %sub3A_1075 = vector.broadcast %sub3A_1074 : i32 to vector<16xi32>
          %sub3A_1076 = arith.subi %iota3A, %sub3A_1075 : vector<16xi32>
          %max3A_1077 = arith.constant 0 : i32
          %max3A_1078 = vector.broadcast %max3A_1077 : i32 to vector<16xi32>
          %max3A_1079 = arith.maxsi %sub3A_1076, %max3A_1078 : vector<16xi32>
          %min3A_1080 = arith.constant 1 : i32
          %min3A_1081 = vector.broadcast %min3A_1080 : i32 to vector<16xi32>
          %min3A_1082 = arith.minsi %max3A_1079, %min3A_1081 : vector<16xi32>
          %mul3A_1083 = arith.muli %gather3A_1073, %min3A_1082 : vector<16xi32>
          %add3A_1084 = arith.addi %add3A_1064, %mul3A_1083 : vector<16xi32>
          %sub3A_1085 = arith.constant 4 : i32
          %sub3A_1086 = vector.broadcast %sub3A_1085 : i32 to vector<16xi32>
          %sub3A_1087 = arith.subi %iota3A, %sub3A_1086 : vector<16xi32>
          %max3A_1088 = arith.constant 0 : i32
          %max3A_1089 = vector.broadcast %max3A_1088 : i32 to vector<16xi32>
          %max3A_1090 = arith.maxsi %sub3A_1087, %max3A_1089 : vector<16xi32>
          %broadcast_in_dim3A_1091 = vector.shape_cast %max3A_1090 : vector<16xi32> to vector<16x1xi32>
          %gather3A_1092 = vector.shape_cast %broadcast_in_dim3A_1091 : vector<16x1xi32> to vector<16xi32>
          %gather3A_1093 = tpu.dynamic_gather %add3A_1084[%gather3A_1092] in [0] : vector<16xi32>, vector<16xi32> -> vector<16xi32>
          %sub3A_1094 = arith.constant 3 : i32
          %sub3A_1095 = vector.broadcast %sub3A_1094 : i32 to vector<16xi32>
          %sub3A_1096 = arith.subi %iota3A, %sub3A_1095 : vector<16xi32>
          %max3A_1097 = arith.constant 0 : i32
          %max3A_1098 = vector.broadcast %max3A_1097 : i32 to vector<16xi32>
          %max3A_1099 = arith.maxsi %sub3A_1096, %max3A_1098 : vector<16xi32>
          %min3A_1100 = arith.constant 1 : i32
          %min3A_1101 = vector.broadcast %min3A_1100 : i32 to vector<16xi32>
          %min3A_1102 = arith.minsi %max3A_1099, %min3A_1101 : vector<16xi32>
          %mul3A_1103 = arith.muli %gather3A_1093, %min3A_1102 : vector<16xi32>
          %add3A_1104 = arith.addi %add3A_1084, %mul3A_1103 : vector<16xi32>
          %sub3A_1105 = arith.constant 8 : i32
          %sub3A_1106 = vector.broadcast %sub3A_1105 : i32 to vector<16xi32>
          %sub3A_1107 = arith.subi %iota3A, %sub3A_1106 : vector<16xi32>
          %max3A_1108 = arith.constant 0 : i32
          %max3A_1109 = vector.broadcast %max3A_1108 : i32 to vector<16xi32>
          %max3A_1110 = arith.maxsi %sub3A_1107, %max3A_1109 : vector<16xi32>
          %broadcast_in_dim3A_1111 = vector.shape_cast %max3A_1110 : vector<16xi32> to vector<16x1xi32>
          %gather3A_1112 = vector.shape_cast %broadcast_in_dim3A_1111 : vector<16x1xi32> to vector<16xi32>
          %gather3A_1113 = tpu.dynamic_gather %add3A_1104[%gather3A_1112] in [0] : vector<16xi32>, vector<16xi32> -> vector<16xi32>
          %sub3A_1114 = arith.constant 7 : i32
          %sub3A_1115 = vector.broadcast %sub3A_1114 : i32 to vector<16xi32>
          %sub3A_1116 = arith.subi %iota3A, %sub3A_1115 : vector<16xi32>
          %max3A_1117 = arith.constant 0 : i32
          %max3A_1118 = vector.broadcast %max3A_1117 : i32 to vector<16xi32>
          %max3A_1119 = arith.maxsi %sub3A_1116, %max3A_1118 : vector<16xi32>
          %min3A_1120 = arith.constant 1 : i32
          %min3A_1121 = vector.broadcast %min3A_1120 : i32 to vector<16xi32>
          %min3A_1122 = arith.minsi %max3A_1119, %min3A_1121 : vector<16xi32>
          %mul3A_1123 = arith.muli %gather3A_1113, %min3A_1122 : vector<16xi32>
          %add3A_1124 = arith.addi %add3A_1104, %mul3A_1123 : vector<16xi32>
          %add3A_1125 = arith.addi %get3A_1012, %add3A_1124 : vector<16xi32>
          %sub3A_1126 = arith.subi %add3A_1125, %min3A_1044 : vector<16xi32>
          %add3A_1127 = arith.addi %sub3A_1126, %broadcast_in_dim3A_980 : vector<16xi32>
          %sub3A_1128 = arith.subi %broadcast_in_dim3A_2, %add3A_1127 : vector<16xi32>
          %max3A_1129 = arith.constant 0 : i32
          %max3A_1130 = vector.broadcast %max3A_1129 : i32 to vector<16xi32>
          %max3A_1131 = arith.maxsi %sub3A_1128, %max3A_1130 : vector<16xi32>
          %min3A_1132 = arith.constant 1 : i32
          %min3A_1133 = vector.broadcast %min3A_1132 : i32 to vector<16xi32>
          %min3A_1134 = arith.minsi %max3A_1131, %min3A_1133 : vector<16xi32>
          %mul3A_1135 = arith.muli %min3A_1044, %min3A_1134 : vector<16xi32>
          %convert_element_type3A = arith.sitofp %mul3A_1135 : vector<16xi32> to vector<16xf32>
          %max3A_1136 = arith.constant 1.000000e-35 : f32
          %max3A_1137 = vector.broadcast %max3A_1136 : f32 to vector<16xf32>
          %max3A_1138 = arith.maximumf %get3A_1027, %max3A_1137 : vector<16xf32>
          %mul3A_1139 = arith.constant 4.000000e+00 : f32
          %mul3A_1140 = vector.broadcast %mul3A_1139 : f32 to vector<16xf32>
          %mul3A_1141 = arith.mulf %get3A_1027, %mul3A_1140 : vector<16xf32>
          %mul3A_1142 = arith.mulf %mul3A_1141, %mul3A_1141 : vector<16xf32>
          %mul3A_1143 = arith.mulf %mul3A_1142, %mul3A_1141 : vector<16xf32>
          %mul3A_1144 = arith.constant 6.000000e+00 : f32
          %mul3A_1145 = vector.broadcast %mul3A_1144 : f32 to vector<16xf32>
          %mul3A_1146 = arith.mulf %mul3A_1145, %mul3A_1141 : vector<16xf32>
          %sub3A_1147 = arith.constant 1.500000e+01 : f32
          %sub3A_1148 = vector.broadcast %sub3A_1147 : f32 to vector<16xf32>
          %sub3A_1149 = arith.subf %sub3A_1148, %mul3A_1146 : vector<16xf32>
          %mul3A_1150 = arith.mulf %mul3A_1141, %sub3A_1149 : vector<16xf32>
          %add3A_1151 = arith.constant -1.000000e+01 : f32
          %add3A_1152 = vector.broadcast %add3A_1151 : f32 to vector<16xf32>
          %add3A_1153 = arith.addf %add3A_1152, %mul3A_1150 : vector<16xf32>
          %mul3A_1154 = arith.mulf %mul3A_1143, %add3A_1153 : vector<16xf32>
          %add3A_1155 = arith.constant 1.000000e+00 : f32
          %add3A_1156 = vector.broadcast %add3A_1155 : f32 to vector<16xf32>
          %add3A_1157 = arith.addf %add3A_1156, %mul3A_1154 : vector<16xf32>
          %sub3A_1158 = arith.constant 2.500000e-01 : f32
          %sub3A_1159 = vector.broadcast %sub3A_1158 : f32 to vector<16xf32>
          %sub3A_1160 = arith.subf %sub3A_1159, %get3A_1027 : vector<16xf32>
          %sign3A = tpu.bitcast %sub3A_1160 : vector<16xf32> -> vector<16xi32>
          %sign3A_1161 = arith.constant -2147483648 : i32
          %sign3A_1162 = vector.broadcast %sign3A_1161 : i32 to vector<16xi32>
          %sign3A_1163 = arith.andi %sign3A, %sign3A_1162 : vector<16xi32>
          %sign3A_1164 = arith.constant 1065353216 : i32
          %sign3A_1165 = vector.broadcast %sign3A_1164 : i32 to vector<16xi32>
          %sign3A_1166 = arith.ori %sign3A_1165, %sign3A_1163 : vector<16xi32>
          %sign3A_1167 = tpu.bitcast %sign3A_1166 : vector<16xi32> -> vector<16xf32>
          %sign3A_1168 = math.absf %sub3A_1160 : vector<16xf32>
          %sign3A_1169 = arith.constant 0.000000e+00 : f32
          %sign3A_1170 = vector.broadcast %sign3A_1169 : f32 to vector<16xf32>
          %sign3A_1171 = arith.cmpf ogt, %sign3A_1168, %sign3A_1170 : vector<16xf32>
          %sign3A_1172 = arith.select %sign3A_1171, %sign3A_1167, %sub3A_1160 : vector<16xi1>, vector<16xf32>
          %max3A_1173 = arith.constant 0.000000e+00 : f32
          %max3A_1174 = vector.broadcast %max3A_1173 : f32 to vector<16xf32>
          %max3A_1175 = arith.maximumf %sign3A_1172, %max3A_1174 : vector<16xf32>
          %mul3A_1176 = arith.mulf %add3A_1157, %max3A_1175 : vector<16xf32>
          %mul3A_1177 = arith.mulf %get3A_1027, %get3A_1027 : vector<16xf32>
          %add3A_1178 = arith.constant 1.000000e+00 : f32
          %add3A_1179 = vector.broadcast %add3A_1178 : f32 to vector<16xf32>
          %add3A_1180 = arith.addf %mul3A_1177, %add3A_1179 : vector<16xf32>
          %mul3A_1181 = arith.constant 2.900000e-01 : f32
          %mul3A_1182 = vector.broadcast %mul3A_1181 : f32 to vector<16xf32>
          %mul3A_1183 = arith.mulf %mul3A_1182, %add3A_1180 : vector<16xf32>
          %sub3A_1184 = arith.constant 1.280000e+00 : f32
          %sub3A_1185 = vector.broadcast %sub3A_1184 : f32 to vector<16xf32>
          %sub3A_1186 = arith.subf %sub3A_1185, %mul3A_1183 : vector<16xf32>
          %mul3A_1187 = arith.constant 5.000000e-01 : f32
          %mul3A_1188 = vector.broadcast %mul3A_1187 : f32 to vector<16xf32>
          %mul3A_1189 = arith.mulf %mul3A_1188, %add3A_1180 : vector<16xf32>
          %mul3A_1190 = arith.mulf %mul3A_1189, %sub3A_1186 : vector<16xf32>
          %mul3A_1191 = arith.mulf %mul3A_1190, %sub3A_1186 : vector<16xf32>
          %sub3A_1192 = arith.constant 1.500000e+00 : f32
          %sub3A_1193 = vector.broadcast %sub3A_1192 : f32 to vector<16xf32>
          %sub3A_1194 = arith.subf %sub3A_1193, %mul3A_1191 : vector<16xf32>
          %mul3A_1195 = arith.mulf %sub3A_1186, %sub3A_1194 : vector<16xf32>
          %mul3A_1196 = arith.constant 5.000000e-01 : f32
          %mul3A_1197 = vector.broadcast %mul3A_1196 : f32 to vector<16xf32>
          %mul3A_1198 = arith.mulf %mul3A_1197, %add3A_1180 : vector<16xf32>
          %mul3A_1199 = arith.mulf %mul3A_1198, %mul3A_1195 : vector<16xf32>
          %mul3A_1200 = arith.mulf %mul3A_1199, %mul3A_1195 : vector<16xf32>
          %sub3A_1201 = arith.constant 1.500000e+00 : f32
          %sub3A_1202 = vector.broadcast %sub3A_1201 : f32 to vector<16xf32>
          %sub3A_1203 = arith.subf %sub3A_1202, %mul3A_1200 : vector<16xf32>
          %mul3A_1204 = arith.mulf %mul3A_1195, %sub3A_1203 : vector<16xf32>
          %mul3A_1205 = arith.constant 5.000000e-01 : f32
          %mul3A_1206 = vector.broadcast %mul3A_1205 : f32 to vector<16xf32>
          %mul3A_1207 = arith.mulf %mul3A_1206, %add3A_1180 : vector<16xf32>
          %mul3A_1208 = arith.mulf %mul3A_1207, %mul3A_1204 : vector<16xf32>
          %mul3A_1209 = arith.mulf %mul3A_1208, %mul3A_1204 : vector<16xf32>
          %sub3A_1210 = arith.constant 1.500000e+00 : f32
          %sub3A_1211 = vector.broadcast %sub3A_1210 : f32 to vector<16xf32>
          %sub3A_1212 = arith.subf %sub3A_1211, %mul3A_1209 : vector<16xf32>
          %mul3A_1213 = arith.mulf %mul3A_1204, %sub3A_1212 : vector<16xf32>
          %mul3A_1214 = arith.mulf %mul3A_1176, %mul3A_1213 : vector<16xf32>
          %sub3A_1215 = arith.constant 1.000000e+00 : f32
          %sub3A_1216 = vector.broadcast %sub3A_1215 : f32 to vector<16xf32>
          %sub3A_1217 = arith.subf %sub3A_1216, %mul3A_1176 : vector<16xf32>
          %div3A = arith.divf %sub3A_1217, %max3A_1138 : vector<16xf32>
          %add3A_1218 = arith.addf %mul3A_1214, %div3A : vector<16xf32>
          %mul3A_1219 = arith.mulf %get3A_1032, %get3A_1037 : vector<16xf32>
          %mul3A_1220 = arith.mulf %mul3A_1219, %add3A_1218 : vector<16xf32>
          %mul3A_1221 = arith.mulf %mul3A_1220, %convert_element_type3A : vector<16xf32>
          %mul3A_1222 = arith.constant 16 : i32
          %mul3A_1223 = arith.muli %while3A_1009, %mul3A_1222 : i32
          %swap3A_1224 = arith.index_cast %mul3A_1223 : i32 to index
          %swap3A_1225 = tpu.vector_load %arg12[%swap3A_1224] {strides = array<i32>} : memref<8000xf32, #tpu.memory_space<vmem>>, vector<16xf32>,
          %swap3A_1226 = vector.shape_cast %swap3A_1225 : vector<16xf32> to vector<16xf32>
          %swap3A_1227 = vector.shape_cast %mul3A_1221 : vector<16xf32> to vector<16xf32>
          tpu.vector_store %arg12[%swap3A_1224], %swap3A_1227 {strides = array<i32>} : memref<8000xf32, #tpu.memory_space<vmem>>, vector<16xf32>,
          %sub3A_1228 = arith.constant 1 : i32
          %sub3A_1229 = vector.broadcast %sub3A_1228 : i32 to vector<16xi32>
          %sub3A_1230 = arith.subi %broadcast_in_dim3A_2, %sub3A_1229 : vector<16xi32>
          %min3A_1231 = arith.minsi %add3A_1127, %sub3A_1230 : vector<16xi32>
          %mul3A_1232 = arith.constant 16 : i32
          %mul3A_1233 = arith.muli %while3A_1009, %mul3A_1232 : i32
          %swap3A_1234 = arith.index_cast %mul3A_1233 : i32 to index
          %swap3A_1235 = tpu.vector_load %arg13[%swap3A_1234] {strides = array<i32>} : memref<8000xi32, #tpu.memory_space<vmem>>, vector<16xi32>,
          %swap3A_1236 = vector.shape_cast %swap3A_1235 : vector<16xi32> to vector<16xi32>
          %swap3A_1237 = vector.shape_cast %min3A_1231 : vector<16xi32> to vector<16xi32>
          tpu.vector_store %arg13[%swap3A_1234], %swap3A_1237 {strides = array<i32>} : memref<8000xi32, #tpu.memory_space<vmem>>, vector<16xi32>,
          %broadcast_in_dim3A_1238 = arith.constant 15 : i32
          %broadcast_in_dim3A_1239 = vector.broadcast %broadcast_in_dim3A_1238 : i32 to vector<16xi32>
          %broadcast_in_dim3A_1240 = vector.shape_cast %broadcast_in_dim3A_1239 : vector<16xi32> to vector<16x1xi32>
          %gather3A_1241 = vector.shape_cast %broadcast_in_dim3A_1240 : vector<16x1xi32> to vector<16xi32>
          %gather3A_1242 = tpu.dynamic_gather %add3A_1124[%gather3A_1241] in [0] : vector<16xi32>, vector<16xi32> -> vector<16xi32>
          %add3A_1243 = arith.addi %get3A_1012, %gather3A_1242 : vector<16xi32>
          %swap3A_1244 = arith.constant 0 : index
          %swap3A_1245 = tpu.vector_load %arg17[%swap3A_1244] {strides = array<i32>} : memref<16xi32, #tpu.memory_space<vmem>>, vector<16xi32>,
          %swap3A_1246 = vector.shape_cast %swap3A_1245 : vector<16xi32> to vector<16xi32>
          %swap3A_1247 = vector.shape_cast %add3A_1243 : vector<16xi32> to vector<16xi32>
          tpu.vector_store %arg17[%swap3A_1244], %swap3A_1247 {strides = array<i32>} : memref<16xi32, #tpu.memory_space<vmem>>, vector<16xi32>,
        }
        %while3A_998 = arith.constant 1 : i32
        scf.for %while3A_1009 = %while3A_996 to %while3A_992 step %while3A_998  : i32 {
          %get3A_1010 = arith.constant 0 : index
          %get3A_1011 = tpu.vector_load %arg17[%get3A_1010] {strides = array<i32>} : memref<16xi32, #tpu.memory_space<vmem>>, vector<16xi32>,
          %get3A_1012 = vector.shape_cast %get3A_1011 : vector<16xi32> to vector<16xi32>
          %mul3A_1013 = arith.constant 16 : i32
          %mul3A_1014 = arith.muli %while3A_1009, %mul3A_1013 : i32
          %get3A_1015 = arith.index_cast %mul3A_1014 : i32 to index
          %get3A_1016 = tpu.vector_load %arg7[%get3A_1015] {strides = array<i32>} : memref<8000xi32, #tpu.memory_space<vmem>>, vector<16xi32>,
          %get3A_1017 = vector.shape_cast %get3A_1016 : vector<16xi32> to vector<16xi32>
          %mul3A_1018 = arith.constant 16 : i32
          %mul3A_1019 = arith.muli %while3A_1009, %mul3A_1018 : i32
          %get3A_1020 = arith.index_cast %mul3A_1019 : i32 to index
          %get3A_1021 = tpu.vector_load %arg8[%get3A_1020] {strides = array<i32>} : memref<8000xi32, #tpu.memory_space<vmem>>, vector<16xi32>,
          %get3A_1022 = vector.shape_cast %get3A_1021 : vector<16xi32> to vector<16xi32>
          %mul3A_1023 = arith.constant 16 : i32
          %mul3A_1024 = arith.muli %while3A_1009, %mul3A_1023 : i32
          %get3A_1025 = arith.index_cast %mul3A_1024 : i32 to index
          %get3A_1026 = tpu.vector_load %arg9[%get3A_1025] {strides = array<i32>} : memref<8000xf32, #tpu.memory_space<vmem>>, vector<16xf32>,
          %get3A_1027 = vector.shape_cast %get3A_1026 : vector<16xf32> to vector<16xf32>
          %mul3A_1028 = arith.constant 16 : i32
          %mul3A_1029 = arith.muli %while3A_1009, %mul3A_1028 : i32
          %get3A_1030 = arith.index_cast %mul3A_1029 : i32 to index
          %get3A_1031 = tpu.vector_load %arg10[%get3A_1030] {strides = array<i32>} : memref<8000xf32, #tpu.memory_space<vmem>>, vector<16xf32>,
          %get3A_1032 = vector.shape_cast %get3A_1031 : vector<16xf32> to vector<16xf32>
          %mul3A_1033 = arith.constant 16 : i32
          %mul3A_1034 = arith.muli %while3A_1009, %mul3A_1033 : i32
          %get3A_1035 = arith.index_cast %mul3A_1034 : i32 to index
          %get3A_1036 = tpu.vector_load %arg11[%get3A_1035] {strides = array<i32>} : memref<8000xf32, #tpu.memory_space<vmem>>, vector<16xf32>,
          %get3A_1037 = vector.shape_cast %get3A_1036 : vector<16xf32> to vector<16xf32>
          %sub3A_1038 = arith.subi %get3A_1022, %get3A_1017 : vector<16xi32>
          %max3A_1039 = arith.constant 0 : i32
          %max3A_1040 = vector.broadcast %max3A_1039 : i32 to vector<16xi32>
          %max3A_1041 = arith.maxsi %sub3A_1038, %max3A_1040 : vector<16xi32>
          %min3A_1042 = arith.constant 1 : i32
          %min3A_1043 = vector.broadcast %min3A_1042 : i32 to vector<16xi32>
          %min3A_1044 = arith.minsi %max3A_1041, %min3A_1043 : vector<16xi32>
          %sub3A_1045 = arith.constant 1 : i32
          %sub3A_1046 = vector.broadcast %sub3A_1045 : i32 to vector<16xi32>
          %sub3A_1047 = arith.subi %iota3A, %sub3A_1046 : vector<16xi32>
          %max3A_1048 = arith.constant 0 : i32
          %max3A_1049 = vector.broadcast %max3A_1048 : i32 to vector<16xi32>
          %max3A_1050 = arith.maxsi %sub3A_1047, %max3A_1049 : vector<16xi32>
          %broadcast_in_dim3A_1051 = vector.shape_cast %max3A_1050 : vector<16xi32> to vector<16x1xi32>
          %gather3A_1052 = vector.shape_cast %broadcast_in_dim3A_1051 : vector<16x1xi32> to vector<16xi32>
          %gather3A_1053 = tpu.dynamic_gather %min3A_1044[%gather3A_1052] in [0] : vector<16xi32>, vector<16xi32> -> vector<16xi32>
          %sub3A_1054 = arith.constant 0 : i32
          %sub3A_1055 = vector.broadcast %sub3A_1054 : i32 to vector<16xi32>
          %sub3A_1056 = arith.subi %iota3A, %sub3A_1055 : vector<16xi32>
          %max3A_1057 = arith.constant 0 : i32
          %max3A_1058 = vector.broadcast %max3A_1057 : i32 to vector<16xi32>
          %max3A_1059 = arith.maxsi %sub3A_1056, %max3A_1058 : vector<16xi32>
          %min3A_1060 = arith.constant 1 : i32
          %min3A_1061 = vector.broadcast %min3A_1060 : i32 to vector<16xi32>
          %min3A_1062 = arith.minsi %max3A_1059, %min3A_1061 : vector<16xi32>
          %mul3A_1063 = arith.muli %gather3A_1053, %min3A_1062 : vector<16xi32>
          %add3A_1064 = arith.addi %min3A_1044, %mul3A_1063 : vector<16xi32>
          %sub3A_1065 = arith.constant 2 : i32
          %sub3A_1066 = vector.broadcast %sub3A_1065 : i32 to vector<16xi32>
          %sub3A_1067 = arith.subi %iota3A, %sub3A_1066 : vector<16xi32>
          %max3A_1068 = arith.constant 0 : i32
          %max3A_1069 = vector.broadcast %max3A_1068 : i32 to vector<16xi32>
          %max3A_1070 = arith.maxsi %sub3A_1067, %max3A_1069 : vector<16xi32>
          %broadcast_in_dim3A_1071 = vector.shape_cast %max3A_1070 : vector<16xi32> to vector<16x1xi32>
          %gather3A_1072 = vector.shape_cast %broadcast_in_dim3A_1071 : vector<16x1xi32> to vector<16xi32>
          %gather3A_1073 = tpu.dynamic_gather %add3A_1064[%gather3A_1072] in [0] : vector<16xi32>, vector<16xi32> -> vector<16xi32>
          %sub3A_1074 = arith.constant 1 : i32
          %sub3A_1075 = vector.broadcast %sub3A_1074 : i32 to vector<16xi32>
          %sub3A_1076 = arith.subi %iota3A, %sub3A_1075 : vector<16xi32>
          %max3A_1077 = arith.constant 0 : i32
          %max3A_1078 = vector.broadcast %max3A_1077 : i32 to vector<16xi32>
          %max3A_1079 = arith.maxsi %sub3A_1076, %max3A_1078 : vector<16xi32>
          %min3A_1080 = arith.constant 1 : i32
          %min3A_1081 = vector.broadcast %min3A_1080 : i32 to vector<16xi32>
          %min3A_1082 = arith.minsi %max3A_1079, %min3A_1081 : vector<16xi32>
          %mul3A_1083 = arith.muli %gather3A_1073, %min3A_1082 : vector<16xi32>
          %add3A_1084 = arith.addi %add3A_1064, %mul3A_1083 : vector<16xi32>
          %sub3A_1085 = arith.constant 4 : i32
          %sub3A_1086 = vector.broadcast %sub3A_1085 : i32 to vector<16xi32>
          %sub3A_1087 = arith.subi %iota3A, %sub3A_1086 : vector<16xi32>
          %max3A_1088 = arith.constant 0 : i32
          %max3A_1089 = vector.broadcast %max3A_1088 : i32 to vector<16xi32>
          %max3A_1090 = arith.maxsi %sub3A_1087, %max3A_1089 : vector<16xi32>
          %broadcast_in_dim3A_1091 = vector.shape_cast %max3A_1090 : vector<16xi32> to vector<16x1xi32>
          %gather3A_1092 = vector.shape_cast %broadcast_in_dim3A_1091 : vector<16x1xi32> to vector<16xi32>
          %gather3A_1093 = tpu.dynamic_gather %add3A_1084[%gather3A_1092] in [0] : vector<16xi32>, vector<16xi32> -> vector<16xi32>
          %sub3A_1094 = arith.constant 3 : i32
          %sub3A_1095 = vector.broadcast %sub3A_1094 : i32 to vector<16xi32>
          %sub3A_1096 = arith.subi %iota3A, %sub3A_1095 : vector<16xi32>
          %max3A_1097 = arith.constant 0 : i32
          %max3A_1098 = vector.broadcast %max3A_1097 : i32 to vector<16xi32>
          %max3A_1099 = arith.maxsi %sub3A_1096, %max3A_1098 : vector<16xi32>
          %min3A_1100 = arith.constant 1 : i32
          %min3A_1101 = vector.broadcast %min3A_1100 : i32 to vector<16xi32>
          %min3A_1102 = arith.minsi %max3A_1099, %min3A_1101 : vector<16xi32>
          %mul3A_1103 = arith.muli %gather3A_1093, %min3A_1102 : vector<16xi32>
          %add3A_1104 = arith.addi %add3A_1084, %mul3A_1103 : vector<16xi32>
          %sub3A_1105 = arith.constant 8 : i32
          %sub3A_1106 = vector.broadcast %sub3A_1105 : i32 to vector<16xi32>
          %sub3A_1107 = arith.subi %iota3A, %sub3A_1106 : vector<16xi32>
          %max3A_1108 = arith.constant 0 : i32
          %max3A_1109 = vector.broadcast %max3A_1108 : i32 to vector<16xi32>
          %max3A_1110 = arith.maxsi %sub3A_1107, %max3A_1109 : vector<16xi32>
          %broadcast_in_dim3A_1111 = vector.shape_cast %max3A_1110 : vector<16xi32> to vector<16x1xi32>
          %gather3A_1112 = vector.shape_cast %broadcast_in_dim3A_1111 : vector<16x1xi32> to vector<16xi32>
          %gather3A_1113 = tpu.dynamic_gather %add3A_1104[%gather3A_1112] in [0] : vector<16xi32>, vector<16xi32> -> vector<16xi32>
          %sub3A_1114 = arith.constant 7 : i32
          %sub3A_1115 = vector.broadcast %sub3A_1114 : i32 to vector<16xi32>
          %sub3A_1116 = arith.subi %iota3A, %sub3A_1115 : vector<16xi32>
          %max3A_1117 = arith.constant 0 : i32
          %max3A_1118 = vector.broadcast %max3A_1117 : i32 to vector<16xi32>
          %max3A_1119 = arith.maxsi %sub3A_1116, %max3A_1118 : vector<16xi32>
          %min3A_1120 = arith.constant 1 : i32
          %min3A_1121 = vector.broadcast %min3A_1120 : i32 to vector<16xi32>
          %min3A_1122 = arith.minsi %max3A_1119, %min3A_1121 : vector<16xi32>
          %mul3A_1123 = arith.muli %gather3A_1113, %min3A_1122 : vector<16xi32>
          %add3A_1124 = arith.addi %add3A_1104, %mul3A_1123 : vector<16xi32>
          %add3A_1125 = arith.addi %get3A_1012, %add3A_1124 : vector<16xi32>
          %sub3A_1126 = arith.subi %add3A_1125, %min3A_1044 : vector<16xi32>
          %add3A_1127 = arith.addi %sub3A_1126, %broadcast_in_dim3A_980 : vector<16xi32>
          %sub3A_1128 = arith.subi %broadcast_in_dim3A_2, %add3A_1127 : vector<16xi32>
          %max3A_1129 = arith.constant 0 : i32
          %max3A_1130 = vector.broadcast %max3A_1129 : i32 to vector<16xi32>
          %max3A_1131 = arith.maxsi %sub3A_1128, %max3A_1130 : vector<16xi32>
          %min3A_1132 = arith.constant 1 : i32
          %min3A_1133 = vector.broadcast %min3A_1132 : i32 to vector<16xi32>
          %min3A_1134 = arith.minsi %max3A_1131, %min3A_1133 : vector<16xi32>
          %mul3A_1135 = arith.muli %min3A_1044, %min3A_1134 : vector<16xi32>
          %convert_element_type3A = arith.sitofp %mul3A_1135 : vector<16xi32> to vector<16xf32>
          %max3A_1136 = arith.constant 1.000000e-35 : f32
          %max3A_1137 = vector.broadcast %max3A_1136 : f32 to vector<16xf32>
          %max3A_1138 = arith.maximumf %get3A_1027, %max3A_1137 : vector<16xf32>
          %mul3A_1139 = arith.constant 4.000000e+00 : f32
          %mul3A_1140 = vector.broadcast %mul3A_1139 : f32 to vector<16xf32>
          %mul3A_1141 = arith.mulf %get3A_1027, %mul3A_1140 : vector<16xf32>
          %mul3A_1142 = arith.mulf %mul3A_1141, %mul3A_1141 : vector<16xf32>
          %mul3A_1143 = arith.mulf %mul3A_1142, %mul3A_1141 : vector<16xf32>
          %mul3A_1144 = arith.constant 6.000000e+00 : f32
          %mul3A_1145 = vector.broadcast %mul3A_1144 : f32 to vector<16xf32>
          %mul3A_1146 = arith.mulf %mul3A_1145, %mul3A_1141 : vector<16xf32>
          %sub3A_1147 = arith.constant 1.500000e+01 : f32
          %sub3A_1148 = vector.broadcast %sub3A_1147 : f32 to vector<16xf32>
          %sub3A_1149 = arith.subf %sub3A_1148, %mul3A_1146 : vector<16xf32>
          %mul3A_1150 = arith.mulf %mul3A_1141, %sub3A_1149 : vector<16xf32>
          %add3A_1151 = arith.constant -1.000000e+01 : f32
          %add3A_1152 = vector.broadcast %add3A_1151 : f32 to vector<16xf32>
          %add3A_1153 = arith.addf %add3A_1152, %mul3A_1150 : vector<16xf32>
          %mul3A_1154 = arith.mulf %mul3A_1143, %add3A_1153 : vector<16xf32>
          %add3A_1155 = arith.constant 1.000000e+00 : f32
          %add3A_1156 = vector.broadcast %add3A_1155 : f32 to vector<16xf32>
          %add3A_1157 = arith.addf %add3A_1156, %mul3A_1154 : vector<16xf32>
          %sub3A_1158 = arith.constant 2.500000e-01 : f32
          %sub3A_1159 = vector.broadcast %sub3A_1158 : f32 to vector<16xf32>
          %sub3A_1160 = arith.subf %sub3A_1159, %get3A_1027 : vector<16xf32>
          %sign3A = tpu.bitcast %sub3A_1160 : vector<16xf32> -> vector<16xi32>
          %sign3A_1161 = arith.constant -2147483648 : i32
          %sign3A_1162 = vector.broadcast %sign3A_1161 : i32 to vector<16xi32>
          %sign3A_1163 = arith.andi %sign3A, %sign3A_1162 : vector<16xi32>
          %sign3A_1164 = arith.constant 1065353216 : i32
          %sign3A_1165 = vector.broadcast %sign3A_1164 : i32 to vector<16xi32>
          %sign3A_1166 = arith.ori %sign3A_1165, %sign3A_1163 : vector<16xi32>
          %sign3A_1167 = tpu.bitcast %sign3A_1166 : vector<16xi32> -> vector<16xf32>
          %sign3A_1168 = math.absf %sub3A_1160 : vector<16xf32>
          %sign3A_1169 = arith.constant 0.000000e+00 : f32
          %sign3A_1170 = vector.broadcast %sign3A_1169 : f32 to vector<16xf32>
          %sign3A_1171 = arith.cmpf ogt, %sign3A_1168, %sign3A_1170 : vector<16xf32>
          %sign3A_1172 = arith.select %sign3A_1171, %sign3A_1167, %sub3A_1160 : vector<16xi1>, vector<16xf32>
          %max3A_1173 = arith.constant 0.000000e+00 : f32
          %max3A_1174 = vector.broadcast %max3A_1173 : f32 to vector<16xf32>
          %max3A_1175 = arith.maximumf %sign3A_1172, %max3A_1174 : vector<16xf32>
          %mul3A_1176 = arith.mulf %add3A_1157, %max3A_1175 : vector<16xf32>
          %mul3A_1177 = arith.mulf %get3A_1027, %get3A_1027 : vector<16xf32>
          %add3A_1178 = arith.constant 1.000000e+00 : f32
          %add3A_1179 = vector.broadcast %add3A_1178 : f32 to vector<16xf32>
          %add3A_1180 = arith.addf %mul3A_1177, %add3A_1179 : vector<16xf32>
          %mul3A_1181 = arith.constant 2.900000e-01 : f32
          %mul3A_1182 = vector.broadcast %mul3A_1181 : f32 to vector<16xf32>
          %mul3A_1183 = arith.mulf %mul3A_1182, %add3A_1180 : vector<16xf32>
          %sub3A_1184 = arith.constant 1.280000e+00 : f32
          %sub3A_1185 = vector.broadcast %sub3A_1184 : f32 to vector<16xf32>
          %sub3A_1186 = arith.subf %sub3A_1185, %mul3A_1183 : vector<16xf32>
          %mul3A_1187 = arith.constant 5.000000e-01 : f32
          %mul3A_1188 = vector.broadcast %mul3A_1187 : f32 to vector<16xf32>
          %mul3A_1189 = arith.mulf %mul3A_1188, %add3A_1180 : vector<16xf32>
          %mul3A_1190 = arith.mulf %mul3A_1189, %sub3A_1186 : vector<16xf32>
          %mul3A_1191 = arith.mulf %mul3A_1190, %sub3A_1186 : vector<16xf32>
          %sub3A_1192 = arith.constant 1.500000e+00 : f32
          %sub3A_1193 = vector.broadcast %sub3A_1192 : f32 to vector<16xf32>
          %sub3A_1194 = arith.subf %sub3A_1193, %mul3A_1191 : vector<16xf32>
          %mul3A_1195 = arith.mulf %sub3A_1186, %sub3A_1194 : vector<16xf32>
          %mul3A_1196 = arith.constant 5.000000e-01 : f32
          %mul3A_1197 = vector.broadcast %mul3A_1196 : f32 to vector<16xf32>
          %mul3A_1198 = arith.mulf %mul3A_1197, %add3A_1180 : vector<16xf32>
          %mul3A_1199 = arith.mulf %mul3A_1198, %mul3A_1195 : vector<16xf32>
          %mul3A_1200 = arith.mulf %mul3A_1199, %mul3A_1195 : vector<16xf32>
          %sub3A_1201 = arith.constant 1.500000e+00 : f32
          %sub3A_1202 = vector.broadcast %sub3A_1201 : f32 to vector<16xf32>
          %sub3A_1203 = arith.subf %sub3A_1202, %mul3A_1200 : vector<16xf32>
          %mul3A_1204 = arith.mulf %mul3A_1195, %sub3A_1203 : vector<16xf32>
          %mul3A_1205 = arith.constant 5.000000e-01 : f32
          %mul3A_1206 = vector.broadcast %mul3A_1205 : f32 to vector<16xf32>
          %mul3A_1207 = arith.mulf %mul3A_1206, %add3A_1180 : vector<16xf32>
          %mul3A_1208 = arith.mulf %mul3A_1207, %mul3A_1204 : vector<16xf32>
          %mul3A_1209 = arith.mulf %mul3A_1208, %mul3A_1204 : vector<16xf32>
          %sub3A_1210 = arith.constant 1.500000e+00 : f32
          %sub3A_1211 = vector.broadcast %sub3A_1210 : f32 to vector<16xf32>
          %sub3A_1212 = arith.subf %sub3A_1211, %mul3A_1209 : vector<16xf32>
          %mul3A_1213 = arith.mulf %mul3A_1204, %sub3A_1212 : vector<16xf32>
          %mul3A_1214 = arith.mulf %mul3A_1176, %mul3A_1213 : vector<16xf32>
          %sub3A_1215 = arith.constant 1.000000e+00 : f32
          %sub3A_1216 = vector.broadcast %sub3A_1215 : f32 to vector<16xf32>
          %sub3A_1217 = arith.subf %sub3A_1216, %mul3A_1176 : vector<16xf32>
          %div3A = arith.divf %sub3A_1217, %max3A_1138 : vector<16xf32>
          %add3A_1218 = arith.addf %mul3A_1214, %div3A : vector<16xf32>
          %mul3A_1219 = arith.mulf %get3A_1032, %get3A_1037 : vector<16xf32>
          %mul3A_1220 = arith.mulf %mul3A_1219, %add3A_1218 : vector<16xf32>
          %mul3A_1221 = arith.mulf %mul3A_1220, %convert_element_type3A : vector<16xf32>
          %mul3A_1222 = arith.constant 16 : i32
          %mul3A_1223 = arith.muli %while3A_1009, %mul3A_1222 : i32
          %swap3A_1224 = arith.index_cast %mul3A_1223 : i32 to index
          %swap3A_1225 = tpu.vector_load %arg12[%swap3A_1224] {strides = array<i32>} : memref<8000xf32, #tpu.memory_space<vmem>>, vector<16xf32>,
          %swap3A_1226 = vector.shape_cast %swap3A_1225 : vector<16xf32> to vector<16xf32>
          %swap3A_1227 = vector.shape_cast %mul3A_1221 : vector<16xf32> to vector<16xf32>
          tpu.vector_store %arg12[%swap3A_1224], %swap3A_1227 {strides = array<i32>} : memref<8000xf32, #tpu.memory_space<vmem>>, vector<16xf32>,
          %sub3A_1228 = arith.constant 1 : i32
          %sub3A_1229 = vector.broadcast %sub3A_1228 : i32 to vector<16xi32>
          %sub3A_1230 = arith.subi %broadcast_in_dim3A_2, %sub3A_1229 : vector<16xi32>
          %min3A_1231 = arith.minsi %add3A_1127, %sub3A_1230 : vector<16xi32>
          %mul3A_1232 = arith.constant 16 : i32
          %mul3A_1233 = arith.muli %while3A_1009, %mul3A_1232 : i32
          %swap3A_1234 = arith.index_cast %mul3A_1233 : i32 to index
          %swap3A_1235 = tpu.vector_load %arg13[%swap3A_1234] {strides = array<i32>} : memref<8000xi32, #tpu.memory_space<vmem>>, vector<16xi32>,
          %swap3A_1236 = vector.shape_cast %swap3A_1235 : vector<16xi32> to vector<16xi32>
          %swap3A_1237 = vector.shape_cast %min3A_1231 : vector<16xi32> to vector<16xi32>
          tpu.vector_store %arg13[%swap3A_1234], %swap3A_1237 {strides = array<i32>} : memref<8000xi32, #tpu.memory_space<vmem>>, vector<16xi32>,
          %broadcast_in_dim3A_1238 = arith.constant 15 : i32
          %broadcast_in_dim3A_1239 = vector.broadcast %broadcast_in_dim3A_1238 : i32 to vector<16xi32>
          %broadcast_in_dim3A_1240 = vector.shape_cast %broadcast_in_dim3A_1239 : vector<16xi32> to vector<16x1xi32>
          %gather3A_1241 = vector.shape_cast %broadcast_in_dim3A_1240 : vector<16x1xi32> to vector<16xi32>
          %gather3A_1242 = tpu.dynamic_gather %add3A_1124[%gather3A_1241] in [0] : vector<16xi32>, vector<16xi32> -> vector<16xi32>
          %add3A_1243 = arith.addi %get3A_1012, %gather3A_1242 : vector<16xi32>
          %swap3A_1244 = arith.constant 0 : index
          %swap3A_1245 = tpu.vector_load %arg17[%swap3A_1244] {strides = array<i32>} : memref<16xi32, #tpu.memory_space<vmem>>, vector<16xi32>,
          %swap3A_1246 = vector.shape_cast %swap3A_1245 : vector<16xi32> to vector<16xi32>
          %swap3A_1247 = vector.shape_cast %add3A_1243 : vector<16xi32> to vector<16xi32>
          tpu.vector_store %arg17[%swap3A_1244], %swap3A_1247 {strides = array<i32>} : memref<16xi32, #tpu.memory_space<vmem>>, vector<16xi32>,
        }
        %while3A_999 = arith.constant 0 : i32
        %while3A_1000 = arith.constant 0 : i32
        %while3A_1001 = arith.subi %min3A_979, %while3A_1000 : i32
        %while3A_1002 = arith.addi %while3A_1000, %while3A_1001 : i32
        %while3A_1003 = arith.constant 1 : i32
        %while3A_1004 = arith.divsi %while3A_1001, %while3A_1003 : i32
        %while3A_1005 = arith.muli %while3A_1004, %while3A_1003 : i32
        %while3A_1006 = arith.addi %while3A_1000, %while3A_1005 : i32
        %while3A_1007 = arith.constant 1 : i32
        scf.for %while3A_1009 = %while3A_1000 to %while3A_1006 step %while3A_1007  : i32 {
          %dma_start3A_1010 = arith.constant 0 : i32
          %dma_start3A_1011 = tpu.memref_slice %arg5[%dma_start3A_1010] : memref<100000xi32, #tpu.memory_space<hbm>> -> memref<100000xi32, #tpu.memory_space<hbm>>
          tpu.enqueue_indirect_dma source(%dma_start3A_1011 : memref<100000xi32, #tpu.memory_space<hbm>>) target(%arg14 : memref<8000xi32, #tpu.memory_space<vmem>>) offsets(%arg13 : memref<8000xi32, #tpu.memory_space<vmem>>) semaphore(%arg21 : memref<!tpu.dma_semaphore, #tpu.memory_space<semaphore_mem>>)
          %dma_wait3A_1012 = arith.constant 0 : i32
          %dma_wait3A_1013 = tpu.memref_slice %arg5[%dma_wait3A_1012] : memref<100000xi32, #tpu.memory_space<hbm>> -> memref<100000xi32, #tpu.memory_space<hbm>>
          tpu.wait_indirect_dma semaphore(%arg21 : memref<!tpu.dma_semaphore, #tpu.memory_space<semaphore_mem>>) src(%dma_wait3A_1013 : memref<100000xi32, #tpu.memory_space<hbm>>) dst(%arg14 : memref<8000xi32, #tpu.memory_space<vmem>>)
          %dma_start3A_1014 = arith.constant 0 : i32
          %dma_start3A_1015 = tpu.memref_slice %arg20[%dma_start3A_1014] : memref<1024xf32, #tpu.memory_space<vmem_shared>> -> memref<1024xf32, #tpu.memory_space<vmem_shared>>
          tpu.enqueue_indirect_dma source(%arg12 : memref<8000xf32, #tpu.memory_space<vmem>>) target(%dma_start3A_1015 : memref<1024xf32, #tpu.memory_space<vmem_shared>>) offsets(%arg14 : memref<8000xi32, #tpu.memory_space<vmem>>) semaphore(%arg22 : memref<!tpu.dma_semaphore, #tpu.memory_space<semaphore_mem>>) {add = true}
          %dma_wait3A_1016 = arith.constant 0 : i32
          %dma_wait3A_1017 = tpu.memref_slice %arg20[%dma_wait3A_1016] : memref<1024xf32, #tpu.memory_space<vmem_shared>> -> memref<1024xf32, #tpu.memory_space<vmem_shared>>
          tpu.wait_indirect_dma semaphore(%arg22 : memref<!tpu.dma_semaphore, #tpu.memory_space<semaphore_mem>>) src(%arg12 : memref<8000xf32, #tpu.memory_space<vmem>>) dst(%dma_wait3A_1017 : memref<1024xf32, #tpu.memory_space<vmem_shared>>)
        }
        %while3A_1008 = arith.constant 1 : i32
        scf.for %while3A_1009 = %while3A_1006 to %while3A_1002 step %while3A_1008  : i32 {
          %dma_start3A_1010 = arith.constant 0 : i32
          %dma_start3A_1011 = tpu.memref_slice %arg5[%dma_start3A_1010] : memref<100000xi32, #tpu.memory_space<hbm>> -> memref<100000xi32, #tpu.memory_space<hbm>>
          tpu.enqueue_indirect_dma source(%dma_start3A_1011 : memref<100000xi32, #tpu.memory_space<hbm>>) target(%arg14 : memref<8000xi32, #tpu.memory_space<vmem>>) offsets(%arg13 : memref<8000xi32, #tpu.memory_space<vmem>>) semaphore(%arg21 : memref<!tpu.dma_semaphore, #tpu.memory_space<semaphore_mem>>)
          %dma_wait3A_1012 = arith.constant 0 : i32
          %dma_wait3A_1013 = tpu.memref_slice %arg5[%dma_wait3A_1012] : memref<100000xi32, #tpu.memory_space<hbm>> -> memref<100000xi32, #tpu.memory_space<hbm>>
          tpu.wait_indirect_dma semaphore(%arg21 : memref<!tpu.dma_semaphore, #tpu.memory_space<semaphore_mem>>) src(%dma_wait3A_1013 : memref<100000xi32, #tpu.memory_space<hbm>>) dst(%arg14 : memref<8000xi32, #tpu.memory_space<vmem>>)
          %dma_start3A_1014 = arith.constant 0 : i32
          %dma_start3A_1015 = tpu.memref_slice %arg20[%dma_start3A_1014] : memref<1024xf32, #tpu.memory_space<vmem_shared>> -> memref<1024xf32, #tpu.memory_space<vmem_shared>>
          tpu.enqueue_indirect_dma source(%arg12 : memref<8000xf32, #tpu.memory_space<vmem>>) target(%dma_start3A_1015 : memref<1024xf32, #tpu.memory_space<vmem_shared>>) offsets(%arg14 : memref<8000xi32, #tpu.memory_space<vmem>>) semaphore(%arg22 : memref<!tpu.dma_semaphore, #tpu.memory_space<semaphore_mem>>) {add = true}
          %dma_wait3A_1016 = arith.constant 0 : i32
          %dma_wait3A_1017 = tpu.memref_slice %arg20[%dma_wait3A_1016] : memref<1024xf32, #tpu.memory_space<vmem_shared>> -> memref<1024xf32, #tpu.memory_space<vmem_shared>>
          tpu.wait_indirect_dma semaphore(%arg22 : memref<!tpu.dma_semaphore, #tpu.memory_space<semaphore_mem>>) src(%arg12 : memref<8000xf32, #tpu.memory_space<vmem>>) dst(%dma_wait3A_1017 : memref<1024xf32, #tpu.memory_space<vmem_shared>>)
        }
      }
      %get3A_689 = arith.constant 0 : index
      %get3A_690 = tpu.vector_load %arg16[%get3A_689] {strides = array<i32>} : memref<16xi32, #tpu.memory_space<vmem>>, vector<16xi32>,
      %get3A_691 = vector.shape_cast %get3A_690 : vector<16xi32> to vector<16xi32>
      %slice3A = vector.extract_strided_slice %get3A_691 {offsets = [0], sizes = [1], strides = [1]} : vector<16xi32> to vector<1xi32>
      %squeeze3A = vector.extract %slice3A[0] : i32 from vector<1xi32>
      %add3A_692 = arith.addi %scan3A_666, %squeeze3A : i32
      scf.yield %add3A_692 : i32
    }
    %scan3A_24 = arith.constant 50 : i32
    %barrier3A_25 = arith.constant 0 : index
    tpu.barrier barrier_id(%barrier3A_25)
    "tpu.region"() ({
      %run_scoped3A = tpu.sem_alloc : memref<!tpu.dma_semaphore, #tpu.memory_space<semaphore_mem>>
      tpu.enqueue_dma source(%arg20 : memref<1024xf32, #tpu.memory_space<vmem_shared>>) target(%arg15 : memref<1024xf32, #tpu.memory_space<vmem>>) target_semaphore(%run_scoped3A : memref<!tpu.dma_semaphore, #tpu.memory_space<semaphore_mem>>)
      tpu.wait_dma2 semaphore(%run_scoped3A : memref<!tpu.dma_semaphore, #tpu.memory_space<semaphore_mem>>) src(%arg20 : memref<1024xf32, #tpu.memory_space<vmem_shared>>) dst(%arg15 : memref<1024xf32, #tpu.memory_space<vmem>>)
      tpu.yield
    }) : () -> ()
    %get3A = arith.constant 0 : index
    %get3A_26 = tpu.vector_load %arg15[%get3A] {strides = array<i32>} : memref<1024xf32, #tpu.memory_space<vmem>>, vector<16xf32>,
    %get3A_27 = vector.shape_cast %get3A_26 : vector<16xf32> to vector<16xf32>
    %mul3A_28 = arith.constant 1.389600e+02 : f32
    %mul3A_29 = vector.broadcast %mul3A_28 : f32 to vector<16xf32>
    %mul3A_30 = arith.mulf %get3A_27, %mul3A_29 : vector<16xf32>
    %swap3A_31 = arith.constant 0 : index
    %swap3A_32 = tpu.vector_load %arg15[%swap3A_31] {strides = array<i32>} : memref<1024xf32, #tpu.memory_space<vmem>>, vector<16xf32>,
    %swap3A_33 = vector.shape_cast %swap3A_32 : vector<16xf32> to vector<16xf32>
    %swap3A_34 = vector.shape_cast %mul3A_30 : vector<16xf32> to vector<16xf32>
    tpu.vector_store %arg15[%swap3A_31], %swap3A_34 {strides = array<i32>} : memref<1024xf32, #tpu.memory_space<vmem>>, vector<16xf32>,
    %get3A_35 = arith.constant 16 : index
    %get3A_36 = tpu.vector_load %arg15[%get3A_35] {strides = array<i32>} : memref<1024xf32, #tpu.memory_space<vmem>>, vector<16xf32>,
    %get3A_37 = vector.shape_cast %get3A_36 : vector<16xf32> to vector<16xf32>
    %mul3A_38 = arith.constant 1.389600e+02 : f32
    %mul3A_39 = vector.broadcast %mul3A_38 : f32 to vector<16xf32>
    %mul3A_40 = arith.mulf %get3A_37, %mul3A_39 : vector<16xf32>
    %swap3A_41 = arith.constant 16 : index
    %swap3A_42 = tpu.vector_load %arg15[%swap3A_41] {strides = array<i32>} : memref<1024xf32, #tpu.memory_space<vmem>>, vector<16xf32>,
    %swap3A_43 = vector.shape_cast %swap3A_42 : vector<16xf32> to vector<16xf32>
    %swap3A_44 = vector.shape_cast %mul3A_40 : vector<16xf32> to vector<16xf32>
    tpu.vector_store %arg15[%swap3A_41], %swap3A_44 {strides = array<i32>} : memref<1024xf32, #tpu.memory_space<vmem>>, vector<16xf32>,
    %get3A_45 = arith.constant 32 : index
    %get3A_46 = tpu.vector_load %arg15[%get3A_45] {strides = array<i32>} : memref<1024xf32, #tpu.memory_space<vmem>>, vector<16xf32>,
    %get3A_47 = vector.shape_cast %get3A_46 : vector<16xf32> to vector<16xf32>
    %mul3A_48 = arith.constant 1.389600e+02 : f32
    %mul3A_49 = vector.broadcast %mul3A_48 : f32 to vector<16xf32>
    %mul3A_50 = arith.mulf %get3A_47, %mul3A_49 : vector<16xf32>
    %swap3A_51 = arith.constant 32 : index
    %swap3A_52 = tpu.vector_load %arg15[%swap3A_51] {strides = array<i32>} : memref<1024xf32, #tpu.memory_space<vmem>>, vector<16xf32>,
    %swap3A_53 = vector.shape_cast %swap3A_52 : vector<16xf32> to vector<16xf32>
    %swap3A_54 = vector.shape_cast %mul3A_50 : vector<16xf32> to vector<16xf32>
    tpu.vector_store %arg15[%swap3A_51], %swap3A_54 {strides = array<i32>} : memref<1024xf32, #tpu.memory_space<vmem>>, vector<16xf32>,
    %get3A_55 = arith.constant 48 : index
    %get3A_56 = tpu.vector_load %arg15[%get3A_55] {strides = array<i32>} : memref<1024xf32, #tpu.memory_space<vmem>>, vector<16xf32>,
    %get3A_57 = vector.shape_cast %get3A_56 : vector<16xf32> to vector<16xf32>
    %mul3A_58 = arith.constant 1.389600e+02 : f32
    %mul3A_59 = vector.broadcast %mul3A_58 : f32 to vector<16xf32>
    %mul3A_60 = arith.mulf %get3A_57, %mul3A_59 : vector<16xf32>
    %swap3A_61 = arith.constant 48 : index
    %swap3A_62 = tpu.vector_load %arg15[%swap3A_61] {strides = array<i32>} : memref<1024xf32, #tpu.memory_space<vmem>>, vector<16xf32>,
    %swap3A_63 = vector.shape_cast %swap3A_62 : vector<16xf32> to vector<16xf32>
    %swap3A_64 = vector.shape_cast %mul3A_60 : vector<16xf32> to vector<16xf32>
    tpu.vector_store %arg15[%swap3A_61], %swap3A_64 {strides = array<i32>} : memref<1024xf32, #tpu.memory_space<vmem>>, vector<16xf32>,
    %get3A_65 = arith.constant 64 : index
    %get3A_66 = tpu.vector_load %arg15[%get3A_65] {strides = array<i32>} : memref<1024xf32, #tpu.memory_space<vmem>>, vector<16xf32>,
    %get3A_67 = vector.shape_cast %get3A_66 : vector<16xf32> to vector<16xf32>
    %mul3A_68 = arith.constant 1.389600e+02 : f32
    %mul3A_69 = vector.broadcast %mul3A_68 : f32 to vector<16xf32>
    %mul3A_70 = arith.mulf %get3A_67, %mul3A_69 : vector<16xf32>
    %swap3A_71 = arith.constant 64 : index
    %swap3A_72 = tpu.vector_load %arg15[%swap3A_71] {strides = array<i32>} : memref<1024xf32, #tpu.memory_space<vmem>>, vector<16xf32>,
    %swap3A_73 = vector.shape_cast %swap3A_72 : vector<16xf32> to vector<16xf32>
    %swap3A_74 = vector.shape_cast %mul3A_70 : vector<16xf32> to vector<16xf32>
    tpu.vector_store %arg15[%swap3A_71], %swap3A_74 {strides = array<i32>} : memref<1024xf32, #tpu.memory_space<vmem>>, vector<16xf32>,
    %get3A_75 = arith.constant 80 : index
    %get3A_76 = tpu.vector_load %arg15[%get3A_75] {strides = array<i32>} : memref<1024xf32, #tpu.memory_space<vmem>>, vector<16xf32>,
    %get3A_77 = vector.shape_cast %get3A_76 : vector<16xf32> to vector<16xf32>
    %mul3A_78 = arith.constant 1.389600e+02 : f32
    %mul3A_79 = vector.broadcast %mul3A_78 : f32 to vector<16xf32>
    %mul3A_80 = arith.mulf %get3A_77, %mul3A_79 : vector<16xf32>
    %swap3A_81 = arith.constant 80 : index
    %swap3A_82 = tpu.vector_load %arg15[%swap3A_81] {strides = array<i32>} : memref<1024xf32, #tpu.memory_space<vmem>>, vector<16xf32>,
    %swap3A_83 = vector.shape_cast %swap3A_82 : vector<16xf32> to vector<16xf32>
    %swap3A_84 = vector.shape_cast %mul3A_80 : vector<16xf32> to vector<16xf32>
    tpu.vector_store %arg15[%swap3A_81], %swap3A_84 {strides = array<i32>} : memref<1024xf32, #tpu.memory_space<vmem>>, vector<16xf32>,
    %get3A_85 = arith.constant 96 : index
    %get3A_86 = tpu.vector_load %arg15[%get3A_85] {strides = array<i32>} : memref<1024xf32, #tpu.memory_space<vmem>>, vector<16xf32>,
    %get3A_87 = vector.shape_cast %get3A_86 : vector<16xf32> to vector<16xf32>
    %mul3A_88 = arith.constant 1.389600e+02 : f32
    %mul3A_89 = vector.broadcast %mul3A_88 : f32 to vector<16xf32>
    %mul3A_90 = arith.mulf %get3A_87, %mul3A_89 : vector<16xf32>
    %swap3A_91 = arith.constant 96 : index
    %swap3A_92 = tpu.vector_load %arg15[%swap3A_91] {strides = array<i32>} : memref<1024xf32, #tpu.memory_space<vmem>>, vector<16xf32>,
    %swap3A_93 = vector.shape_cast %swap3A_92 : vector<16xf32> to vector<16xf32>
    %swap3A_94 = vector.shape_cast %mul3A_90 : vector<16xf32> to vector<16xf32>
    tpu.vector_store %arg15[%swap3A_91], %swap3A_94 {strides = array<i32>} : memref<1024xf32, #tpu.memory_space<vmem>>, vector<16xf32>,
    %get3A_95 = arith.constant 112 : index
    %get3A_96 = tpu.vector_load %arg15[%get3A_95] {strides = array<i32>} : memref<1024xf32, #tpu.memory_space<vmem>>, vector<16xf32>,
    %get3A_97 = vector.shape_cast %get3A_96 : vector<16xf32> to vector<16xf32>
    %mul3A_98 = arith.constant 1.389600e+02 : f32
    %mul3A_99 = vector.broadcast %mul3A_98 : f32 to vector<16xf32>
    %mul3A_100 = arith.mulf %get3A_97, %mul3A_99 : vector<16xf32>
    %swap3A_101 = arith.constant 112 : index
    %swap3A_102 = tpu.vector_load %arg15[%swap3A_101] {strides = array<i32>} : memref<1024xf32, #tpu.memory_space<vmem>>, vector<16xf32>,
    %swap3A_103 = vector.shape_cast %swap3A_102 : vector<16xf32> to vector<16xf32>
    %swap3A_104 = vector.shape_cast %mul3A_100 : vector<16xf32> to vector<16xf32>
    tpu.vector_store %arg15[%swap3A_101], %swap3A_104 {strides = array<i32>} : memref<1024xf32, #tpu.memory_space<vmem>>, vector<16xf32>,
    %get3A_105 = arith.constant 128 : index
    %get3A_106 = tpu.vector_load %arg15[%get3A_105] {strides = array<i32>} : memref<1024xf32, #tpu.memory_space<vmem>>, vector<16xf32>,
    %get3A_107 = vector.shape_cast %get3A_106 : vector<16xf32> to vector<16xf32>
    %mul3A_108 = arith.constant 1.389600e+02 : f32
    %mul3A_109 = vector.broadcast %mul3A_108 : f32 to vector<16xf32>
    %mul3A_110 = arith.mulf %get3A_107, %mul3A_109 : vector<16xf32>
    %swap3A_111 = arith.constant 128 : index
    %swap3A_112 = tpu.vector_load %arg15[%swap3A_111] {strides = array<i32>} : memref<1024xf32, #tpu.memory_space<vmem>>, vector<16xf32>,
    %swap3A_113 = vector.shape_cast %swap3A_112 : vector<16xf32> to vector<16xf32>
    %swap3A_114 = vector.shape_cast %mul3A_110 : vector<16xf32> to vector<16xf32>
    tpu.vector_store %arg15[%swap3A_111], %swap3A_114 {strides = array<i32>} : memref<1024xf32, #tpu.memory_space<vmem>>, vector<16xf32>,
    %get3A_115 = arith.constant 144 : index
    %get3A_116 = tpu.vector_load %arg15[%get3A_115] {strides = array<i32>} : memref<1024xf32, #tpu.memory_space<vmem>>, vector<16xf32>,
    %get3A_117 = vector.shape_cast %get3A_116 : vector<16xf32> to vector<16xf32>
    %mul3A_118 = arith.constant 1.389600e+02 : f32
    %mul3A_119 = vector.broadcast %mul3A_118 : f32 to vector<16xf32>
    %mul3A_120 = arith.mulf %get3A_117, %mul3A_119 : vector<16xf32>
    %swap3A_121 = arith.constant 144 : index
    %swap3A_122 = tpu.vector_load %arg15[%swap3A_121] {strides = array<i32>} : memref<1024xf32, #tpu.memory_space<vmem>>, vector<16xf32>,
    %swap3A_123 = vector.shape_cast %swap3A_122 : vector<16xf32> to vector<16xf32>
    %swap3A_124 = vector.shape_cast %mul3A_120 : vector<16xf32> to vector<16xf32>
    tpu.vector_store %arg15[%swap3A_121], %swap3A_124 {strides = array<i32>} : memref<1024xf32, #tpu.memory_space<vmem>>, vector<16xf32>,
    %get3A_125 = arith.constant 160 : index
    %get3A_126 = tpu.vector_load %arg15[%get3A_125] {strides = array<i32>} : memref<1024xf32, #tpu.memory_space<vmem>>, vector<16xf32>,
    %get3A_127 = vector.shape_cast %get3A_126 : vector<16xf32> to vector<16xf32>
    %mul3A_128 = arith.constant 1.389600e+02 : f32
    %mul3A_129 = vector.broadcast %mul3A_128 : f32 to vector<16xf32>
    %mul3A_130 = arith.mulf %get3A_127, %mul3A_129 : vector<16xf32>
    %swap3A_131 = arith.constant 160 : index
    %swap3A_132 = tpu.vector_load %arg15[%swap3A_131] {strides = array<i32>} : memref<1024xf32, #tpu.memory_space<vmem>>, vector<16xf32>,
    %swap3A_133 = vector.shape_cast %swap3A_132 : vector<16xf32> to vector<16xf32>
    %swap3A_134 = vector.shape_cast %mul3A_130 : vector<16xf32> to vector<16xf32>
    tpu.vector_store %arg15[%swap3A_131], %swap3A_134 {strides = array<i32>} : memref<1024xf32, #tpu.memory_space<vmem>>, vector<16xf32>,
    %get3A_135 = arith.constant 176 : index
    %get3A_136 = tpu.vector_load %arg15[%get3A_135] {strides = array<i32>} : memref<1024xf32, #tpu.memory_space<vmem>>, vector<16xf32>,
    %get3A_137 = vector.shape_cast %get3A_136 : vector<16xf32> to vector<16xf32>
    %mul3A_138 = arith.constant 1.389600e+02 : f32
    %mul3A_139 = vector.broadcast %mul3A_138 : f32 to vector<16xf32>
    %mul3A_140 = arith.mulf %get3A_137, %mul3A_139 : vector<16xf32>
    %swap3A_141 = arith.constant 176 : index
    %swap3A_142 = tpu.vector_load %arg15[%swap3A_141] {strides = array<i32>} : memref<1024xf32, #tpu.memory_space<vmem>>, vector<16xf32>,
    %swap3A_143 = vector.shape_cast %swap3A_142 : vector<16xf32> to vector<16xf32>
    %swap3A_144 = vector.shape_cast %mul3A_140 : vector<16xf32> to vector<16xf32>
    tpu.vector_store %arg15[%swap3A_141], %swap3A_144 {strides = array<i32>} : memref<1024xf32, #tpu.memory_space<vmem>>, vector<16xf32>,
    %get3A_145 = arith.constant 192 : index
    %get3A_146 = tpu.vector_load %arg15[%get3A_145] {strides = array<i32>} : memref<1024xf32, #tpu.memory_space<vmem>>, vector<16xf32>,
    %get3A_147 = vector.shape_cast %get3A_146 : vector<16xf32> to vector<16xf32>
    %mul3A_148 = arith.constant 1.389600e+02 : f32
    %mul3A_149 = vector.broadcast %mul3A_148 : f32 to vector<16xf32>
    %mul3A_150 = arith.mulf %get3A_147, %mul3A_149 : vector<16xf32>
    %swap3A_151 = arith.constant 192 : index
    %swap3A_152 = tpu.vector_load %arg15[%swap3A_151] {strides = array<i32>} : memref<1024xf32, #tpu.memory_space<vmem>>, vector<16xf32>,
    %swap3A_153 = vector.shape_cast %swap3A_152 : vector<16xf32> to vector<16xf32>
    %swap3A_154 = vector.shape_cast %mul3A_150 : vector<16xf32> to vector<16xf32>
    tpu.vector_store %arg15[%swap3A_151], %swap3A_154 {strides = array<i32>} : memref<1024xf32, #tpu.memory_space<vmem>>, vector<16xf32>,
    %get3A_155 = arith.constant 208 : index
    %get3A_156 = tpu.vector_load %arg15[%get3A_155] {strides = array<i32>} : memref<1024xf32, #tpu.memory_space<vmem>>, vector<16xf32>,
    %get3A_157 = vector.shape_cast %get3A_156 : vector<16xf32> to vector<16xf32>
    %mul3A_158 = arith.constant 1.389600e+02 : f32
    %mul3A_159 = vector.broadcast %mul3A_158 : f32 to vector<16xf32>
    %mul3A_160 = arith.mulf %get3A_157, %mul3A_159 : vector<16xf32>
    %swap3A_161 = arith.constant 208 : index
    %swap3A_162 = tpu.vector_load %arg15[%swap3A_161] {strides = array<i32>} : memref<1024xf32, #tpu.memory_space<vmem>>, vector<16xf32>,
    %swap3A_163 = vector.shape_cast %swap3A_162 : vector<16xf32> to vector<16xf32>
    %swap3A_164 = vector.shape_cast %mul3A_160 : vector<16xf32> to vector<16xf32>
    tpu.vector_store %arg15[%swap3A_161], %swap3A_164 {strides = array<i32>} : memref<1024xf32, #tpu.memory_space<vmem>>, vector<16xf32>,
    %get3A_165 = arith.constant 224 : index
    %get3A_166 = tpu.vector_load %arg15[%get3A_165] {strides = array<i32>} : memref<1024xf32, #tpu.memory_space<vmem>>, vector<16xf32>,
    %get3A_167 = vector.shape_cast %get3A_166 : vector<16xf32> to vector<16xf32>
    %mul3A_168 = arith.constant 1.389600e+02 : f32
    %mul3A_169 = vector.broadcast %mul3A_168 : f32 to vector<16xf32>
    %mul3A_170 = arith.mulf %get3A_167, %mul3A_169 : vector<16xf32>
    %swap3A_171 = arith.constant 224 : index
    %swap3A_172 = tpu.vector_load %arg15[%swap3A_171] {strides = array<i32>} : memref<1024xf32, #tpu.memory_space<vmem>>, vector<16xf32>,
    %swap3A_173 = vector.shape_cast %swap3A_172 : vector<16xf32> to vector<16xf32>
    %swap3A_174 = vector.shape_cast %mul3A_170 : vector<16xf32> to vector<16xf32>
    tpu.vector_store %arg15[%swap3A_171], %swap3A_174 {strides = array<i32>} : memref<1024xf32, #tpu.memory_space<vmem>>, vector<16xf32>,
    %get3A_175 = arith.constant 240 : index
    %get3A_176 = tpu.vector_load %arg15[%get3A_175] {strides = array<i32>} : memref<1024xf32, #tpu.memory_space<vmem>>, vector<16xf32>,
    %get3A_177 = vector.shape_cast %get3A_176 : vector<16xf32> to vector<16xf32>
    %mul3A_178 = arith.constant 1.389600e+02 : f32
    %mul3A_179 = vector.broadcast %mul3A_178 : f32 to vector<16xf32>
    %mul3A_180 = arith.mulf %get3A_177, %mul3A_179 : vector<16xf32>
    %swap3A_181 = arith.constant 240 : index
    %swap3A_182 = tpu.vector_load %arg15[%swap3A_181] {strides = array<i32>} : memref<1024xf32, #tpu.memory_space<vmem>>, vector<16xf32>,
    %swap3A_183 = vector.shape_cast %swap3A_182 : vector<16xf32> to vector<16xf32>
    %swap3A_184 = vector.shape_cast %mul3A_180 : vector<16xf32> to vector<16xf32>
    tpu.vector_store %arg15[%swap3A_181], %swap3A_184 {strides = array<i32>} : memref<1024xf32, #tpu.memory_space<vmem>>, vector<16xf32>,
    %get3A_185 = arith.constant 256 : index
    %get3A_186 = tpu.vector_load %arg15[%get3A_185] {strides = array<i32>} : memref<1024xf32, #tpu.memory_space<vmem>>, vector<16xf32>,
    %get3A_187 = vector.shape_cast %get3A_186 : vector<16xf32> to vector<16xf32>
    %mul3A_188 = arith.constant 1.389600e+02 : f32
    %mul3A_189 = vector.broadcast %mul3A_188 : f32 to vector<16xf32>
    %mul3A_190 = arith.mulf %get3A_187, %mul3A_189 : vector<16xf32>
    %swap3A_191 = arith.constant 256 : index
    %swap3A_192 = tpu.vector_load %arg15[%swap3A_191] {strides = array<i32>} : memref<1024xf32, #tpu.memory_space<vmem>>, vector<16xf32>,
    %swap3A_193 = vector.shape_cast %swap3A_192 : vector<16xf32> to vector<16xf32>
    %swap3A_194 = vector.shape_cast %mul3A_190 : vector<16xf32> to vector<16xf32>
    tpu.vector_store %arg15[%swap3A_191], %swap3A_194 {strides = array<i32>} : memref<1024xf32, #tpu.memory_space<vmem>>, vector<16xf32>,
    %get3A_195 = arith.constant 272 : index
    %get3A_196 = tpu.vector_load %arg15[%get3A_195] {strides = array<i32>} : memref<1024xf32, #tpu.memory_space<vmem>>, vector<16xf32>,
    %get3A_197 = vector.shape_cast %get3A_196 : vector<16xf32> to vector<16xf32>
    %mul3A_198 = arith.constant 1.389600e+02 : f32
    %mul3A_199 = vector.broadcast %mul3A_198 : f32 to vector<16xf32>
    %mul3A_200 = arith.mulf %get3A_197, %mul3A_199 : vector<16xf32>
    %swap3A_201 = arith.constant 272 : index
    %swap3A_202 = tpu.vector_load %arg15[%swap3A_201] {strides = array<i32>} : memref<1024xf32, #tpu.memory_space<vmem>>, vector<16xf32>,
    %swap3A_203 = vector.shape_cast %swap3A_202 : vector<16xf32> to vector<16xf32>
    %swap3A_204 = vector.shape_cast %mul3A_200 : vector<16xf32> to vector<16xf32>
    tpu.vector_store %arg15[%swap3A_201], %swap3A_204 {strides = array<i32>} : memref<1024xf32, #tpu.memory_space<vmem>>, vector<16xf32>,
    %get3A_205 = arith.constant 288 : index
    %get3A_206 = tpu.vector_load %arg15[%get3A_205] {strides = array<i32>} : memref<1024xf32, #tpu.memory_space<vmem>>, vector<16xf32>,
    %get3A_207 = vector.shape_cast %get3A_206 : vector<16xf32> to vector<16xf32>
    %mul3A_208 = arith.constant 1.389600e+02 : f32
    %mul3A_209 = vector.broadcast %mul3A_208 : f32 to vector<16xf32>
    %mul3A_210 = arith.mulf %get3A_207, %mul3A_209 : vector<16xf32>
    %swap3A_211 = arith.constant 288 : index
    %swap3A_212 = tpu.vector_load %arg15[%swap3A_211] {strides = array<i32>} : memref<1024xf32, #tpu.memory_space<vmem>>, vector<16xf32>,
    %swap3A_213 = vector.shape_cast %swap3A_212 : vector<16xf32> to vector<16xf32>
    %swap3A_214 = vector.shape_cast %mul3A_210 : vector<16xf32> to vector<16xf32>
    tpu.vector_store %arg15[%swap3A_211], %swap3A_214 {strides = array<i32>} : memref<1024xf32, #tpu.memory_space<vmem>>, vector<16xf32>,
    %get3A_215 = arith.constant 304 : index
    %get3A_216 = tpu.vector_load %arg15[%get3A_215] {strides = array<i32>} : memref<1024xf32, #tpu.memory_space<vmem>>, vector<16xf32>,
    %get3A_217 = vector.shape_cast %get3A_216 : vector<16xf32> to vector<16xf32>
    %mul3A_218 = arith.constant 1.389600e+02 : f32
    %mul3A_219 = vector.broadcast %mul3A_218 : f32 to vector<16xf32>
    %mul3A_220 = arith.mulf %get3A_217, %mul3A_219 : vector<16xf32>
    %swap3A_221 = arith.constant 304 : index
    %swap3A_222 = tpu.vector_load %arg15[%swap3A_221] {strides = array<i32>} : memref<1024xf32, #tpu.memory_space<vmem>>, vector<16xf32>,
    %swap3A_223 = vector.shape_cast %swap3A_222 : vector<16xf32> to vector<16xf32>
    %swap3A_224 = vector.shape_cast %mul3A_220 : vector<16xf32> to vector<16xf32>
    tpu.vector_store %arg15[%swap3A_221], %swap3A_224 {strides = array<i32>} : memref<1024xf32, #tpu.memory_space<vmem>>, vector<16xf32>,
    %get3A_225 = arith.constant 320 : index
    %get3A_226 = tpu.vector_load %arg15[%get3A_225] {strides = array<i32>} : memref<1024xf32, #tpu.memory_space<vmem>>, vector<16xf32>,
    %get3A_227 = vector.shape_cast %get3A_226 : vector<16xf32> to vector<16xf32>
    %mul3A_228 = arith.constant 1.389600e+02 : f32
    %mul3A_229 = vector.broadcast %mul3A_228 : f32 to vector<16xf32>
    %mul3A_230 = arith.mulf %get3A_227, %mul3A_229 : vector<16xf32>
    %swap3A_231 = arith.constant 320 : index
    %swap3A_232 = tpu.vector_load %arg15[%swap3A_231] {strides = array<i32>} : memref<1024xf32, #tpu.memory_space<vmem>>, vector<16xf32>,
    %swap3A_233 = vector.shape_cast %swap3A_232 : vector<16xf32> to vector<16xf32>
    %swap3A_234 = vector.shape_cast %mul3A_230 : vector<16xf32> to vector<16xf32>
    tpu.vector_store %arg15[%swap3A_231], %swap3A_234 {strides = array<i32>} : memref<1024xf32, #tpu.memory_space<vmem>>, vector<16xf32>,
    %get3A_235 = arith.constant 336 : index
    %get3A_236 = tpu.vector_load %arg15[%get3A_235] {strides = array<i32>} : memref<1024xf32, #tpu.memory_space<vmem>>, vector<16xf32>,
    %get3A_237 = vector.shape_cast %get3A_236 : vector<16xf32> to vector<16xf32>
    %mul3A_238 = arith.constant 1.389600e+02 : f32
    %mul3A_239 = vector.broadcast %mul3A_238 : f32 to vector<16xf32>
    %mul3A_240 = arith.mulf %get3A_237, %mul3A_239 : vector<16xf32>
    %swap3A_241 = arith.constant 336 : index
    %swap3A_242 = tpu.vector_load %arg15[%swap3A_241] {strides = array<i32>} : memref<1024xf32, #tpu.memory_space<vmem>>, vector<16xf32>,
    %swap3A_243 = vector.shape_cast %swap3A_242 : vector<16xf32> to vector<16xf32>
    %swap3A_244 = vector.shape_cast %mul3A_240 : vector<16xf32> to vector<16xf32>
    tpu.vector_store %arg15[%swap3A_241], %swap3A_244 {strides = array<i32>} : memref<1024xf32, #tpu.memory_space<vmem>>, vector<16xf32>,
    %get3A_245 = arith.constant 352 : index
    %get3A_246 = tpu.vector_load %arg15[%get3A_245] {strides = array<i32>} : memref<1024xf32, #tpu.memory_space<vmem>>, vector<16xf32>,
    %get3A_247 = vector.shape_cast %get3A_246 : vector<16xf32> to vector<16xf32>
    %mul3A_248 = arith.constant 1.389600e+02 : f32
    %mul3A_249 = vector.broadcast %mul3A_248 : f32 to vector<16xf32>
    %mul3A_250 = arith.mulf %get3A_247, %mul3A_249 : vector<16xf32>
    %swap3A_251 = arith.constant 352 : index
    %swap3A_252 = tpu.vector_load %arg15[%swap3A_251] {strides = array<i32>} : memref<1024xf32, #tpu.memory_space<vmem>>, vector<16xf32>,
    %swap3A_253 = vector.shape_cast %swap3A_252 : vector<16xf32> to vector<16xf32>
    %swap3A_254 = vector.shape_cast %mul3A_250 : vector<16xf32> to vector<16xf32>
    tpu.vector_store %arg15[%swap3A_251], %swap3A_254 {strides = array<i32>} : memref<1024xf32, #tpu.memory_space<vmem>>, vector<16xf32>,
    %get3A_255 = arith.constant 368 : index
    %get3A_256 = tpu.vector_load %arg15[%get3A_255] {strides = array<i32>} : memref<1024xf32, #tpu.memory_space<vmem>>, vector<16xf32>,
    %get3A_257 = vector.shape_cast %get3A_256 : vector<16xf32> to vector<16xf32>
    %mul3A_258 = arith.constant 1.389600e+02 : f32
    %mul3A_259 = vector.broadcast %mul3A_258 : f32 to vector<16xf32>
    %mul3A_260 = arith.mulf %get3A_257, %mul3A_259 : vector<16xf32>
    %swap3A_261 = arith.constant 368 : index
    %swap3A_262 = tpu.vector_load %arg15[%swap3A_261] {strides = array<i32>} : memref<1024xf32, #tpu.memory_space<vmem>>, vector<16xf32>,
    %swap3A_263 = vector.shape_cast %swap3A_262 : vector<16xf32> to vector<16xf32>
    %swap3A_264 = vector.shape_cast %mul3A_260 : vector<16xf32> to vector<16xf32>
    tpu.vector_store %arg15[%swap3A_261], %swap3A_264 {strides = array<i32>} : memref<1024xf32, #tpu.memory_space<vmem>>, vector<16xf32>,
    %get3A_265 = arith.constant 384 : index
    %get3A_266 = tpu.vector_load %arg15[%get3A_265] {strides = array<i32>} : memref<1024xf32, #tpu.memory_space<vmem>>, vector<16xf32>,
    %get3A_267 = vector.shape_cast %get3A_266 : vector<16xf32> to vector<16xf32>
    %mul3A_268 = arith.constant 1.389600e+02 : f32
    %mul3A_269 = vector.broadcast %mul3A_268 : f32 to vector<16xf32>
    %mul3A_270 = arith.mulf %get3A_267, %mul3A_269 : vector<16xf32>
    %swap3A_271 = arith.constant 384 : index
    %swap3A_272 = tpu.vector_load %arg15[%swap3A_271] {strides = array<i32>} : memref<1024xf32, #tpu.memory_space<vmem>>, vector<16xf32>,
    %swap3A_273 = vector.shape_cast %swap3A_272 : vector<16xf32> to vector<16xf32>
    %swap3A_274 = vector.shape_cast %mul3A_270 : vector<16xf32> to vector<16xf32>
    tpu.vector_store %arg15[%swap3A_271], %swap3A_274 {strides = array<i32>} : memref<1024xf32, #tpu.memory_space<vmem>>, vector<16xf32>,
    %get3A_275 = arith.constant 400 : index
    %get3A_276 = tpu.vector_load %arg15[%get3A_275] {strides = array<i32>} : memref<1024xf32, #tpu.memory_space<vmem>>, vector<16xf32>,
    %get3A_277 = vector.shape_cast %get3A_276 : vector<16xf32> to vector<16xf32>
    %mul3A_278 = arith.constant 1.389600e+02 : f32
    %mul3A_279 = vector.broadcast %mul3A_278 : f32 to vector<16xf32>
    %mul3A_280 = arith.mulf %get3A_277, %mul3A_279 : vector<16xf32>
    %swap3A_281 = arith.constant 400 : index
    %swap3A_282 = tpu.vector_load %arg15[%swap3A_281] {strides = array<i32>} : memref<1024xf32, #tpu.memory_space<vmem>>, vector<16xf32>,
    %swap3A_283 = vector.shape_cast %swap3A_282 : vector<16xf32> to vector<16xf32>
    %swap3A_284 = vector.shape_cast %mul3A_280 : vector<16xf32> to vector<16xf32>
    tpu.vector_store %arg15[%swap3A_281], %swap3A_284 {strides = array<i32>} : memref<1024xf32, #tpu.memory_space<vmem>>, vector<16xf32>,
    %get3A_285 = arith.constant 416 : index
    %get3A_286 = tpu.vector_load %arg15[%get3A_285] {strides = array<i32>} : memref<1024xf32, #tpu.memory_space<vmem>>, vector<16xf32>,
    %get3A_287 = vector.shape_cast %get3A_286 : vector<16xf32> to vector<16xf32>
    %mul3A_288 = arith.constant 1.389600e+02 : f32
    %mul3A_289 = vector.broadcast %mul3A_288 : f32 to vector<16xf32>
    %mul3A_290 = arith.mulf %get3A_287, %mul3A_289 : vector<16xf32>
    %swap3A_291 = arith.constant 416 : index
    %swap3A_292 = tpu.vector_load %arg15[%swap3A_291] {strides = array<i32>} : memref<1024xf32, #tpu.memory_space<vmem>>, vector<16xf32>,
    %swap3A_293 = vector.shape_cast %swap3A_292 : vector<16xf32> to vector<16xf32>
    %swap3A_294 = vector.shape_cast %mul3A_290 : vector<16xf32> to vector<16xf32>
    tpu.vector_store %arg15[%swap3A_291], %swap3A_294 {strides = array<i32>} : memref<1024xf32, #tpu.memory_space<vmem>>, vector<16xf32>,
    %get3A_295 = arith.constant 432 : index
    %get3A_296 = tpu.vector_load %arg15[%get3A_295] {strides = array<i32>} : memref<1024xf32, #tpu.memory_space<vmem>>, vector<16xf32>,
    %get3A_297 = vector.shape_cast %get3A_296 : vector<16xf32> to vector<16xf32>
    %mul3A_298 = arith.constant 1.389600e+02 : f32
    %mul3A_299 = vector.broadcast %mul3A_298 : f32 to vector<16xf32>
    %mul3A_300 = arith.mulf %get3A_297, %mul3A_299 : vector<16xf32>
    %swap3A_301 = arith.constant 432 : index
    %swap3A_302 = tpu.vector_load %arg15[%swap3A_301] {strides = array<i32>} : memref<1024xf32, #tpu.memory_space<vmem>>, vector<16xf32>,
    %swap3A_303 = vector.shape_cast %swap3A_302 : vector<16xf32> to vector<16xf32>
    %swap3A_304 = vector.shape_cast %mul3A_300 : vector<16xf32> to vector<16xf32>
    tpu.vector_store %arg15[%swap3A_301], %swap3A_304 {strides = array<i32>} : memref<1024xf32, #tpu.memory_space<vmem>>, vector<16xf32>,
    %get3A_305 = arith.constant 448 : index
    %get3A_306 = tpu.vector_load %arg15[%get3A_305] {strides = array<i32>} : memref<1024xf32, #tpu.memory_space<vmem>>, vector<16xf32>,
    %get3A_307 = vector.shape_cast %get3A_306 : vector<16xf32> to vector<16xf32>
    %mul3A_308 = arith.constant 1.389600e+02 : f32
    %mul3A_309 = vector.broadcast %mul3A_308 : f32 to vector<16xf32>
    %mul3A_310 = arith.mulf %get3A_307, %mul3A_309 : vector<16xf32>
    %swap3A_311 = arith.constant 448 : index
    %swap3A_312 = tpu.vector_load %arg15[%swap3A_311] {strides = array<i32>} : memref<1024xf32, #tpu.memory_space<vmem>>, vector<16xf32>,
    %swap3A_313 = vector.shape_cast %swap3A_312 : vector<16xf32> to vector<16xf32>
    %swap3A_314 = vector.shape_cast %mul3A_310 : vector<16xf32> to vector<16xf32>
    tpu.vector_store %arg15[%swap3A_311], %swap3A_314 {strides = array<i32>} : memref<1024xf32, #tpu.memory_space<vmem>>, vector<16xf32>,
    %get3A_315 = arith.constant 464 : index
    %get3A_316 = tpu.vector_load %arg15[%get3A_315] {strides = array<i32>} : memref<1024xf32, #tpu.memory_space<vmem>>, vector<16xf32>,
    %get3A_317 = vector.shape_cast %get3A_316 : vector<16xf32> to vector<16xf32>
    %mul3A_318 = arith.constant 1.389600e+02 : f32
    %mul3A_319 = vector.broadcast %mul3A_318 : f32 to vector<16xf32>
    %mul3A_320 = arith.mulf %get3A_317, %mul3A_319 : vector<16xf32>
    %swap3A_321 = arith.constant 464 : index
    %swap3A_322 = tpu.vector_load %arg15[%swap3A_321] {strides = array<i32>} : memref<1024xf32, #tpu.memory_space<vmem>>, vector<16xf32>,
    %swap3A_323 = vector.shape_cast %swap3A_322 : vector<16xf32> to vector<16xf32>
    %swap3A_324 = vector.shape_cast %mul3A_320 : vector<16xf32> to vector<16xf32>
    tpu.vector_store %arg15[%swap3A_321], %swap3A_324 {strides = array<i32>} : memref<1024xf32, #tpu.memory_space<vmem>>, vector<16xf32>,
    %get3A_325 = arith.constant 480 : index
    %get3A_326 = tpu.vector_load %arg15[%get3A_325] {strides = array<i32>} : memref<1024xf32, #tpu.memory_space<vmem>>, vector<16xf32>,
    %get3A_327 = vector.shape_cast %get3A_326 : vector<16xf32> to vector<16xf32>
    %mul3A_328 = arith.constant 1.389600e+02 : f32
    %mul3A_329 = vector.broadcast %mul3A_328 : f32 to vector<16xf32>
    %mul3A_330 = arith.mulf %get3A_327, %mul3A_329 : vector<16xf32>
    %swap3A_331 = arith.constant 480 : index
    %swap3A_332 = tpu.vector_load %arg15[%swap3A_331] {strides = array<i32>} : memref<1024xf32, #tpu.memory_space<vmem>>, vector<16xf32>,
    %swap3A_333 = vector.shape_cast %swap3A_332 : vector<16xf32> to vector<16xf32>
    %swap3A_334 = vector.shape_cast %mul3A_330 : vector<16xf32> to vector<16xf32>
    tpu.vector_store %arg15[%swap3A_331], %swap3A_334 {strides = array<i32>} : memref<1024xf32, #tpu.memory_space<vmem>>, vector<16xf32>,
    %get3A_335 = arith.constant 496 : index
    %get3A_336 = tpu.vector_load %arg15[%get3A_335] {strides = array<i32>} : memref<1024xf32, #tpu.memory_space<vmem>>, vector<16xf32>,
    %get3A_337 = vector.shape_cast %get3A_336 : vector<16xf32> to vector<16xf32>
    %mul3A_338 = arith.constant 1.389600e+02 : f32
    %mul3A_339 = vector.broadcast %mul3A_338 : f32 to vector<16xf32>
    %mul3A_340 = arith.mulf %get3A_337, %mul3A_339 : vector<16xf32>
    %swap3A_341 = arith.constant 496 : index
    %swap3A_342 = tpu.vector_load %arg15[%swap3A_341] {strides = array<i32>} : memref<1024xf32, #tpu.memory_space<vmem>>, vector<16xf32>,
    %swap3A_343 = vector.shape_cast %swap3A_342 : vector<16xf32> to vector<16xf32>
    %swap3A_344 = vector.shape_cast %mul3A_340 : vector<16xf32> to vector<16xf32>
    tpu.vector_store %arg15[%swap3A_341], %swap3A_344 {strides = array<i32>} : memref<1024xf32, #tpu.memory_space<vmem>>, vector<16xf32>,
    %get3A_345 = arith.constant 512 : index
    %get3A_346 = tpu.vector_load %arg15[%get3A_345] {strides = array<i32>} : memref<1024xf32, #tpu.memory_space<vmem>>, vector<16xf32>,
    %get3A_347 = vector.shape_cast %get3A_346 : vector<16xf32> to vector<16xf32>
    %mul3A_348 = arith.constant 1.389600e+02 : f32
    %mul3A_349 = vector.broadcast %mul3A_348 : f32 to vector<16xf32>
    %mul3A_350 = arith.mulf %get3A_347, %mul3A_349 : vector<16xf32>
    %swap3A_351 = arith.constant 512 : index
    %swap3A_352 = tpu.vector_load %arg15[%swap3A_351] {strides = array<i32>} : memref<1024xf32, #tpu.memory_space<vmem>>, vector<16xf32>,
    %swap3A_353 = vector.shape_cast %swap3A_352 : vector<16xf32> to vector<16xf32>
    %swap3A_354 = vector.shape_cast %mul3A_350 : vector<16xf32> to vector<16xf32>
    tpu.vector_store %arg15[%swap3A_351], %swap3A_354 {strides = array<i32>} : memref<1024xf32, #tpu.memory_space<vmem>>, vector<16xf32>,
    %get3A_355 = arith.constant 528 : index
    %get3A_356 = tpu.vector_load %arg15[%get3A_355] {strides = array<i32>} : memref<1024xf32, #tpu.memory_space<vmem>>, vector<16xf32>,
    %get3A_357 = vector.shape_cast %get3A_356 : vector<16xf32> to vector<16xf32>
    %mul3A_358 = arith.constant 1.389600e+02 : f32
    %mul3A_359 = vector.broadcast %mul3A_358 : f32 to vector<16xf32>
    %mul3A_360 = arith.mulf %get3A_357, %mul3A_359 : vector<16xf32>
    %swap3A_361 = arith.constant 528 : index
    %swap3A_362 = tpu.vector_load %arg15[%swap3A_361] {strides = array<i32>} : memref<1024xf32, #tpu.memory_space<vmem>>, vector<16xf32>,
    %swap3A_363 = vector.shape_cast %swap3A_362 : vector<16xf32> to vector<16xf32>
    %swap3A_364 = vector.shape_cast %mul3A_360 : vector<16xf32> to vector<16xf32>
    tpu.vector_store %arg15[%swap3A_361], %swap3A_364 {strides = array<i32>} : memref<1024xf32, #tpu.memory_space<vmem>>, vector<16xf32>,
    %get3A_365 = arith.constant 544 : index
    %get3A_366 = tpu.vector_load %arg15[%get3A_365] {strides = array<i32>} : memref<1024xf32, #tpu.memory_space<vmem>>, vector<16xf32>,
    %get3A_367 = vector.shape_cast %get3A_366 : vector<16xf32> to vector<16xf32>
    %mul3A_368 = arith.constant 1.389600e+02 : f32
    %mul3A_369 = vector.broadcast %mul3A_368 : f32 to vector<16xf32>
    %mul3A_370 = arith.mulf %get3A_367, %mul3A_369 : vector<16xf32>
    %swap3A_371 = arith.constant 544 : index
    %swap3A_372 = tpu.vector_load %arg15[%swap3A_371] {strides = array<i32>} : memref<1024xf32, #tpu.memory_space<vmem>>, vector<16xf32>,
    %swap3A_373 = vector.shape_cast %swap3A_372 : vector<16xf32> to vector<16xf32>
    %swap3A_374 = vector.shape_cast %mul3A_370 : vector<16xf32> to vector<16xf32>
    tpu.vector_store %arg15[%swap3A_371], %swap3A_374 {strides = array<i32>} : memref<1024xf32, #tpu.memory_space<vmem>>, vector<16xf32>,
    %get3A_375 = arith.constant 560 : index
    %get3A_376 = tpu.vector_load %arg15[%get3A_375] {strides = array<i32>} : memref<1024xf32, #tpu.memory_space<vmem>>, vector<16xf32>,
    %get3A_377 = vector.shape_cast %get3A_376 : vector<16xf32> to vector<16xf32>
    %mul3A_378 = arith.constant 1.389600e+02 : f32
    %mul3A_379 = vector.broadcast %mul3A_378 : f32 to vector<16xf32>
    %mul3A_380 = arith.mulf %get3A_377, %mul3A_379 : vector<16xf32>
    %swap3A_381 = arith.constant 560 : index
    %swap3A_382 = tpu.vector_load %arg15[%swap3A_381] {strides = array<i32>} : memref<1024xf32, #tpu.memory_space<vmem>>, vector<16xf32>,
    %swap3A_383 = vector.shape_cast %swap3A_382 : vector<16xf32> to vector<16xf32>
    %swap3A_384 = vector.shape_cast %mul3A_380 : vector<16xf32> to vector<16xf32>
    tpu.vector_store %arg15[%swap3A_381], %swap3A_384 {strides = array<i32>} : memref<1024xf32, #tpu.memory_space<vmem>>, vector<16xf32>,
    %get3A_385 = arith.constant 576 : index
    %get3A_386 = tpu.vector_load %arg15[%get3A_385] {strides = array<i32>} : memref<1024xf32, #tpu.memory_space<vmem>>, vector<16xf32>,
    %get3A_387 = vector.shape_cast %get3A_386 : vector<16xf32> to vector<16xf32>
    %mul3A_388 = arith.constant 1.389600e+02 : f32
    %mul3A_389 = vector.broadcast %mul3A_388 : f32 to vector<16xf32>
    %mul3A_390 = arith.mulf %get3A_387, %mul3A_389 : vector<16xf32>
    %swap3A_391 = arith.constant 576 : index
    %swap3A_392 = tpu.vector_load %arg15[%swap3A_391] {strides = array<i32>} : memref<1024xf32, #tpu.memory_space<vmem>>, vector<16xf32>,
    %swap3A_393 = vector.shape_cast %swap3A_392 : vector<16xf32> to vector<16xf32>
    %swap3A_394 = vector.shape_cast %mul3A_390 : vector<16xf32> to vector<16xf32>
    tpu.vector_store %arg15[%swap3A_391], %swap3A_394 {strides = array<i32>} : memref<1024xf32, #tpu.memory_space<vmem>>, vector<16xf32>,
    %get3A_395 = arith.constant 592 : index
    %get3A_396 = tpu.vector_load %arg15[%get3A_395] {strides = array<i32>} : memref<1024xf32, #tpu.memory_space<vmem>>, vector<16xf32>,
    %get3A_397 = vector.shape_cast %get3A_396 : vector<16xf32> to vector<16xf32>
    %mul3A_398 = arith.constant 1.389600e+02 : f32
    %mul3A_399 = vector.broadcast %mul3A_398 : f32 to vector<16xf32>
    %mul3A_400 = arith.mulf %get3A_397, %mul3A_399 : vector<16xf32>
    %swap3A_401 = arith.constant 592 : index
    %swap3A_402 = tpu.vector_load %arg15[%swap3A_401] {strides = array<i32>} : memref<1024xf32, #tpu.memory_space<vmem>>, vector<16xf32>,
    %swap3A_403 = vector.shape_cast %swap3A_402 : vector<16xf32> to vector<16xf32>
    %swap3A_404 = vector.shape_cast %mul3A_400 : vector<16xf32> to vector<16xf32>
    tpu.vector_store %arg15[%swap3A_401], %swap3A_404 {strides = array<i32>} : memref<1024xf32, #tpu.memory_space<vmem>>, vector<16xf32>,
    %get3A_405 = arith.constant 608 : index
    %get3A_406 = tpu.vector_load %arg15[%get3A_405] {strides = array<i32>} : memref<1024xf32, #tpu.memory_space<vmem>>, vector<16xf32>,
    %get3A_407 = vector.shape_cast %get3A_406 : vector<16xf32> to vector<16xf32>
    %mul3A_408 = arith.constant 1.389600e+02 : f32
    %mul3A_409 = vector.broadcast %mul3A_408 : f32 to vector<16xf32>
    %mul3A_410 = arith.mulf %get3A_407, %mul3A_409 : vector<16xf32>
    %swap3A_411 = arith.constant 608 : index
    %swap3A_412 = tpu.vector_load %arg15[%swap3A_411] {strides = array<i32>} : memref<1024xf32, #tpu.memory_space<vmem>>, vector<16xf32>,
    %swap3A_413 = vector.shape_cast %swap3A_412 : vector<16xf32> to vector<16xf32>
    %swap3A_414 = vector.shape_cast %mul3A_410 : vector<16xf32> to vector<16xf32>
    tpu.vector_store %arg15[%swap3A_411], %swap3A_414 {strides = array<i32>} : memref<1024xf32, #tpu.memory_space<vmem>>, vector<16xf32>,
    %get3A_415 = arith.constant 624 : index
    %get3A_416 = tpu.vector_load %arg15[%get3A_415] {strides = array<i32>} : memref<1024xf32, #tpu.memory_space<vmem>>, vector<16xf32>,
    %get3A_417 = vector.shape_cast %get3A_416 : vector<16xf32> to vector<16xf32>
    %mul3A_418 = arith.constant 1.389600e+02 : f32
    %mul3A_419 = vector.broadcast %mul3A_418 : f32 to vector<16xf32>
    %mul3A_420 = arith.mulf %get3A_417, %mul3A_419 : vector<16xf32>
    %swap3A_421 = arith.constant 624 : index
    %swap3A_422 = tpu.vector_load %arg15[%swap3A_421] {strides = array<i32>} : memref<1024xf32, #tpu.memory_space<vmem>>, vector<16xf32>,
    %swap3A_423 = vector.shape_cast %swap3A_422 : vector<16xf32> to vector<16xf32>
    %swap3A_424 = vector.shape_cast %mul3A_420 : vector<16xf32> to vector<16xf32>
    tpu.vector_store %arg15[%swap3A_421], %swap3A_424 {strides = array<i32>} : memref<1024xf32, #tpu.memory_space<vmem>>, vector<16xf32>,
    %get3A_425 = arith.constant 640 : index
    %get3A_426 = tpu.vector_load %arg15[%get3A_425] {strides = array<i32>} : memref<1024xf32, #tpu.memory_space<vmem>>, vector<16xf32>,
    %get3A_427 = vector.shape_cast %get3A_426 : vector<16xf32> to vector<16xf32>
    %mul3A_428 = arith.constant 1.389600e+02 : f32
    %mul3A_429 = vector.broadcast %mul3A_428 : f32 to vector<16xf32>
    %mul3A_430 = arith.mulf %get3A_427, %mul3A_429 : vector<16xf32>
    %swap3A_431 = arith.constant 640 : index
    %swap3A_432 = tpu.vector_load %arg15[%swap3A_431] {strides = array<i32>} : memref<1024xf32, #tpu.memory_space<vmem>>, vector<16xf32>,
    %swap3A_433 = vector.shape_cast %swap3A_432 : vector<16xf32> to vector<16xf32>
    %swap3A_434 = vector.shape_cast %mul3A_430 : vector<16xf32> to vector<16xf32>
    tpu.vector_store %arg15[%swap3A_431], %swap3A_434 {strides = array<i32>} : memref<1024xf32, #tpu.memory_space<vmem>>, vector<16xf32>,
    %get3A_435 = arith.constant 656 : index
    %get3A_436 = tpu.vector_load %arg15[%get3A_435] {strides = array<i32>} : memref<1024xf32, #tpu.memory_space<vmem>>, vector<16xf32>,
    %get3A_437 = vector.shape_cast %get3A_436 : vector<16xf32> to vector<16xf32>
    %mul3A_438 = arith.constant 1.389600e+02 : f32
    %mul3A_439 = vector.broadcast %mul3A_438 : f32 to vector<16xf32>
    %mul3A_440 = arith.mulf %get3A_437, %mul3A_439 : vector<16xf32>
    %swap3A_441 = arith.constant 656 : index
    %swap3A_442 = tpu.vector_load %arg15[%swap3A_441] {strides = array<i32>} : memref<1024xf32, #tpu.memory_space<vmem>>, vector<16xf32>,
    %swap3A_443 = vector.shape_cast %swap3A_442 : vector<16xf32> to vector<16xf32>
    %swap3A_444 = vector.shape_cast %mul3A_440 : vector<16xf32> to vector<16xf32>
    tpu.vector_store %arg15[%swap3A_441], %swap3A_444 {strides = array<i32>} : memref<1024xf32, #tpu.memory_space<vmem>>, vector<16xf32>,
    %get3A_445 = arith.constant 672 : index
    %get3A_446 = tpu.vector_load %arg15[%get3A_445] {strides = array<i32>} : memref<1024xf32, #tpu.memory_space<vmem>>, vector<16xf32>,
    %get3A_447 = vector.shape_cast %get3A_446 : vector<16xf32> to vector<16xf32>
    %mul3A_448 = arith.constant 1.389600e+02 : f32
    %mul3A_449 = vector.broadcast %mul3A_448 : f32 to vector<16xf32>
    %mul3A_450 = arith.mulf %get3A_447, %mul3A_449 : vector<16xf32>
    %swap3A_451 = arith.constant 672 : index
    %swap3A_452 = tpu.vector_load %arg15[%swap3A_451] {strides = array<i32>} : memref<1024xf32, #tpu.memory_space<vmem>>, vector<16xf32>,
    %swap3A_453 = vector.shape_cast %swap3A_452 : vector<16xf32> to vector<16xf32>
    %swap3A_454 = vector.shape_cast %mul3A_450 : vector<16xf32> to vector<16xf32>
    tpu.vector_store %arg15[%swap3A_451], %swap3A_454 {strides = array<i32>} : memref<1024xf32, #tpu.memory_space<vmem>>, vector<16xf32>,
    %get3A_455 = arith.constant 688 : index
    %get3A_456 = tpu.vector_load %arg15[%get3A_455] {strides = array<i32>} : memref<1024xf32, #tpu.memory_space<vmem>>, vector<16xf32>,
    %get3A_457 = vector.shape_cast %get3A_456 : vector<16xf32> to vector<16xf32>
    %mul3A_458 = arith.constant 1.389600e+02 : f32
    %mul3A_459 = vector.broadcast %mul3A_458 : f32 to vector<16xf32>
    %mul3A_460 = arith.mulf %get3A_457, %mul3A_459 : vector<16xf32>
    %swap3A_461 = arith.constant 688 : index
    %swap3A_462 = tpu.vector_load %arg15[%swap3A_461] {strides = array<i32>} : memref<1024xf32, #tpu.memory_space<vmem>>, vector<16xf32>,
    %swap3A_463 = vector.shape_cast %swap3A_462 : vector<16xf32> to vector<16xf32>
    %swap3A_464 = vector.shape_cast %mul3A_460 : vector<16xf32> to vector<16xf32>
    tpu.vector_store %arg15[%swap3A_461], %swap3A_464 {strides = array<i32>} : memref<1024xf32, #tpu.memory_space<vmem>>, vector<16xf32>,
    %get3A_465 = arith.constant 704 : index
    %get3A_466 = tpu.vector_load %arg15[%get3A_465] {strides = array<i32>} : memref<1024xf32, #tpu.memory_space<vmem>>, vector<16xf32>,
    %get3A_467 = vector.shape_cast %get3A_466 : vector<16xf32> to vector<16xf32>
    %mul3A_468 = arith.constant 1.389600e+02 : f32
    %mul3A_469 = vector.broadcast %mul3A_468 : f32 to vector<16xf32>
    %mul3A_470 = arith.mulf %get3A_467, %mul3A_469 : vector<16xf32>
    %swap3A_471 = arith.constant 704 : index
    %swap3A_472 = tpu.vector_load %arg15[%swap3A_471] {strides = array<i32>} : memref<1024xf32, #tpu.memory_space<vmem>>, vector<16xf32>,
    %swap3A_473 = vector.shape_cast %swap3A_472 : vector<16xf32> to vector<16xf32>
    %swap3A_474 = vector.shape_cast %mul3A_470 : vector<16xf32> to vector<16xf32>
    tpu.vector_store %arg15[%swap3A_471], %swap3A_474 {strides = array<i32>} : memref<1024xf32, #tpu.memory_space<vmem>>, vector<16xf32>,
    %get3A_475 = arith.constant 720 : index
    %get3A_476 = tpu.vector_load %arg15[%get3A_475] {strides = array<i32>} : memref<1024xf32, #tpu.memory_space<vmem>>, vector<16xf32>,
    %get3A_477 = vector.shape_cast %get3A_476 : vector<16xf32> to vector<16xf32>
    %mul3A_478 = arith.constant 1.389600e+02 : f32
    %mul3A_479 = vector.broadcast %mul3A_478 : f32 to vector<16xf32>
    %mul3A_480 = arith.mulf %get3A_477, %mul3A_479 : vector<16xf32>
    %swap3A_481 = arith.constant 720 : index
    %swap3A_482 = tpu.vector_load %arg15[%swap3A_481] {strides = array<i32>} : memref<1024xf32, #tpu.memory_space<vmem>>, vector<16xf32>,
    %swap3A_483 = vector.shape_cast %swap3A_482 : vector<16xf32> to vector<16xf32>
    %swap3A_484 = vector.shape_cast %mul3A_480 : vector<16xf32> to vector<16xf32>
    tpu.vector_store %arg15[%swap3A_481], %swap3A_484 {strides = array<i32>} : memref<1024xf32, #tpu.memory_space<vmem>>, vector<16xf32>,
    %get3A_485 = arith.constant 736 : index
    %get3A_486 = tpu.vector_load %arg15[%get3A_485] {strides = array<i32>} : memref<1024xf32, #tpu.memory_space<vmem>>, vector<16xf32>,
    %get3A_487 = vector.shape_cast %get3A_486 : vector<16xf32> to vector<16xf32>
    %mul3A_488 = arith.constant 1.389600e+02 : f32
    %mul3A_489 = vector.broadcast %mul3A_488 : f32 to vector<16xf32>
    %mul3A_490 = arith.mulf %get3A_487, %mul3A_489 : vector<16xf32>
    %swap3A_491 = arith.constant 736 : index
    %swap3A_492 = tpu.vector_load %arg15[%swap3A_491] {strides = array<i32>} : memref<1024xf32, #tpu.memory_space<vmem>>, vector<16xf32>,
    %swap3A_493 = vector.shape_cast %swap3A_492 : vector<16xf32> to vector<16xf32>
    %swap3A_494 = vector.shape_cast %mul3A_490 : vector<16xf32> to vector<16xf32>
    tpu.vector_store %arg15[%swap3A_491], %swap3A_494 {strides = array<i32>} : memref<1024xf32, #tpu.memory_space<vmem>>, vector<16xf32>,
    %get3A_495 = arith.constant 752 : index
    %get3A_496 = tpu.vector_load %arg15[%get3A_495] {strides = array<i32>} : memref<1024xf32, #tpu.memory_space<vmem>>, vector<16xf32>,
    %get3A_497 = vector.shape_cast %get3A_496 : vector<16xf32> to vector<16xf32>
    %mul3A_498 = arith.constant 1.389600e+02 : f32
    %mul3A_499 = vector.broadcast %mul3A_498 : f32 to vector<16xf32>
    %mul3A_500 = arith.mulf %get3A_497, %mul3A_499 : vector<16xf32>
    %swap3A_501 = arith.constant 752 : index
    %swap3A_502 = tpu.vector_load %arg15[%swap3A_501] {strides = array<i32>} : memref<1024xf32, #tpu.memory_space<vmem>>, vector<16xf32>,
    %swap3A_503 = vector.shape_cast %swap3A_502 : vector<16xf32> to vector<16xf32>
    %swap3A_504 = vector.shape_cast %mul3A_500 : vector<16xf32> to vector<16xf32>
    tpu.vector_store %arg15[%swap3A_501], %swap3A_504 {strides = array<i32>} : memref<1024xf32, #tpu.memory_space<vmem>>, vector<16xf32>,
    %get3A_505 = arith.constant 768 : index
    %get3A_506 = tpu.vector_load %arg15[%get3A_505] {strides = array<i32>} : memref<1024xf32, #tpu.memory_space<vmem>>, vector<16xf32>,
    %get3A_507 = vector.shape_cast %get3A_506 : vector<16xf32> to vector<16xf32>
    %mul3A_508 = arith.constant 1.389600e+02 : f32
    %mul3A_509 = vector.broadcast %mul3A_508 : f32 to vector<16xf32>
    %mul3A_510 = arith.mulf %get3A_507, %mul3A_509 : vector<16xf32>
    %swap3A_511 = arith.constant 768 : index
    %swap3A_512 = tpu.vector_load %arg15[%swap3A_511] {strides = array<i32>} : memref<1024xf32, #tpu.memory_space<vmem>>, vector<16xf32>,
    %swap3A_513 = vector.shape_cast %swap3A_512 : vector<16xf32> to vector<16xf32>
    %swap3A_514 = vector.shape_cast %mul3A_510 : vector<16xf32> to vector<16xf32>
    tpu.vector_store %arg15[%swap3A_511], %swap3A_514 {strides = array<i32>} : memref<1024xf32, #tpu.memory_space<vmem>>, vector<16xf32>,
    %get3A_515 = arith.constant 784 : index
    %get3A_516 = tpu.vector_load %arg15[%get3A_515] {strides = array<i32>} : memref<1024xf32, #tpu.memory_space<vmem>>, vector<16xf32>,
    %get3A_517 = vector.shape_cast %get3A_516 : vector<16xf32> to vector<16xf32>
    %mul3A_518 = arith.constant 1.389600e+02 : f32
    %mul3A_519 = vector.broadcast %mul3A_518 : f32 to vector<16xf32>
    %mul3A_520 = arith.mulf %get3A_517, %mul3A_519 : vector<16xf32>
    %swap3A_521 = arith.constant 784 : index
    %swap3A_522 = tpu.vector_load %arg15[%swap3A_521] {strides = array<i32>} : memref<1024xf32, #tpu.memory_space<vmem>>, vector<16xf32>,
    %swap3A_523 = vector.shape_cast %swap3A_522 : vector<16xf32> to vector<16xf32>
    %swap3A_524 = vector.shape_cast %mul3A_520 : vector<16xf32> to vector<16xf32>
    tpu.vector_store %arg15[%swap3A_521], %swap3A_524 {strides = array<i32>} : memref<1024xf32, #tpu.memory_space<vmem>>, vector<16xf32>,
    %get3A_525 = arith.constant 800 : index
    %get3A_526 = tpu.vector_load %arg15[%get3A_525] {strides = array<i32>} : memref<1024xf32, #tpu.memory_space<vmem>>, vector<16xf32>,
    %get3A_527 = vector.shape_cast %get3A_526 : vector<16xf32> to vector<16xf32>
    %mul3A_528 = arith.constant 1.389600e+02 : f32
    %mul3A_529 = vector.broadcast %mul3A_528 : f32 to vector<16xf32>
    %mul3A_530 = arith.mulf %get3A_527, %mul3A_529 : vector<16xf32>
    %swap3A_531 = arith.constant 800 : index
    %swap3A_532 = tpu.vector_load %arg15[%swap3A_531] {strides = array<i32>} : memref<1024xf32, #tpu.memory_space<vmem>>, vector<16xf32>,
    %swap3A_533 = vector.shape_cast %swap3A_532 : vector<16xf32> to vector<16xf32>
    %swap3A_534 = vector.shape_cast %mul3A_530 : vector<16xf32> to vector<16xf32>
    tpu.vector_store %arg15[%swap3A_531], %swap3A_534 {strides = array<i32>} : memref<1024xf32, #tpu.memory_space<vmem>>, vector<16xf32>,
    %get3A_535 = arith.constant 816 : index
    %get3A_536 = tpu.vector_load %arg15[%get3A_535] {strides = array<i32>} : memref<1024xf32, #tpu.memory_space<vmem>>, vector<16xf32>,
    %get3A_537 = vector.shape_cast %get3A_536 : vector<16xf32> to vector<16xf32>
    %mul3A_538 = arith.constant 1.389600e+02 : f32
    %mul3A_539 = vector.broadcast %mul3A_538 : f32 to vector<16xf32>
    %mul3A_540 = arith.mulf %get3A_537, %mul3A_539 : vector<16xf32>
    %swap3A_541 = arith.constant 816 : index
    %swap3A_542 = tpu.vector_load %arg15[%swap3A_541] {strides = array<i32>} : memref<1024xf32, #tpu.memory_space<vmem>>, vector<16xf32>,
    %swap3A_543 = vector.shape_cast %swap3A_542 : vector<16xf32> to vector<16xf32>
    %swap3A_544 = vector.shape_cast %mul3A_540 : vector<16xf32> to vector<16xf32>
    tpu.vector_store %arg15[%swap3A_541], %swap3A_544 {strides = array<i32>} : memref<1024xf32, #tpu.memory_space<vmem>>, vector<16xf32>,
    %get3A_545 = arith.constant 832 : index
    %get3A_546 = tpu.vector_load %arg15[%get3A_545] {strides = array<i32>} : memref<1024xf32, #tpu.memory_space<vmem>>, vector<16xf32>,
    %get3A_547 = vector.shape_cast %get3A_546 : vector<16xf32> to vector<16xf32>
    %mul3A_548 = arith.constant 1.389600e+02 : f32
    %mul3A_549 = vector.broadcast %mul3A_548 : f32 to vector<16xf32>
    %mul3A_550 = arith.mulf %get3A_547, %mul3A_549 : vector<16xf32>
    %swap3A_551 = arith.constant 832 : index
    %swap3A_552 = tpu.vector_load %arg15[%swap3A_551] {strides = array<i32>} : memref<1024xf32, #tpu.memory_space<vmem>>, vector<16xf32>,
    %swap3A_553 = vector.shape_cast %swap3A_552 : vector<16xf32> to vector<16xf32>
    %swap3A_554 = vector.shape_cast %mul3A_550 : vector<16xf32> to vector<16xf32>
    tpu.vector_store %arg15[%swap3A_551], %swap3A_554 {strides = array<i32>} : memref<1024xf32, #tpu.memory_space<vmem>>, vector<16xf32>,
    %get3A_555 = arith.constant 848 : index
    %get3A_556 = tpu.vector_load %arg15[%get3A_555] {strides = array<i32>} : memref<1024xf32, #tpu.memory_space<vmem>>, vector<16xf32>,
    %get3A_557 = vector.shape_cast %get3A_556 : vector<16xf32> to vector<16xf32>
    %mul3A_558 = arith.constant 1.389600e+02 : f32
    %mul3A_559 = vector.broadcast %mul3A_558 : f32 to vector<16xf32>
    %mul3A_560 = arith.mulf %get3A_557, %mul3A_559 : vector<16xf32>
    %swap3A_561 = arith.constant 848 : index
    %swap3A_562 = tpu.vector_load %arg15[%swap3A_561] {strides = array<i32>} : memref<1024xf32, #tpu.memory_space<vmem>>, vector<16xf32>,
    %swap3A_563 = vector.shape_cast %swap3A_562 : vector<16xf32> to vector<16xf32>
    %swap3A_564 = vector.shape_cast %mul3A_560 : vector<16xf32> to vector<16xf32>
    tpu.vector_store %arg15[%swap3A_561], %swap3A_564 {strides = array<i32>} : memref<1024xf32, #tpu.memory_space<vmem>>, vector<16xf32>,
    %get3A_565 = arith.constant 864 : index
    %get3A_566 = tpu.vector_load %arg15[%get3A_565] {strides = array<i32>} : memref<1024xf32, #tpu.memory_space<vmem>>, vector<16xf32>,
    %get3A_567 = vector.shape_cast %get3A_566 : vector<16xf32> to vector<16xf32>
    %mul3A_568 = arith.constant 1.389600e+02 : f32
    %mul3A_569 = vector.broadcast %mul3A_568 : f32 to vector<16xf32>
    %mul3A_570 = arith.mulf %get3A_567, %mul3A_569 : vector<16xf32>
    %swap3A_571 = arith.constant 864 : index
    %swap3A_572 = tpu.vector_load %arg15[%swap3A_571] {strides = array<i32>} : memref<1024xf32, #tpu.memory_space<vmem>>, vector<16xf32>,
    %swap3A_573 = vector.shape_cast %swap3A_572 : vector<16xf32> to vector<16xf32>
    %swap3A_574 = vector.shape_cast %mul3A_570 : vector<16xf32> to vector<16xf32>
    tpu.vector_store %arg15[%swap3A_571], %swap3A_574 {strides = array<i32>} : memref<1024xf32, #tpu.memory_space<vmem>>, vector<16xf32>,
    %get3A_575 = arith.constant 880 : index
    %get3A_576 = tpu.vector_load %arg15[%get3A_575] {strides = array<i32>} : memref<1024xf32, #tpu.memory_space<vmem>>, vector<16xf32>,
    %get3A_577 = vector.shape_cast %get3A_576 : vector<16xf32> to vector<16xf32>
    %mul3A_578 = arith.constant 1.389600e+02 : f32
    %mul3A_579 = vector.broadcast %mul3A_578 : f32 to vector<16xf32>
    %mul3A_580 = arith.mulf %get3A_577, %mul3A_579 : vector<16xf32>
    %swap3A_581 = arith.constant 880 : index
    %swap3A_582 = tpu.vector_load %arg15[%swap3A_581] {strides = array<i32>} : memref<1024xf32, #tpu.memory_space<vmem>>, vector<16xf32>,
    %swap3A_583 = vector.shape_cast %swap3A_582 : vector<16xf32> to vector<16xf32>
    %swap3A_584 = vector.shape_cast %mul3A_580 : vector<16xf32> to vector<16xf32>
    tpu.vector_store %arg15[%swap3A_581], %swap3A_584 {strides = array<i32>} : memref<1024xf32, #tpu.memory_space<vmem>>, vector<16xf32>,
    %get3A_585 = arith.constant 896 : index
    %get3A_586 = tpu.vector_load %arg15[%get3A_585] {strides = array<i32>} : memref<1024xf32, #tpu.memory_space<vmem>>, vector<16xf32>,
    %get3A_587 = vector.shape_cast %get3A_586 : vector<16xf32> to vector<16xf32>
    %mul3A_588 = arith.constant 1.389600e+02 : f32
    %mul3A_589 = vector.broadcast %mul3A_588 : f32 to vector<16xf32>
    %mul3A_590 = arith.mulf %get3A_587, %mul3A_589 : vector<16xf32>
    %swap3A_591 = arith.constant 896 : index
    %swap3A_592 = tpu.vector_load %arg15[%swap3A_591] {strides = array<i32>} : memref<1024xf32, #tpu.memory_space<vmem>>, vector<16xf32>,
    %swap3A_593 = vector.shape_cast %swap3A_592 : vector<16xf32> to vector<16xf32>
    %swap3A_594 = vector.shape_cast %mul3A_590 : vector<16xf32> to vector<16xf32>
    tpu.vector_store %arg15[%swap3A_591], %swap3A_594 {strides = array<i32>} : memref<1024xf32, #tpu.memory_space<vmem>>, vector<16xf32>,
    %get3A_595 = arith.constant 912 : index
    %get3A_596 = tpu.vector_load %arg15[%get3A_595] {strides = array<i32>} : memref<1024xf32, #tpu.memory_space<vmem>>, vector<16xf32>,
    %get3A_597 = vector.shape_cast %get3A_596 : vector<16xf32> to vector<16xf32>
    %mul3A_598 = arith.constant 1.389600e+02 : f32
    %mul3A_599 = vector.broadcast %mul3A_598 : f32 to vector<16xf32>
    %mul3A_600 = arith.mulf %get3A_597, %mul3A_599 : vector<16xf32>
    %swap3A_601 = arith.constant 912 : index
    %swap3A_602 = tpu.vector_load %arg15[%swap3A_601] {strides = array<i32>} : memref<1024xf32, #tpu.memory_space<vmem>>, vector<16xf32>,
    %swap3A_603 = vector.shape_cast %swap3A_602 : vector<16xf32> to vector<16xf32>
    %swap3A_604 = vector.shape_cast %mul3A_600 : vector<16xf32> to vector<16xf32>
    tpu.vector_store %arg15[%swap3A_601], %swap3A_604 {strides = array<i32>} : memref<1024xf32, #tpu.memory_space<vmem>>, vector<16xf32>,
    %get3A_605 = arith.constant 928 : index
    %get3A_606 = tpu.vector_load %arg15[%get3A_605] {strides = array<i32>} : memref<1024xf32, #tpu.memory_space<vmem>>, vector<16xf32>,
    %get3A_607 = vector.shape_cast %get3A_606 : vector<16xf32> to vector<16xf32>
    %mul3A_608 = arith.constant 1.389600e+02 : f32
    %mul3A_609 = vector.broadcast %mul3A_608 : f32 to vector<16xf32>
    %mul3A_610 = arith.mulf %get3A_607, %mul3A_609 : vector<16xf32>
    %swap3A_611 = arith.constant 928 : index
    %swap3A_612 = tpu.vector_load %arg15[%swap3A_611] {strides = array<i32>} : memref<1024xf32, #tpu.memory_space<vmem>>, vector<16xf32>,
    %swap3A_613 = vector.shape_cast %swap3A_612 : vector<16xf32> to vector<16xf32>
    %swap3A_614 = vector.shape_cast %mul3A_610 : vector<16xf32> to vector<16xf32>
    tpu.vector_store %arg15[%swap3A_611], %swap3A_614 {strides = array<i32>} : memref<1024xf32, #tpu.memory_space<vmem>>, vector<16xf32>,
    %get3A_615 = arith.constant 944 : index
    %get3A_616 = tpu.vector_load %arg15[%get3A_615] {strides = array<i32>} : memref<1024xf32, #tpu.memory_space<vmem>>, vector<16xf32>,
    %get3A_617 = vector.shape_cast %get3A_616 : vector<16xf32> to vector<16xf32>
    %mul3A_618 = arith.constant 1.389600e+02 : f32
    %mul3A_619 = vector.broadcast %mul3A_618 : f32 to vector<16xf32>
    %mul3A_620 = arith.mulf %get3A_617, %mul3A_619 : vector<16xf32>
    %swap3A_621 = arith.constant 944 : index
    %swap3A_622 = tpu.vector_load %arg15[%swap3A_621] {strides = array<i32>} : memref<1024xf32, #tpu.memory_space<vmem>>, vector<16xf32>,
    %swap3A_623 = vector.shape_cast %swap3A_622 : vector<16xf32> to vector<16xf32>
    %swap3A_624 = vector.shape_cast %mul3A_620 : vector<16xf32> to vector<16xf32>
    tpu.vector_store %arg15[%swap3A_621], %swap3A_624 {strides = array<i32>} : memref<1024xf32, #tpu.memory_space<vmem>>, vector<16xf32>,
    %get3A_625 = arith.constant 960 : index
    %get3A_626 = tpu.vector_load %arg15[%get3A_625] {strides = array<i32>} : memref<1024xf32, #tpu.memory_space<vmem>>, vector<16xf32>,
    %get3A_627 = vector.shape_cast %get3A_626 : vector<16xf32> to vector<16xf32>
    %mul3A_628 = arith.constant 1.389600e+02 : f32
    %mul3A_629 = vector.broadcast %mul3A_628 : f32 to vector<16xf32>
    %mul3A_630 = arith.mulf %get3A_627, %mul3A_629 : vector<16xf32>
    %swap3A_631 = arith.constant 960 : index
    %swap3A_632 = tpu.vector_load %arg15[%swap3A_631] {strides = array<i32>} : memref<1024xf32, #tpu.memory_space<vmem>>, vector<16xf32>,
    %swap3A_633 = vector.shape_cast %swap3A_632 : vector<16xf32> to vector<16xf32>
    %swap3A_634 = vector.shape_cast %mul3A_630 : vector<16xf32> to vector<16xf32>
    tpu.vector_store %arg15[%swap3A_631], %swap3A_634 {strides = array<i32>} : memref<1024xf32, #tpu.memory_space<vmem>>, vector<16xf32>,
    %get3A_635 = arith.constant 976 : index
    %get3A_636 = tpu.vector_load %arg15[%get3A_635] {strides = array<i32>} : memref<1024xf32, #tpu.memory_space<vmem>>, vector<16xf32>,
    %get3A_637 = vector.shape_cast %get3A_636 : vector<16xf32> to vector<16xf32>
    %mul3A_638 = arith.constant 1.389600e+02 : f32
    %mul3A_639 = vector.broadcast %mul3A_638 : f32 to vector<16xf32>
    %mul3A_640 = arith.mulf %get3A_637, %mul3A_639 : vector<16xf32>
    %swap3A_641 = arith.constant 976 : index
    %swap3A_642 = tpu.vector_load %arg15[%swap3A_641] {strides = array<i32>} : memref<1024xf32, #tpu.memory_space<vmem>>, vector<16xf32>,
    %swap3A_643 = vector.shape_cast %swap3A_642 : vector<16xf32> to vector<16xf32>
    %swap3A_644 = vector.shape_cast %mul3A_640 : vector<16xf32> to vector<16xf32>
    tpu.vector_store %arg15[%swap3A_641], %swap3A_644 {strides = array<i32>} : memref<1024xf32, #tpu.memory_space<vmem>>, vector<16xf32>,
    %get3A_645 = arith.constant 992 : index
    %get3A_646 = tpu.vector_load %arg15[%get3A_645] {strides = array<i32>} : memref<1024xf32, #tpu.memory_space<vmem>>, vector<16xf32>,
    %get3A_647 = vector.shape_cast %get3A_646 : vector<16xf32> to vector<16xf32>
    %mul3A_648 = arith.constant 1.389600e+02 : f32
    %mul3A_649 = vector.broadcast %mul3A_648 : f32 to vector<16xf32>
    %mul3A_650 = arith.mulf %get3A_647, %mul3A_649 : vector<16xf32>
    %swap3A_651 = arith.constant 992 : index
    %swap3A_652 = tpu.vector_load %arg15[%swap3A_651] {strides = array<i32>} : memref<1024xf32, #tpu.memory_space<vmem>>, vector<16xf32>,
    %swap3A_653 = vector.shape_cast %swap3A_652 : vector<16xf32> to vector<16xf32>
    %swap3A_654 = vector.shape_cast %mul3A_650 : vector<16xf32> to vector<16xf32>
    tpu.vector_store %arg15[%swap3A_651], %swap3A_654 {strides = array<i32>} : memref<1024xf32, #tpu.memory_space<vmem>>, vector<16xf32>,
    %get3A_655 = arith.constant 1008 : index
    %get3A_656 = tpu.vector_load %arg15[%get3A_655] {strides = array<i32>} : memref<1024xf32, #tpu.memory_space<vmem>>, vector<16xf32>,
    %get3A_657 = vector.shape_cast %get3A_656 : vector<16xf32> to vector<16xf32>
    %mul3A_658 = arith.constant 1.389600e+02 : f32
    %mul3A_659 = vector.broadcast %mul3A_658 : f32 to vector<16xf32>
    %mul3A_660 = arith.mulf %get3A_657, %mul3A_659 : vector<16xf32>
    %swap3A_661 = arith.constant 1008 : index
    %swap3A_662 = tpu.vector_load %arg15[%swap3A_661] {strides = array<i32>} : memref<1024xf32, #tpu.memory_space<vmem>>, vector<16xf32>,
    %swap3A_663 = vector.shape_cast %swap3A_662 : vector<16xf32> to vector<16xf32>
    %swap3A_664 = vector.shape_cast %mul3A_660 : vector<16xf32> to vector<16xf32>
    tpu.vector_store %arg15[%swap3A_661], %swap3A_664 {strides = array<i32>} : memref<1024xf32, #tpu.memory_space<vmem>>, vector<16xf32>,
    "tpu.region"() ({
      %run_scoped3A = tpu.sem_alloc : memref<!tpu.dma_semaphore, #tpu.memory_space<semaphore_mem>>
      tpu.enqueue_dma source(%arg15 : memref<1024xf32, #tpu.memory_space<vmem>>) target(%arg6 : memref<1024xf32, #tpu.memory_space<hbm>>) target_semaphore(%run_scoped3A : memref<!tpu.dma_semaphore, #tpu.memory_space<semaphore_mem>>)
      tpu.wait_dma2 semaphore(%run_scoped3A : memref<!tpu.dma_semaphore, #tpu.memory_space<semaphore_mem>>) src(%arg15 : memref<1024xf32, #tpu.memory_space<vmem>>) dst(%arg6 : memref<1024xf32, #tpu.memory_space<hbm>>)
      tpu.yield
    }) : () -> ()
    return
  }
}

</mosaic_0001>

<sc_bundles>
// kernel: kernel.3.cloned.1.call-start
scs
__scs_entry_jumppad:
0x0: {  	(pc) =	sbr.rel $0x88, $3  }
0x1: {  	(tag) =	ssettag $0x0;
	lr =	simm.s32 $0x1  }
0x2: {  	[smem:$0x3F9D] =	sst lr;
	_ =	strace $0xD0000000  }
0x3: {  	_ = 	snop  }
0x4: {  	_ = 	snop  }
0x5: {  	_ = 	snop  }
0x6: {  	_ = 	snop  }
0x7: {  	_ = 	snop  }
__scs_overlays_trampoline_lowered:
0x8: {  	[smem:$0x3FAC] =	sst s0  }
0x9: {  	[smem:$0x3FAD] =	sst s1  }
0xa: {  	[smem:$0x3FAE] =	sst s2  }
0xb: {  	[smem:$0x3FAF] =	sst s3  }
0xc: {  	[smem:$0x3FB0] =	sst s4  }
0xd: {  	[smem:$0x3FB1] =	sst s5  }
0xe: {  	[smem:$0x3FB2] =	sst s6  }
0xf: {  	[smem:$0x3FB3] =	sst s7  }
0x10: {  	[smem:$0x3FB4] =	sst s8  }
0x11: {  	[smem:$0x3FB5] =	sst s9;
	s0 =	simm.s32 @!p0 $0x0  }
0x12: {  	s1 =	sld [smem:$0x3F9B];
	s0 =	simm.s32 @p0 $0x1  }
0x13: {  	[smem:$0x3FB6] =	sst s0;
	s0 =	simm.s32 @!p1 $0x0  }
0x14: {  	s2 =	sld [smem:$0x3F9A];
	s0 =	simm.s32 @p1 $0x1  }
0x15: {  	[smem:$0x3FB7] =	sst s0;
	s0 =	simm.s32 @!p2 $0x0  }
0x16: {  	s3 =	sld [smem:$0x3FDB];
	s0 =	simm.s32 @p2 $0x1  }
0x17: {  	s4 =	simm.s32 $0x1BF5;
	[smem:$0x3FB9] =	sst s0  }
0x18: {  	s0 =	sld [smem:$0x3F9C];
	_ =	swait.ge [sflag:s4], $0x0  }
0x19: {  	s7 =	sld [smem:$0x3F9D]  }
0x1a: {  	s8 =	sadd.s32 $0xFFFFE003, lr  }
0x1b: {  	s9 =	sadd.s32 $0xFFFFFEF7, lr;
	s5 =	simm.s32 $0xFFFFFFFF;
	p2 =	slt.u32 s8, $0xFFFFF086  }
0x1c: {  	p1 =	slt.u32 s9, $0xF7A;
	s5 =	simm.s32 @!p2 $0x0  }
0x1d: {  	s5 =	simm.s32 @p1 $0x1;
	p0 =	seq.s32 s7, s2  }
0x1e: {  	s7 =	smul.u32 @!p0 $0xF7A, s2;
	p2 =	seq.s32 @!p0 s5, $0x0  }
0x1f: {  	s9 =	smul.u32 $0xF7A, s1;
	s8 =	simm.s32 @!p0 $0x1BF5;
	p2 =	por !p2, p0  }
0x20: {  	[sflag:s8] =	ssyncset.s32 @!p0 $0xFFFFF086;
	s6 =	sadd.s32 @!p0 s3, s7;
	s7 =	simm.s32 @!p0 $0x108  }
0x21: {  	s3 =	sadd.s32 s3, s9;
	s6 =	sadd.s32 @!p0 $0x88, s6;
	s7 =	simm.s32 @p2 $0x1082  }
0x22: {  	[simem:s7], [sflag:s8] =	dma.local @!p0 [hbm:s6], $0xF7A  }
0x23: {  	s9 =	sor.u32 $0xD0000000, s2;
	s6 =	simm.s32 $0x108;
	_ =	swait.ge @!p0 [sflag:s8], $0x0  }
0x24: {  	s3 =	sadd.s32 $0x88, s3;
	s6 =	simm.s32 @!p1 $0x1082;
	[sflag:s4] =	ssyncset.s32 $0xFFFFF086  }
0x25: {  	[simem:s6], [sflag:s4] =	dma.local [hbm:s3], $0xF7A  }
0x26: {  	[smem:$0x3F9D] =	sst s1;
	(tag) =	ssettag s2;
	_ =	strace s9  }
0x27: {  	s1 =	sld [smem:$0x3FAD]  }
0x28: {  	s2 =	sld [smem:$0x3FAE]  }
0x29: {  	s4 =	sld [smem:$0x3FB0]  }
0x2a: {  	p0 =	seq.s32 s5, $0x0;
	s5 =	sld [smem:$0x3FB1]  }
0x2b: {  	s6 =	sld [smem:$0x3FB2]  }
0x2c: {  	s7 =	sld [smem:$0x3FB3]  }
0x2d: {  	s3 =	simm.s32 $0x108;
	s8 =	sld [smem:$0x3FB4]  }
0x2e: {  	s3 =	simm.s32 @!p0 $0x1082;
	s9 =	sld [smem:$0x3FB5]  }
0x2f: {  	lr =	sadd.s32 s0, s3;
	s0 =	sld [smem:$0x3FAC]  }
0x30: {  	s3 =	sld [smem:$0x3FAF]  }
0x31: {  	[smem:$0x3FB8] =	sst s10  }
0x32: {  	s10 =	sld [smem:$0x3FB6];
	_ =	sdelay $0x3  }
0x33: {  	p0 =	seq.s32 s10, $0x1;
	s10 =	sld [smem:$0x3FB8];
	_ =	sdelay $0x3  }
0x34: {  	[smem:$0x3FB8] =	sst s10  }
0x35: {  	s10 =	sld [smem:$0x3FB7];
	_ =	sdelay $0x3  }
0x36: {  	p1 =	seq.s32 s10, $0x1;
	s10 =	sld [smem:$0x3FB8];
	_ =	sdelay $0x3  }
0x37: {  	[smem:$0x3FB8] =	sst s10  }
0x38: {  	s10 =	sld [smem:$0x3FB9]  }
0x39: {  	_ = 	snop;
	(pc) =	sbr.ind lr, $3  }
0x3a: {  	_ = 	snop  }
0x3b: {  	_ = 	snop  }
0x3c: {  	p2 =	seq.s32 s10, $0x1;
	s10 =	sld [smem:$0x3FB8]  }
0x3d: {  	_ =	shalt  }
0x3e: {  	_ =	shalt  }
0x3f: {  	_ =	shalt  }
0x40: {  	_ =	shalt  }
0x41: {  	_ =	shalt  }
0x42: {  	_ =	shalt  }
0x43: {  	_ =	shalt  }
0x44: {  	_ =	shalt  }
0x45: {  	_ =	shalt  }
0x46: {  	_ =	shalt  }
0x47: {  	_ =	shalt  }
0x48: {  	_ =	shalt  }
0x49: {  	_ =	shalt  }
0x4a: {  	_ =	shalt  }
0x4b: {  	_ =	shalt  }
0x4c: {  	_ =	shalt  }
0x4d: {  	_ =	shalt  }
0x4e: {  	_ =	shalt  }
0x4f: {  	_ =	shalt  }
0x50: {  	_ =	shalt  }
0x51: {  	_ =	shalt  }
0x52: {  	_ =	shalt  }
0x53: {  	_ =	shalt  }
0x54: {  	_ =	shalt  }
0x55: {  	_ =	shalt  }
0x56: {  	_ =	shalt  }
0x57: {  	_ =	shalt  }
0x58: {  	_ =	shalt  }
0x59: {  	_ =	shalt  }
0x5a: {  	_ =	shalt  }
0x5b: {  	_ =	shalt  }
0x5c: {  	_ =	shalt  }
0x5d: {  	_ =	shalt  }
0x5e: {  	_ =	shalt  }
0x5f: {  	_ =	shalt  }
0x60: {  	_ =	shalt  }
0x61: {  	_ =	shalt  }
0x62: {  	_ =	shalt  }
0x63: {  	_ =	shalt  }
0x64: {  	_ =	shalt  }
0x65: {  	_ =	shalt  }
0x66: {  	_ =	shalt  }
0x67: {  	_ =	shalt  }
0x68: {  	_ =	shalt  }
0x69: {  	_ =	shalt  }
0x6a: {  	_ =	shalt  }
0x6b: {  	_ =	shalt  }
0x6c: {  	_ =	shalt  }
0x6d: {  	_ =	shalt  }
0x6e: {  	_ =	shalt  }
0x6f: {  	_ =	shalt  }
0x70: {  	_ =	shalt  }
0x71: {  	_ =	shalt  }
0x72: {  	_ =	shalt  }
0x73: {  	_ =	shalt  }
0x74: {  	_ =	shalt  }
0x75: {  	_ =	shalt  }
0x76: {  	_ =	shalt  }
0x77: {  	_ =	shalt  }
0x78: {  	_ =	shalt  }
0x79: {  	_ =	shalt  }
0x7a: {  	_ =	shalt  }
0x7b: {  	_ =	shalt  }
0x7c: {  	_ =	shalt  }
0x7d: {  	_ =	shalt  }
0x7e: {  	_ =	shalt  }
0x7f: {  	_ =	shalt  }
0x80: {  	_ =	shalt  }
0x81: {  	_ =	shalt  }
0x82: {  	_ =	shalt  }
0x83: {  	_ =	shalt  }
0x84: {  	_ =	shalt  }
0x85: {  	_ =	shalt  }
0x86: {  	_ =	shalt  }
0x87: {  	_ =	shalt  }
.Lfunc_end0:
.L_simem_size_0:
called_computation.1_lowered:
.L_overlay_start_0:
0x88: {  	s0 =	sld [smem:$0x3FD9]  }
0x89: {  	s1 =	sld [smem:$0x3FFE];
	_ =	sdelay $0x3  }
0x8a: {  	s0 =	sadd.s32 s1, s0  }
0x8b: {  	[smem:$0x3FC4] =	sst s0  }
0x8c: {  	_ = 	snop  }
0x8d: {  	s0 =	sld [smem:$0x3FC9]  }
0x8e: {  	s16 =	sld [smem:$0x3FC8]  }
0x8f: {  	s2 =	sld [smem:$0x3FC7];
	(tm) =	ssettm $0x1  }
0x90: {  	s3 =	sld [smem:$0x3FFB];
	_ =	sdelay $0x3  }
0x91: {  	_ =	strace s3  }
0x92: {  	s3 =	sld [smem:$0x3FFC];
	_ =	sdelay $0x3  }
0x93: {  	_ =	strace s3  }
0x94: {  	s3 =	sld [smem:$0x3FFD];
	_ =	sdelay $0x3  }
0x95: {  	_ =	strace s3  }
0x96: {  	_ =	strace $0x8FFFFFFF  }
0x97: {  	s17 =	sld [smem:$0x3FDB];
	_ =	sdelay $0x1  }
0x98: {  	s4 =	simm.s32 $_scs_section_size  }
0x99: {  	s5 =	simm.s32 $_size__tile_overlayer_lowered;
	s6 =	simm.s32 $_tile_overlayer_lowered  }
0x9a: {  	s20 =	simm.s32 $0x1BFF;
	s19 =	sshll.u32 s6, $0x1;
	s3 =	sadd.s32 s4, s17  }
0x9b: {  	s7 =	simm.s32 $0x0;
	s18 =	sshll.u32 s5, $0x1;
	s5 =	sadd.s32 s19, s3  }
0x9c: {  	[timem:s7], [sflag:s20] =	dma.local [hbm:s5], s18  }
0x9d: {  	_ =	swait.ge [sflag:s20], s18  }
0x9e: {  	s4 =	ssub.s32 $0x0, s18;
	[sflag:s20] =	ssyncset.done $0x0  }
0x9f: {  	[sflag:s20] =	ssyncadd.s32 s4;
	_ =	sdelay $0x1  }
0xa0: {  	s21 =	simm.s32 $0x1B8B  }
0xa1: {  	_ =	swait.ge [sflag:s21], $0x1  }
0xa2: {  	[sflag:s21] =	ssyncset.done $0x0  }
0xa3: {  	s23 =	simm.s32 $0x1B8E;
	s22 =	sld [smem:$0x3FFE];
	[sflag:s21] =	ssyncadd.s32 $0xFFFFFFFF  }
0xa4: {  	s24 =	simm.s32 $execute0_lowered;
	[smem:$0x3FD2] =	sst s23  }
0xa5: {  	s5 =	sshll.u32 s24, $0x1;
	_ =	strace $0x80000049;
	[dreg:$0x1] =	wrdreg $0xFFFFFFFF  }
0xa6: {  	s25 =	simm.s32 $_size_execute0_lowered;
	s3 =	sadd.s32 s3, s5;
	[dreg:$0x0] =	wrdreg $0x0  }
0xa7: {  	s5 =	sshll.u32 s25, $0x1;
	[dreg:$0x2] =	wrdreg s3  }
0xa8: {  	[dreg:$0x3] =	wrdreg s5  }
0xa9: {  	[dreg:$0x4] =	wrdreg $0xC0  }
0xaa: {  	_ =	task [dreg:s7], $0x5FFFF  }
0xab: {  	[dreg:$0x1] =	wrdreg $0xFFFFFFFF  }
0xac: {  	[dreg:$0x0] =	wrdreg $0x60  }
0xad: {  	[dreg:$0x2] =	wrdreg s0  }
0xae: {  	[dreg:$0x3] =	wrdreg s22  }
0xaf: {  	[dreg:$0x4] =	wrdreg s16  }
0xb0: {  	[dreg:$0x5] =	wrdreg s2  }
0xb1: {  	[dreg:$0x6] =	wrdreg $0x102100  }
0xb2: {  	[dreg:$0x7] =	wrdreg $0x102000  }
0xb3: {  	[dreg:$0x8] =	wrdreg $0x9  }
0xb4: {  	_ =	task.clear_ibuf [dreg:s7], $0x9FFFF;
	_ =	strace $0x90000049  }
0xb5: {  	s26 =	simm.s32 $0x9;
	_ =	strace $0x8000004B  }
0xb6: {  	_ =	swait.ge [sflag:s26], $0x1  }
0xb7: {  	[sflag:s26] =	ssyncadd.s32 $0xFFFFFFFF  }
0xb8: {  	_ =	strace $0x9000004B  }
0xb9: {  	_ =	sfence  }
0xba: {  	s28 =	sld [smem:$0x0];
	_ =	sdelay $0x1  }
0xbb: {  	s29 =	srdreg.scid  }
0xbc: {  	s30 =	sshll.u32 s29, $0xD;
	s31 =	sshrl.u32 s29, $0x2  }
0xbd: {  	s1 =	sand.u32 $0x1, s29;
	s2 =	sand.u32 $0x4000, s30;
	s0 =	sadd.s32 s31, s28  }
0xbe: {  	s1 =	sor.u32 s2, s1;
	s0 =	sshll.u32 s0, $0x11  }
0xbf: {  	s0 =	sor.u32 s0, s1  }
0xc0: {  	s0 =	sadd.s32 $0x8F2B, s0  }
0xc1: {  	[sflag:s0] =	ssyncadd.remote.s32 $0x1  }
0xc2: {  	_ =	sfence.sel $0xFFFF  }
0xc3: {  	[dreg:$0x0] =	wrdreg $0xFFFFFFFF;
	(pc) =	sbr.abs _section_cstart, $3  }
0xc4: {  	[dreg:$0x1] =	wrdreg $0xFFFFFFFF  }
0xc5: {  	_ =	task.clear_ibuf [dreg:s7], $0x2FFFF;
	_ =	strace $0x9FFFFFFF  }
0xc6: {  	(tm) =	ssettm $0x7FFFFFFF  }
0xc7: {  	_ =	shalt  }
tec
execute0_lowered:
.L_overlay_start_1:
0x0: {  	(tag) =	ssettag $0x1  }
0x1: {  	s3 =	rddreg [dreg:$0x0]  }
0x2: {  	s2 =	rddreg [dreg:$0x1]  }
0x3: {  	s4 =	rddreg [dreg:$0x2]  }
0x4: {  	s0 =	rddreg [dreg:$0x4];
	s8 =	simm.s32 $0x0  }
0x5: {  	v0 =	vimm.s32 $0xEFCDAB89;
	v4 =	vimm.f32 $0.0e+00;
	[smem:$0x7FF] =	sst s8  }
0x6: {  	v1 =	vimm.s32 $0x67452301;
	s7 =	rddreg [dreg:$0x5];
	_ =	strace $0x8000004A;
	[tilespmem:$0xFC00] =	vst v4  }
0x7: {  	v6 =	vimm.s32 $0x32107654;
	v7 =	vimm.s32 $0xFEDCBA98;
	s1 =	stileid.u32;
	[tilespmem:$0xFC10] =	vst v4  }
0x8: {  	v8 =	vimm.s32 $0x76543210;
	v9 =	vimm.s32 $0xEDCBA987;
	s9 =	sshll.u32 s1, $0x6;
	[tilespmem:$0xFC20] =	vst v4  }
0x9: {  	v10 =	vimm.s32 $0x65432100;
	s10 =	simm.s32 $0xFC00;
	s13 =	simm.s32 $0x1F80;
	s9 =	sadd.s32 s9, s0;
	[tilespmem:$0xFC30] =	vst v4  }
0xa: {  	vm0 =	vcmask $0x300;
	v11 =	vimm.s32 $0xE40000;
	v12 =	vimm.s32 $0x32100000;
	[spmem:s9] =	stream.linear.scatter [tilespmem:s10], [sflag:$0x4], $0x40, $0x38;
	[tilespmem:$0x10250] =	vst v63  }
0xb: {  	s14 =	simm.s32 $0x1F40;
	s15 =	simm.s32 $0x5E80;
	vm13 =	vcmask $0x700;
	vm14 =	vcmask $0xF00;
	v0 =	vunpack.c.l.s4.s8 v0;
	s9 =	simm.s32 $0x4  }
0xc: {  	s16 =	simm.s32 $0x7E00;
	s17 =	simm.s32 $0x3F00;
	v13 =	vimm.s32 $0x7060504;
	vm15 =	vcmask $0x3F30;
	v1 =	vunpack.c.l.s4.s8 v1;
	_ =	swait.ge [sflag:s9], $0x40  }
0xd: {  	v14 =	vimm.s32 $0xF;
	s31 =	sadd.s32 $0x187200, s2;
	p0 =	seq.s32 s1, $0xF;
	v2 =	vunpack.c.0.s8.s32 v0;
	v0 =	vimm.s32 $0xDCFE98BA;
	[sflag:s9] =	ssyncset.done $0x0  }
0xe: {  	s0 =	simm.s32 @!p0 $0x0;
	v1 =	vunpack.c.0.s8.s32 v1;
	v3 =	vunpack.c.l.s4.s8 v0;
	v0 =	vimm.s32 $0x54761032;
	[dreg:$0x7] =	wrdreg s31;
	[sflag:s9] =	ssyncadd.s32 $0xFFFFFFC0  }
0xf: {  	v6 =	vunpack.c.l.s4.s8 v6;
	v7 =	vunpack.c.l.s4.s8 v7;
	s0 =	simm.s32 @p0 $0x1;
	p0 =	sgt.u32 s1, $0xD;
	v5 =	vunpack.c.l.s4.s8 v0;
	[bflag:$0x0] =	sbarrier.arrive $0xFFFF  }
0x10: {  	s18 =	simm.s32 $0x10000;
	v8 =	vunpack.c.l.s4.s8 v8;
	v9 =	vunpack.c.l.s4.s8 v9;
	v1 =	vcombine.low v1, v2;
	[smem:$0x7F5] =	sst s0;
	s0 =	simm.s32 @!p0 $0x0  }
0x11: {  	s19 =	simm.s32 $0x10100;
	v2 =	vunpack.c.0.s8.s32 v3;
	v3 =	vunpack.c.0.s8.s32 v5;
	v5 =	vimm.s32 $0xBA98FEDC;
	s0 =	simm.s32 @p0 $0x1;
	p0 =	sgt.u32 s1, $0xC  }
0x12: {  	s20 =	simm.s32 $0x1;
	v10 =	vunpack.c.l.s4.s8 v10;
	v11 =	vunpack.c.l.s2.s4 v11;
	v5 =	vunpack.c.l.s4.s8 v5;
	[smem:$0x7F6] =	sst s0;
	s0 =	simm.s32 @!p0 $0x0  }
0x13: {  	s21 =	simm.s32 $0x2;
	v12 =	vunpack.c.l.s4.s8 v12;
	v7 =	vunpack.c.0.s8.s32 v7;
	v4 =	vunpack.c.0.s8.s32 v6;
	s0 =	simm.s32 @p0 $0x1;
	p0 =	sgt.u32 s1, $0xB  }
0x14: {  	s22 =	simm.s32 $0x3;
	v6 =	vunpack.c.0.s8.s32 v8;
	v8 =	vunpack.c.0.s8.s32 v9;
	v5 =	vunpack.c.0.s8.s32 v5;
	[smem:$0x7F7] =	sst s0;
	s0 =	simm.s32 @!p0 $0x0  }
0x15: {  	s24 =	simm.s32 $0xDC80;
	v9 =	vunpack.c.0.s8.s32 v10;
	v10 =	vimm.s32 $0xFFFFFFFF;
	v11 =	vunpack.c.l.s4.s8 v11;
	s0 =	simm.s32 @p0 $0x1;
	p0 =	sgt.u32 s1, $0xA  }
0x16: {  	s25 =	simm.s32 $0x9D80;
	v2 =	vcombine.low v3, v2;
	v3 =	vcombine.low v4, v5;
	v5 =	vand.u32 $0xF, v8;
	[smem:$0x7F8] =	sst s0;
	s0 =	simm.s32 @!p0 $0x0  }
0x17: {  	s26 =	simm.s32 $0x0;
	v7 =	vand.u32 $0xF, v7;
	v5 =	vcombine.low v9, v5;
	v9 =	vimm.s32 $0xBA987654;
	s0 =	simm.s32 @p0 $0x1;
	p0 =	sgt.u32 s1, $0x9  }
0x18: {  	s12 =	sshll.u32 s1, $0x4;
	v4 =	vcombine.low v7, v6;
	v6 =	vimm.s32 $0xDCBA9876;
	v9 =	vunpack.c.l.s4.s8 v9;
	[smem:$0x7F9] =	sst s0;
	s0 =	simm.s32 @!p0 $0x0  }
0x19: {  	s11 =	smul.u32 $0x1F40, s1;
	v11 =	vunpack.c.0.s8.s32 v11;
	v7 =	vimm.s32 $0x54321000;
	v8 =	vunpack.c.l.s4.s8 v6;
	s0 =	simm.s32 @p0 $0x1;
	p0 =	sgt.u32 s1, $0x8  }
0x1a: {  	p2 =	sgt.u32 s1, $0x5;
	v12 =	vunpack.c.0.s8.s32 v12;
	v7 =	vunpack.c.l.s4.s8 v7;
	v9 =	vunpack.c.0.s8.s32 v9;
	[smem:$0x7FA] =	sst s0;
	s0 =	simm.s32 @!p0 $0x0  }
0x1b: {  	p3 =	sgt.u32 s1, $0x4;
	v0 =	vimm.s32 $0x0;
	v11 =	vand.u32 $0x3, v11;
	v8 =	vunpack.c.0.s8.s32 v8;
	s0 =	simm.s32 @p0 $0x1;
	p0 =	sgt.u32 s1, $0x7  }
.Ltmp0:
0x1c: {  	v6 =	vsel vm0, $0x0, v10;
	v7 =	vunpack.c.0.s8.s32 v7;
	v9 =	vand.u32 $0xF, v9;
	[smem:$0x7FB] =	sst s0;
	s0 =	simm.s32 @!p0 $0x0;
	(pc) =	sbr.rel .LBB2_1-.Ltmp0, $4  }
0x1d: {  	p4 =	sgt.u32 s1, $0x3;
	v8 =	vand.u32 $0xF, v8;
	v9 =	vcombine.low v12, v9;
	v12 =	vunpack.c.0.s8.s32 v13;
	s0 =	simm.s32 @p0 $0x1;
	p0 =	sgt.u32 s1, $0x6  }
0x1e: {  	p5 =	sgt.u32 s1, $0x2;
	v7 =	vcombine.low v7, v8;
	v8 =	vsel vm13, $0x0, v10;
	v13 =	vlaneseq.u32;
	[smem:$0x7FC] =	sst s0;
	s0 =	simm.s32 @!p0 $0x0  }
0x1f: {  	p6 =	sgt.u32 s1, $0x1;
	s12 =	sadd.s32 s12, s7;
	v11 =	vsel vm15, v12, v11;
	v12 =	vshrl.u32 v13, $0x3;
	v13 =	vimm.f32 $1.000000000e+00;
	s0 =	simm.s32 @p0 $0x1  }
0x20: {  	s10 =	sadd.s32 $0x800, s2;
	v10 =	vsel vm14, $0x0, v10;
	v12 =	vmul.u32 $0xFFFFFFFF, v12;
	v13 =	vand.u32 $0x7FFFFFFF, v13;
	p0 =	seq.s32 s1, $0x0;
	[smem:$0x7FD] =	sst s0  }
.LBB2_7:
0x21: {  	v18 =	vmul.f32 v17, v17;
	_ =	sdelay $0x1  }
0x22: {  	v18 =	vadd.f32 $1.000000000e+00, v18;
	_ =	sdelay $0x1  }
0x23: {  	v19 =	vmul.f32 $-2.899999920e-01, v18;
	_ =	sdelay $0x1  }
0x24: {  	v18 =	vmul.f32 $5.000000000e-01, v18;
	v19 =	vadd.f32 $1.279999970e+00, v19;
	_ =	sdelay $0x1  }
0x25: {  	v20 =	vld [tilespmem:s28+$0x1F80];
	v22 =	vmul.f32 v19, v18  }
0x26: {  	v21 =	vld [tilespmem:s28+$0x0]  }
0x27: {  	v22 =	vmul.f32 v22, v19;
	_ =	sdelay $0x1  }
0x28: {  	v46 =	vsub.f32 $1.500000000e+00, v22;
	_ =	sdelay $0x1  }
0x29: {  	v47 =	vmul.f32 $4.000000000e+00, v17;
	v20 =	vsub.s32 v20, v21;
	v19 =	vmul.f32 v46, v19  }
0x2a: {  	vm0 =	vgt.s32 v20, $0x0  }
0x2b: {  	v23 =	vmul.f32 $-6.000000000e+00, v47;
	v20 =	vsel vm0, $0x1, v0;
	v24 =	vmul.f32 v19, v18  }
0x2c: {  	v48 =	vperm.xlane v20, v5  }
0x2d: {  	v25 =	vmax.f32 v17, $1.000000020e-35;
	v49 =	vadd.f32 $1.500000000e+01, v23;
	v50 =	vmul.f32 v24, v19  }
0x2e: {  	v52 =	vsub.f32 $2.500000000e-01, v17;
	v26 =	vmul.f32 v47, v47;
	v21 =	vand.u32 v6, v48  }
0x2f: {  	v20 =	vadd.s32 v20, v21;
	v21 =	vmul.f32 v49, v47;
	v23 =	vsub.f32 $1.500000000e+00, v50  }
0x30: {  	(erf) = vrcp.f32 v25;
	v53 =	vand.u32 $0x80000000, v52;
	v51 =	vperm.xlane v20, v7  }
0x31: {  	v22 =	vmul.f32 v26, v47;
	v21 =	vadd.f32 $-1.000000000e+01, v21;
	v19 =	vmul.f32 v23, v19  }
0x32: {  	vm1 =	vlt.f32 v52, $0.0e+00;
	vm2 =	vgt.f32 v52, $0.0e+00;
	v24 =	vand.u32 v8, v51  }
0x33: {  	v21 =	vmul.f32 v21, v22;
	v20 =	vadd.s32 v24, v20;
	v18 =	vmul.f32 v19, v18  }
0x34: {  	vm1 =	vmor vm2, vm1;
	v54 =	vperm.xlane v20, v9;
	v23 =	vor.u32 v53, v13  }
0x35: {  	v21 =	vadd.f32 $1.000000000e+00, v21;
	v17 =	vsel vm1, v23, v52;
	v18 =	vmul.f32 v18, v19  }
0x36: {  	v22 =	vand.u32 v10, v54;
	v17 =	vmax.f32 v17, $0.0e+00  }
0x37: {  	v55 =	vld [tilespmem:s28+$0x5E80];
	v20 =	vadd.s32 v22, v20;
	v17 =	vmul.f32 v21, v17;
	v18 =	vsub.f32 $1.500000000e+00, v18  }
0x38: {  	v56 =	vld [tilespmem:s28+$0x7E00];
	v16 =	vadd.s32 v16, v15;
	v22 =	vperm.xlane v20, v11  }
0x39: {  	v57 =	vsel vm0, $0xFFFFFFFF, v0;
	v58 =	vsub.f32 $1.000000000e+00, v17;
	v18 =	vmul.f32 v18, v19  }
0x3a: {  	v16 =	vadd.s32 v57, v16;
	v25 =	vpop (erf);
	v22 =	vand.u32 v12, v22  }
0x3b: {  	v20 =	vadd.s32 v22, v20;
	v59 =	vmul.f32 v58, v25;
	v17 =	vmul.f32 v18, v17  }
0x3c: {  	v16 =	vadd.s32 v20, v16  }
0x3d: {  	v61 =	vmul.f32 v56, v55;
	v60 =	vadd.s32 $0xFFFE795F, v16;
	v17 =	vadd.f32 v17, v59  }
0x3e: {  	vm14 =	vlt.s32 v60, $0xFFFFFFFF  }
0x3f: {  	vm0 =	vmand vm0, vm14;
	v17 =	vmul.f32 v17, v61  }
0x40: {  	vm15 =	vlt.s32 v16, $0x1869F;
	v62 =	vsel vm0, $0x3F800000, v0  }
0x41: {  	v63 =	vperm.xlane v20, v14;
	v16 =	vnsel vm15, $0x1869F, v16;
	v17 =	vmul.f32 v62, v17  }
0x42: {  	[tilespmem:s28+$0xBD00] =	vst v16  }
0x43: {  	v15 =	vadd.s32 v15, v63;
	[tilespmem:s28+$0x9D80] =	vst v17  }
0x44: {  	s0 =	rddreg [dreg:$0x3];
	s2 =	simm.s32 $0xBD00;
	[tilespmem:$0x10080] =	vst v15  }
0x45: {  	[tilespmem:s24], [sflag:$0x1] =	stream.indirect.gather [hbm4b:s0+s14], $0x1, s2, s14, $0xb8;
	[tilespmem:$0x10250] =	vst v63  }
0x46: {  	_ =	swait.ge [sflag:s20], $0x1F40  }
0x47: {  	[sflag:s20] =	ssyncset.done $0x0  }
0x48: {  	[sflag:s20] =	ssyncadd.s32 $0xFFFFE0C0  }
0x49: {  	s31 =	rddreg [dreg:$0x4]  }
0x4a: {  	[spmem:s31] =	stream.indirect.scatter.add.f32 [tilespmem:s25], [sflag:$0x2], $0x1, s24, s14, $0xb8;
	[tilespmem:$0x10250] =	vst v63  }
0x4b: {  	_ =	swait.ge [sflag:s21], $0x1F40  }
0x4c: {  	[sflag:s21] =	ssyncset.done $0x0  }
0x4d: {  	[sflag:s21] =	ssyncadd.s32 $0xFFFFE0C0  }
.LBB2_8:
0x4e: {  	v15 =	vld [tilespmem:$0x10000];
	_ =	sdelay $0x4  }
0x4f: {  	(v2sf) =	vpush v15, $0x0;
	_ =	sdelay $0x9  }
0x50: {  	s26 =	sadd.s32 $0x1, s26  }
0x51: {  	p1 =	sne.s32 s26, $0x32  }
.Ltmp1:
0x52: {  	_ = 	snop;
	(pc) =	sbr.rel @!p1 .LBB2_9-.Ltmp1, $3  }
0x53: {  	_ =	sdelay $0x1  }
0x54: {  	s0 =	spop (v2sf)  }
0x55: {  	s8 =	sadd.s32 s8, s0  }
.LBB2_1:
0x56: {  	s28 =	sadd.s32 $0xFFFE795F, s8  }
0x57: {  	p1 =	sgt.s32 s28, $0xFFFFFFFE  }
.Ltmp2:
0x58: {  	_ = 	snop;
	(pc) =	sbr.rel @p1 .LBB2_8-.Ltmp2, $2  }
0x59: {  	_ =	sdelay $0x2  }
0x5a: {  	[tilespmem:$0x10000] =	vst v0  }
0x5b: {  	s28 =	smul.u32 $0x1F400, s26;
	_ =	sdelay $0x1  }
0x5c: {  	s28 =	sadd.s32 s11, s28  }
0x5d: {  	s28 =	sshrl.u32 s28, $0x3  }
0x5e: {  	s30 =	simm.s32 $0x0;
	s29 =	sadd.s32 s10, s28  }
0x5f: {  	[tilespmem:s30], [sflag:$0x4] =	stream.linear.gather [hbm4b:s29+s30], $0x1F40, $0x38;
	[tilespmem:$0x10250] =	vst v63  }
0x60: {  	_ =	swait.ge [sflag:s9], $0x1F40  }
0x61: {  	[sflag:s9] =	ssyncset.done $0x0  }
0x62: {  	s29 =	sadd.s32 $0xC3500, s29;
	[sflag:s9] =	ssyncadd.s32 $0xFFFFE0C0  }
0x63: {  	[tilespmem:s13], [sflag:$0x4] =	stream.linear.gather [hbm4b:s29+s30], $0x1F40, $0x38;
	[tilespmem:$0x10250] =	vst v63  }
0x64: {  	_ =	swait.ge [sflag:s9], $0x1F40  }
0x65: {  	[sflag:s9] =	ssyncset.done $0x0  }
0x66: {  	[sflag:s9] =	ssyncadd.s32 $0xFFFFE0C0  }
0x67: {  	[tilespmem:s15], [sflag:$0x1] =	stream.indirect.gather [hbm4b:s3+s14], $0x1, s30, s14, $0xb8;
	[tilespmem:$0x10250] =	vst v63  }
0x68: {  	_ = 	snop  }
0x69: {  	[tilespmem:s16], [sflag:$0x2] =	stream.indirect.gather [hbm4b:s3+s14], $0x1, s13, s14, $0xb8;
	[tilespmem:$0x10250] =	vst v63  }
0x6a: {  	s28 =	sadd.s32 s4, s28  }
0x6b: {  	v15 =	vimm.s32 $0x0;
	[tilespmem:s17], [sflag:$0x3] =	stream.linear.gather [hbm4b:s28+s30], $0x1F40, $0x38;
	[tilespmem:$0x10250] =	vst v63  }
0x6c: {  	s29 =	simm.s32 $0x0;
	[tilespmem:$0x10000] =	vst v15  }
0x6d: {  	s28 =	simm.s32 $0x40;
	v16 =	vld [tilespmem:s29+$0x1F80]  }
.LBB2_3:
0x6e: {  	p1 =	sne.s32 s28, $0x7CC0;
	v17 =	vld [tilespmem:s29+$0x0];
	_ =	sdelay $0x4  }
0x6f: {  	v16 =	vsub.s32 v16, v17  }
.Ltmp3:
0x70: {  	vm0 =	vgt.s32 v16, $0x0;
	(pc) =	sbr.rel @p1 .LBB2_3-.Ltmp3, $4  }
0x71: {  	v16 =	vsel vm0, $0x1, v0  }
0x72: {  	v15 =	vadd.s32 v16, v15  }
0x73: {  	s29 =	sshra.s32 s28, $0x2;
	[tilespmem:$0x10000] =	vst v15  }
0x74: {  	s28 =	sadd.s32 $0x40, s28;
	v16 =	vld [tilespmem:s29+$0x1F80]  }
0x75: {  	v17 =	vld [tilespmem:s29+$0x0];
	_ =	sdelay $0x4  }
0x76: {  	v16 =	vsub.s32 v16, v17  }
0x77: {  	vm0 =	vgt.s32 v16, $0x0  }
0x78: {  	v16 =	vsel vm0, $0x1, v0  }
0x79: {  	v15 =	vadd.s32 v16, v15  }
0x7a: {  	v16 =	vperm.xlane v15, v1;
	_ =	sdelay $0x1  }
0x7b: {  	v16 =	vadd.s32 v15, v16  }
0x7c: {  	v17 =	vperm.xlane v16, v2;
	_ =	sdelay $0x1  }
0x7d: {  	v16 =	vadd.s32 v17, v16  }
0x7e: {  	v17 =	vperm.xlane v16, v3;
	_ =	sdelay $0x1  }
0x7f: {  	v16 =	vadd.s32 v17, v16  }
0x80: {  	v17 =	vperm.xlane v16, v4;
	_ =	sdelay $0x1  }
0x81: {  	[tilespmem:$0x10000] =	vst v15;
	v15 =	vadd.s32 v17, v16  }
0x82: {  	[tilespmem:$0x10000] =	vst v15  }
0x83: {  	[spmem:s12] =	stream.linear.scatter [tilespmem:s18], [sflag:$0x4], $0x10, $0x38;
	[tilespmem:$0x10250] =	vst v63  }
0x84: {  	_ =	swait.ge [sflag:s9], $0x10  }
0x85: {  	[sflag:s9] =	ssyncset.done $0x0  }
0x86: {  	[sflag:s9] =	ssyncadd.s32 $0xFFFFFFF0  }
0x87: {  	[bflag:$0x0] =	sbarrier.arrive $0xFFFF  }
0x88: {  	[tilespmem:s19], [sflag:$0x4] =	stream.linear.gather [spmem:s7], $0x100, $0x38;
	[tilespmem:$0x10250] =	vst v63  }
0x89: {  	_ =	swait.ge [sflag:s9], $0x100  }
0x8a: {  	[sflag:s9] =	ssyncset.done $0x0  }
0x8b: {  	[sflag:s9] =	ssyncadd.s32 $0xFFFFFF00  }
0x8c: {  	[bflag:$0x0] =	sbarrier.arrive $0xFFFF  }
0x8d: {  	v15 =	vld [tilespmem:$0x10100]  }
0x8e: {  	v16 =	vld [tilespmem:$0x10110]  }
0x8f: {  	v17 =	vld [tilespmem:$0x10120]  }
0x90: {  	v18 =	vld [tilespmem:$0x10130]  }
0x91: {  	v19 =	vld [tilespmem:$0x10140]  }
0x92: {  	v20 =	vld [tilespmem:$0x10150];
	(v2sf) =	vpush v15, $0x0  }
0x93: {  	v21 =	vld [tilespmem:$0x10160];
	(v2sf) =	vpush v16, $0x0  }
0x94: {  	v22 =	vld [tilespmem:$0x10170];
	(v2sf) =	vpush v17, $0x0  }
0x95: {  	v23 =	vld [tilespmem:$0x10180];
	(v2sf) =	vpush v18, $0x0  }
0x96: {  	v24 =	vld [tilespmem:$0x10190];
	(v2sf) =	vpush v19, $0x0  }
0x97: {  	v25 =	vld [tilespmem:$0x101A0];
	(v2sf) =	vpush v20, $0x0  }
0x98: {  	v26 =	vld [tilespmem:$0x101B0];
	(v2sf) =	vpush v21, $0x0  }
0x99: {  	v27 =	vld [tilespmem:$0x101C0];
	(v2sf) =	vpush v22, $0x0  }
0x9a: {  	(v2sf) =	vpush v23, $0x0  }
0x9b: {  	(v2sf) =	vpush v24, $0x0  }
0x9c: {  	(v2sf) =	vpush v25, $0x0  }
0x9d: {  	(v2sf) =	vpush v26, $0x0  }
0x9e: {  	(v2sf) =	vpush v27, $0x0;
	_ =	sdelay $0x1  }
0x9f: {  	v28 =	vld [tilespmem:$0x101D0]  }
0xa0: {  	s28 =	spop (v2sf)  }
0xa1: {  	s29 =	spop (v2sf)  }
0xa2: {  	s30 =	spop (v2sf)  }
0xa3: {  	s31 =	spop (v2sf)  }
0xa4: {  	(v2sf) =	vpush v28, $0x0;
	s0 =	spop (v2sf)  }
0xa5: {  	s2 =	spop (v2sf)  }
0xa6: {  	s6 =	spop (v2sf)  }
0xa7: {  	v29 =	vld [tilespmem:$0x101E0];
	s28 =	simm.s32 @p0 $0x0;
	s5 =	spop (v2sf)  }
0xa8: {  	s29 =	simm.s32 @!p6 $0x0;
	s28 =	sadd.s32 s8, s28;
	s23 =	spop (v2sf)  }
0xa9: {  	s30 =	simm.s32 @!p5 $0x0;
	s28 =	sadd.s32 s29, s28;
	s29 =	spop (v2sf)  }
0xaa: {  	s31 =	simm.s32 @!p4 $0x0;
	s28 =	sadd.s32 s30, s28;
	s30 =	spop (v2sf)  }
0xab: {  	s0 =	simm.s32 @!p3 $0x0;
	s28 =	sadd.s32 s31, s28;
	s31 =	spop (v2sf)  }
0xac: {  	v15 =	vadd.s32 v15, v16;
	v16 =	vld [tilespmem:$0x101F0];
	(v2sf) =	vpush v29, $0x0;
	s0 =	sadd.s32 s0, s28;
	s28 =	spop (v2sf);
	[smem:$0x7F4] =	sst s1  }
0xad: {  	v15 =	vadd.s32 v17, v15;
	s1 =	sld [smem:$0x7FD]  }
0xae: {  	v15 =	vadd.s32 v18, v15  }
0xaf: {  	v15 =	vadd.s32 v19, v15  }
0xb0: {  	v15 =	vadd.s32 v20, v15;
	p1 =	seq.s32 s1, $0x1;
	s1 =	sld [smem:$0x7F4]  }
0xb1: {  	v15 =	vadd.s32 v21, v15  }
0xb2: {  	v15 =	vadd.s32 v22, v15;
	s2 =	simm.s32 @!p2 $0x0  }
0xb3: {  	v15 =	vadd.s32 v23, v15;
	s0 =	sadd.s32 s2, s0;
	s2 =	spop (v2sf);
	[smem:$0x7F4] =	sst s1  }
0xb4: {  	v15 =	vadd.s32 v24, v15;
	s1 =	sld [smem:$0x7FC]  }
0xb5: {  	v15 =	vadd.s32 v25, v15  }
0xb6: {  	v15 =	vadd.s32 v26, v15  }
0xb7: {  	v15 =	vadd.s32 v27, v15;
	s6 =	simm.s32 @!p1 $0x0;
	p1 =	seq.s32 s1, $0x1;
	s1 =	sld [smem:$0x7F4]  }
0xb8: {  	v15 =	vadd.s32 v28, v15;
	s0 =	sadd.s32 s6, s0;
	s6 =	sld [smem:$0x7FB]  }
0xb9: {  	v15 =	vadd.s32 v29, v15  }
0xba: {  	v15 =	vadd.s32 v16, v15;
	s5 =	simm.s32 @!p1 $0x0  }
0xbb: {  	[tilespmem:$0x10000] =	vst v15;
	s0 =	sadd.s32 s5, s0;
	p1 =	seq.s32 s6, $0x1;
	s6 =	spop (v2sf)  }
0xbc: {  	s5 =	sld [smem:$0x7FA];
	s23 =	simm.s32 @!p1 $0x0;
	_ =	swait.ge [sflag:s20], $0x1F40  }
0xbd: {  	s0 =	sadd.s32 s23, s0;
	s23 =	sld [smem:$0x7F9];
	_ =	sdelay $0x1  }
0xbe: {  	p1 =	seq.s32 s5, $0x1  }
0xbf: {  	s29 =	simm.s32 @!p1 $0x0;
	p1 =	seq.s32 s23, $0x1;
	s23 =	sld [smem:$0x7F8]  }
0xc0: {  	[sflag:s20] =	ssyncset.done $0x0  }
0xc1: {  	s0 =	sadd.s32 s29, s0;
	[sflag:s20] =	ssyncadd.s32 $0xFFFFE0C0;
	s30 =	simm.s32 @!p1 $0x0  }
0xc2: {  	p1 =	seq.s32 s23, $0x1;
	s23 =	sld [smem:$0x7F7];
	_ =	swait.ge [sflag:s21], $0x1F40  }
0xc3: {  	s0 =	sadd.s32 s30, s0;
	s31 =	simm.s32 @!p1 $0x0;
	s30 =	sld [smem:$0x7F6]  }
0xc4: {  	s0 =	sadd.s32 s31, s0;
	s31 =	sld [smem:$0x7F5]  }
0xc5: {  	p1 =	seq.s32 s23, $0x1  }
0xc6: {  	s28 =	simm.s32 @!p1 $0x0;
	p1 =	seq.s32 s30, $0x1  }
0xc7: {  	s2 =	simm.s32 @!p1 $0x0;
	s0 =	sadd.s32 s28, s0;
	p1 =	seq.s32 s31, $0x1  }
0xc8: {  	s6 =	simm.s32 @!p1 $0x0;
	s0 =	sadd.s32 s2, s0  }
0xc9: {  	s29 =	sadd.s32 s6, s0  }
0xca: {  	s0 =	sadd.s32 $0xFFFE795F, s29  }
0xcb: {  	[sflag:s21] =	ssyncset.done $0x0;
	p1 =	sgt.s32 s0, $0xFFFFFFFE  }
.Ltmp4:
0xcc: {  	[sflag:s21] =	ssyncadd.s32 $0xFFFFE0C0;
	(pc) =	sbr.rel @p1 .LBB2_8-.Ltmp4, $4  }
0xcd: {  	_ =	swait.ge [sflag:s22], $0x1F40  }
0xce: {  	[sflag:s22] =	ssyncset.done $0x0  }
0xcf: {  	v15 =	vimm.s32 $0x0;
	[sflag:s22] =	ssyncadd.s32 $0xFFFFE0C0  }
0xd0: {  	[tilespmem:$0x10080] =	vst v15  }
0xd1: {  	s28 =	simm.s32 $0x0  }
0xd2: {  	v16 =	vmov s29;
	s29 =	simm.s32 $0x40;
	v17 =	vld [tilespmem:s28+$0x3F00]  }
.LBB2_6:
0xd3: {  	p1 =	sne.s32 s29, $0x7CC0;
	_ =	sdelay $0x3  }
0xd4: {  	v18 =	vmul.f32 v17, v17;
	_ =	sdelay $0x1  }
0xd5: {  	v18 =	vadd.f32 $1.000000000e+00, v18;
	_ =	sdelay $0x1  }
0xd6: {  	v19 =	vmul.f32 $-2.899999920e-01, v18;
	_ =	sdelay $0x1  }
0xd7: {  	v18 =	vmul.f32 $5.000000000e-01, v18;
	v19 =	vadd.f32 $1.279999970e+00, v19;
	v20 =	vld [tilespmem:s28+$0x1F80]  }
0xd8: {  	v21 =	vld [tilespmem:s28+$0x0]  }
0xd9: {  	v22 =	vmul.f32 v19, v18;
	_ =	sdelay $0x1  }
0xda: {  	v22 =	vmul.f32 v22, v19;
	_ =	sdelay $0x1  }
0xdb: {  	v20 =	vsub.s32 v20, v21;
	v21 =	vsub.f32 $1.500000000e+00, v22  }
0xdc: {  	vm0 =	vgt.s32 v20, $0x0  }
0xdd: {  	v22 =	vmul.f32 $4.000000000e+00, v17;
	v20 =	vsel vm0, $0x1, v0;
	v19 =	vmul.f32 v21, v19  }
0xde: {  	v21 =	vperm.xlane v20, v5  }
0xdf: {  	v23 =	vmul.f32 $-6.000000000e+00, v22;
	v24 =	vmul.f32 v19, v18  }
0xe0: {  	v21 =	vand.u32 v6, v21  }
0xe1: {  	v20 =	vadd.s32 v20, v21;
	v21 =	vadd.f32 $1.500000000e+01, v23;
	v23 =	vmul.f32 v24, v19  }
0xe2: {  	v25 =	vmax.f32 v17, $1.000000020e-35;
	v24 =	vperm.xlane v20, v7  }
0xe3: {  	v26 =	vmul.f32 v22, v22;
	v21 =	vmul.f32 v21, v22;
	v23 =	vsub.f32 $1.500000000e+00, v23  }
0xe4: {  	v17 =	vsub.f32 $2.500000000e-01, v17;
	v24 =	vand.u32 v8, v24;
	(erf) = vrcp.f32 v25  }
0xe5: {  	v22 =	vmul.f32 v26, v22;
	v21 =	vadd.f32 $-1.000000000e+01, v21;
	v19 =	vmul.f32 v23, v19  }
0xe6: {  	vm1 =	vlt.f32 v17, $0.0e+00;
	v20 =	vadd.s32 v24, v20;
	v23 =	vand.u32 $0x80000000, v17  }
0xe7: {  	vm2 =	vgt.f32 v17, $0.0e+00;
	v21 =	vmul.f32 v21, v22;
	v18 =	vmul.f32 v19, v18  }
0xe8: {  	vm1 =	vmor vm2, vm1;
	v23 =	vor.u32 v23, v13;
	v22 =	vperm.xlane v20, v9  }
0xe9: {  	v17 =	vsel vm1, v23, v17;
	v21 =	vadd.f32 $1.000000000e+00, v21;
	v18 =	vmul.f32 v18, v19  }
0xea: {  	v17 =	vmax.f32 v17, $0.0e+00;
	v22 =	vand.u32 v10, v22  }
0xeb: {  	v20 =	vadd.s32 v22, v20;
	v23 =	vld [tilespmem:s28+$0x5E80];
	v17 =	vmul.f32 v21, v17;
	v18 =	vsub.f32 $1.500000000e+00, v18  }
0xec: {  	v24 =	vadd.s32 v16, v15;
	v22 =	vperm.xlane v20, v11;
	v21 =	vld [tilespmem:s28+$0x7E00]  }
0xed: {  	v25 =	vsel vm0, $0xFFFFFFFF, v0;
	v18 =	vmul.f32 v18, v19;
	v19 =	vsub.f32 $1.000000000e+00, v17;
	v26 =	vpop (erf)  }
0xee: {  	v24 =	vadd.s32 v25, v24;
	v22 =	vand.u32 v12, v22  }
0xef: {  	v20 =	vadd.s32 v22, v20;
	v17 =	vmul.f32 v18, v17;
	v18 =	vmul.f32 v19, v26  }
0xf0: {  	v19 =	vadd.s32 v20, v24  }
0xf1: {  	v22 =	vadd.s32 $0xFFFE795F, v19;
	v17 =	vadd.f32 v17, v18;
	v18 =	vmul.f32 v21, v23  }
0xf2: {  	vm1 =	vlt.s32 v22, $0xFFFFFFFF  }
0xf3: {  	vm0 =	vmand vm0, vm1;
	v17 =	vmul.f32 v17, v18  }
0xf4: {  	v18 =	vsel vm0, $0x3F800000, v0;
	vm0 =	vlt.s32 v19, $0x1869F  }
.Ltmp5:
0xf5: {  	v17 =	vmul.f32 v18, v17;
	v18 =	vnsel vm0, $0x1869F, v19;
	v19 =	vperm.xlane v20, v14;
	(pc) =	sbr.rel @p1 .LBB2_6-.Ltmp5, $4  }
0xf6: {  	[tilespmem:s28+$0xBD00] =	vst v18  }
0xf7: {  	[tilespmem:s28+$0x9D80] =	vst v17;
	v15 =	vadd.s32 v15, v19  }
0xf8: {  	s28 =	sshra.s32 s29, $0x2;
	[tilespmem:$0x10080] =	vst v15  }
0xf9: {  	s29 =	sadd.s32 $0x40, s29;
	v17 =	vld [tilespmem:s28+$0x3F00]  }
.Ltmp6:
0xfa: {  	_ = 	snop;
	(pc) =	sbr.rel .LBB2_7-.Ltmp6, $1  }
0xfb: {  	_ =	sdelay $0x3  }
.LBB2_9:
0xfc: {  	[bflag:$0x0] =	sbarrier.arrive $0xFFFF  }
0xfd: {  	s4 =	simm.s32 $0xFC00;
	s3 =	simm.s32 $0x4;
	s0 =	rddreg [dreg:$0x4]  }
0xfe: {  	[tilespmem:s4], [sflag:$0x4] =	stream.linear.gather [spmem:s0], $0x400, $0x38;
	[tilespmem:$0x10250] =	vst v63  }
0xff: {  	_ =	swait.ge [sflag:s3], $0x400  }
0x100: {  	[sflag:s3] =	ssyncset.done $0x0  }
0x101: {  	[sflag:s3] =	ssyncadd.s32 $0xFFFFFC00  }
0x102: {  	v0 =	vld [tilespmem:$0xFC00]  }
0x103: {  	v1 =	vld [tilespmem:$0xFC10]  }
0x104: {  	v2 =	vld [tilespmem:$0xFC20]  }
0x105: {  	v3 =	vld [tilespmem:$0xFC30]  }
0x106: {  	v4 =	vld [tilespmem:$0xFC40]  }
0x107: {  	v5 =	vld [tilespmem:$0xFC50];
	v0 =	vmul.f32 $1.389600070e+02, v0  }
0x108: {  	v6 =	vld [tilespmem:$0xFC60];
	v1 =	vmul.f32 $1.389600070e+02, v1  }
0x109: {  	v56 =	vld [tilespmem:$0xFC70];
	v55 =	vmul.f32 $1.389600070e+02, v2;
	[tilespmem:$0xFC00] =	vst v0  }
0x10a: {  	v58 =	vld [tilespmem:$0xFC80];
	v57 =	vmul.f32 $1.389600070e+02, v3;
	[tilespmem:$0xFC10] =	vst v1  }
0x10b: {  	v60 =	vld [tilespmem:$0xFC90];
	v59 =	vmul.f32 $1.389600070e+02, v4;
	[tilespmem:$0xFC20] =	vst v55  }
0x10c: {  	v62 =	vld [tilespmem:$0xFCA0];
	v61 =	vmul.f32 $1.389600070e+02, v5;
	[tilespmem:$0xFC30] =	vst v57  }
0x10d: {  	v9 =	vld [tilespmem:$0xFCB0];
	v63 =	vmul.f32 $1.389600070e+02, v6;
	[tilespmem:$0xFC40] =	vst v59  }
0x10e: {  	v11 =	vld [tilespmem:$0xFCC0];
	v10 =	vmul.f32 $1.389600070e+02, v56;
	[tilespmem:$0xFC50] =	vst v61  }
0x10f: {  	v13 =	vld [tilespmem:$0xFCD0];
	v12 =	vmul.f32 $1.389600070e+02, v58;
	[tilespmem:$0xFC60] =	vst v63  }
0x110: {  	v15 =	vld [tilespmem:$0xFCE0];
	v14 =	vmul.f32 $1.389600070e+02, v60;
	[tilespmem:$0xFC70] =	vst v10  }
0x111: {  	v17 =	vld [tilespmem:$0xFCF0];
	v16 =	vmul.f32 $1.389600070e+02, v62;
	[tilespmem:$0xFC80] =	vst v12  }
0x112: {  	v19 =	vld [tilespmem:$0xFD00];
	v18 =	vmul.f32 $1.389600070e+02, v9;
	[tilespmem:$0xFC90] =	vst v14  }
0x113: {  	v21 =	vld [tilespmem:$0xFD10];
	v20 =	vmul.f32 $1.389600070e+02, v11;
	[tilespmem:$0xFCA0] =	vst v16  }
0x114: {  	v23 =	vld [tilespmem:$0xFD20];
	v22 =	vmul.f32 $1.389600070e+02, v13;
	[tilespmem:$0xFCB0] =	vst v18  }
0x115: {  	v25 =	vld [tilespmem:$0xFD30];
	v24 =	vmul.f32 $1.389600070e+02, v15;
	[tilespmem:$0xFCC0] =	vst v20  }
0x116: {  	v27 =	vld [tilespmem:$0xFD40];
	v26 =	vmul.f32 $1.389600070e+02, v17;
	[tilespmem:$0xFCD0] =	vst v22  }
0x117: {  	v29 =	vld [tilespmem:$0xFD50];
	v28 =	vmul.f32 $1.389600070e+02, v19;
	[tilespmem:$0xFCE0] =	vst v24  }
0x118: {  	v31 =	vld [tilespmem:$0xFD60];
	v30 =	vmul.f32 $1.389600070e+02, v21;
	[tilespmem:$0xFCF0] =	vst v26  }
0x119: {  	v33 =	vld [tilespmem:$0xFD70];
	v32 =	vmul.f32 $1.389600070e+02, v23;
	[tilespmem:$0xFD00] =	vst v28  }
0x11a: {  	v35 =	vld [tilespmem:$0xFD80];
	v34 =	vmul.f32 $1.389600070e+02, v25;
	[tilespmem:$0xFD10] =	vst v30  }
0x11b: {  	v37 =	vld [tilespmem:$0xFD90];
	v36 =	vmul.f32 $1.389600070e+02, v27;
	[tilespmem:$0xFD20] =	vst v32  }
0x11c: {  	v39 =	vld [tilespmem:$0xFDA0];
	v38 =	vmul.f32 $1.389600070e+02, v29;
	[tilespmem:$0xFD30] =	vst v34  }
0x11d: {  	v41 =	vld [tilespmem:$0xFDB0];
	v40 =	vmul.f32 $1.389600070e+02, v31;
	[tilespmem:$0xFD40] =	vst v36  }
0x11e: {  	v43 =	vld [tilespmem:$0xFDC0];
	v42 =	vmul.f32 $1.389600070e+02, v33;
	[tilespmem:$0xFD50] =	vst v38  }
0x11f: {  	v45 =	vld [tilespmem:$0xFDD0];
	v44 =	vmul.f32 $1.389600070e+02, v35;
	[tilespmem:$0xFD60] =	vst v40  }
0x120: {  	v47 =	vld [tilespmem:$0xFDE0];
	v46 =	vmul.f32 $1.389600070e+02, v37;
	[tilespmem:$0xFD70] =	vst v42  }
0x121: {  	v49 =	vld [tilespmem:$0xFDF0];
	v48 =	vmul.f32 $1.389600070e+02, v39;
	[tilespmem:$0xFD80] =	vst v44  }
0x122: {  	v51 =	vld [tilespmem:$0xFE00];
	v50 =	vmul.f32 $1.389600070e+02, v41;
	[tilespmem:$0xFD90] =	vst v46  }
0x123: {  	v53 =	vld [tilespmem:$0xFE10];
	v52 =	vmul.f32 $1.389600070e+02, v43;
	[tilespmem:$0xFDA0] =	vst v48  }
0x124: {  	v54 =	vmul.f32 $1.389600070e+02, v45;
	[tilespmem:$0xFDB0] =	vst v50;
	v55 =	vld [tilespmem:$0xFE20]  }
0x125: {  	v56 =	vmul.f32 $1.389600070e+02, v47;
	[tilespmem:$0xFDC0] =	vst v52;
	v57 =	vld [tilespmem:$0xFE30]  }
0x126: {  	v58 =	vmul.f32 $1.389600070e+02, v49;
	[tilespmem:$0xFDD0] =	vst v54;
	v59 =	vld [tilespmem:$0xFE40]  }
0x127: {  	v60 =	vmul.f32 $1.389600070e+02, v51;
	[tilespmem:$0xFDE0] =	vst v56;
	v61 =	vld [tilespmem:$0xFE50]  }
0x128: {  	v62 =	vmul.f32 $1.389600070e+02, v53;
	[tilespmem:$0xFDF0] =	vst v58;
	v63 =	vld [tilespmem:$0xFE60]  }
0x129: {  	[tilespmem:$0xFE00] =	vst v60;
	v10 =	vld [tilespmem:$0xFE70];
	v9 =	vmul.f32 $1.389600070e+02, v55  }
0x12a: {  	[tilespmem:$0xFE10] =	vst v62;
	v12 =	vld [tilespmem:$0xFE80];
	v11 =	vmul.f32 $1.389600070e+02, v57  }
0x12b: {  	v14 =	vld [tilespmem:$0xFE90];
	v13 =	vmul.f32 $1.389600070e+02, v59;
	[tilespmem:$0xFE20] =	vst v9  }
0x12c: {  	v16 =	vld [tilespmem:$0xFEA0];
	v15 =	vmul.f32 $1.389600070e+02, v61;
	[tilespmem:$0xFE30] =	vst v11  }
0x12d: {  	v18 =	vld [tilespmem:$0xFEB0];
	v17 =	vmul.f32 $1.389600070e+02, v63;
	[tilespmem:$0xFE40] =	vst v13  }
0x12e: {  	v20 =	vld [tilespmem:$0xFEC0];
	v19 =	vmul.f32 $1.389600070e+02, v10;
	[tilespmem:$0xFE50] =	vst v15  }
0x12f: {  	v22 =	vld [tilespmem:$0xFED0];
	v21 =	vmul.f32 $1.389600070e+02, v12;
	[tilespmem:$0xFE60] =	vst v17  }
0x130: {  	v24 =	vld [tilespmem:$0xFEE0];
	v23 =	vmul.f32 $1.389600070e+02, v14;
	[tilespmem:$0xFE70] =	vst v19  }
0x131: {  	v26 =	vld [tilespmem:$0xFEF0];
	v25 =	vmul.f32 $1.389600070e+02, v16;
	[tilespmem:$0xFE80] =	vst v21  }
0x132: {  	v28 =	vld [tilespmem:$0xFF00];
	v27 =	vmul.f32 $1.389600070e+02, v18;
	[tilespmem:$0xFE90] =	vst v23  }
0x133: {  	v30 =	vld [tilespmem:$0xFF10];
	v29 =	vmul.f32 $1.389600070e+02, v20;
	[tilespmem:$0xFEA0] =	vst v25  }
0x134: {  	v32 =	vld [tilespmem:$0xFF20];
	v31 =	vmul.f32 $1.389600070e+02, v22;
	[tilespmem:$0xFEB0] =	vst v27  }
0x135: {  	v34 =	vld [tilespmem:$0xFF30];
	v33 =	vmul.f32 $1.389600070e+02, v24;
	[tilespmem:$0xFEC0] =	vst v29  }
0x136: {  	v36 =	vld [tilespmem:$0xFF40];
	v35 =	vmul.f32 $1.389600070e+02, v26;
	[tilespmem:$0xFED0] =	vst v31  }
0x137: {  	v38 =	vld [tilespmem:$0xFF50];
	v37 =	vmul.f32 $1.389600070e+02, v28;
	[tilespmem:$0xFEE0] =	vst v33  }
0x138: {  	v40 =	vld [tilespmem:$0xFF60];
	v39 =	vmul.f32 $1.389600070e+02, v30;
	[tilespmem:$0xFEF0] =	vst v35  }
0x139: {  	v42 =	vld [tilespmem:$0xFF70];
	v41 =	vmul.f32 $1.389600070e+02, v32;
	[tilespmem:$0xFF00] =	vst v37  }
0x13a: {  	v44 =	vld [tilespmem:$0xFF80];
	v43 =	vmul.f32 $1.389600070e+02, v34;
	[tilespmem:$0xFF10] =	vst v39  }
0x13b: {  	v46 =	vld [tilespmem:$0xFF90];
	v45 =	vmul.f32 $1.389600070e+02, v36;
	[tilespmem:$0xFF20] =	vst v41  }
0x13c: {  	v48 =	vld [tilespmem:$0xFFA0];
	v47 =	vmul.f32 $1.389600070e+02, v38;
	[tilespmem:$0xFF30] =	vst v43  }
0x13d: {  	v50 =	vld [tilespmem:$0xFFB0];
	v49 =	vmul.f32 $1.389600070e+02, v40;
	[tilespmem:$0xFF40] =	vst v45  }
0x13e: {  	v52 =	vld [tilespmem:$0xFFC0];
	v51 =	vmul.f32 $1.389600070e+02, v42;
	[tilespmem:$0xFF50] =	vst v47  }
0x13f: {  	v54 =	vld [tilespmem:$0xFFD0];
	v53 =	vmul.f32 $1.389600070e+02, v44;
	[tilespmem:$0xFF60] =	vst v49  }
0x140: {  	v56 =	vld [tilespmem:$0xFFE0];
	v55 =	vmul.f32 $1.389600070e+02, v46;
	[tilespmem:$0xFF70] =	vst v51  }
0x141: {  	v58 =	vld [tilespmem:$0xFFF0];
	v57 =	vmul.f32 $1.389600070e+02, v48;
	[tilespmem:$0xFF80] =	vst v53  }
0x142: {  	v59 =	vmul.f32 $1.389600070e+02, v50;
	[tilespmem:$0xFF90] =	vst v55  }
0x143: {  	v60 =	vmul.f32 $1.389600070e+02, v52;
	[tilespmem:$0xFFA0] =	vst v57  }
0x144: {  	v61 =	vmul.f32 $1.389600070e+02, v54;
	[tilespmem:$0xFFB0] =	vst v59  }
0x145: {  	v62 =	vmul.f32 $1.389600070e+02, v56;
	[tilespmem:$0xFFC0] =	vst v60  }
0x146: {  	v63 =	vmul.f32 $1.389600070e+02, v58;
	[tilespmem:$0xFFD0] =	vst v61  }
0x147: {  	[tilespmem:$0xFFE0] =	vst v62  }
0x148: {  	s31 =	simm.s32 $0x0;
	s2 =	rddreg [dreg:$0x7];
	[tilespmem:$0xFFF0] =	vst v63  }
0x149: {  	[hbm4b:s2+s31] =	stream.linear.scatter [tilespmem:s4], [sflag:$0x4], $0x400, $0x38;
	[tilespmem:$0x10250] =	vst v63  }
0x14a: {  	_ =	swait.ge [sflag:s3], $0x400  }
0x14b: {  	[sflag:s3] =	ssyncset.done $0x0  }
0x14c: {  	[sflag:s3] =	ssyncadd.s32 $0xFFFFFC00  }
0x14d: {  	_ =	sfence.sel $0x180000  }
0x14e: {  	[bflag:$0x0] =	sbarrier.arrive $0xFFFF  }
0x14f: {  	_ =	strace $0x9000004A  }
0x150: {  	[bflag:$0x2] =	sbarrier.arrive $0xFFFF  }
0x151: {  	p0 =	sne.s32 s1, $0x0;
	s0 =	rddreg [dreg:$0x6]  }
0x152: {  	s0 =	sadd.s32 @!p0 $0x100000, s0  }
0x153: {  	[sflag:s0] =	ssyncadd.tile.s32 @!p0 $0x1;
	_ =	shalt  }
.Lfunc_end2:
_tile_overlayer_lowered:
.L_overlay_start_2:
0x154: {  	(tag) =	ssettag $0x2  }
0x155: {  	s0 =	rddreg [dreg:$0x0];
	s2 =	stileid.u32  }
0x156: {  	s1 =	rddreg [dreg:$0x1];
	p0 =	sne.s32 s2, $0x0  }
0x157: {  	s3 =	rddreg [dreg:$0x2];
	[bflag:$0x3] =	sbarrier.arrive $0xFFFF;
	s2 =	simm.s32 @!p0 $0x1C04  }
0x158: {  	[timem:s3], [sflag:s2] =	dma.local @!p0 [hbm:s0], s1  }
0x159: {  	s0 =	simm.s32 @!p0 $0x4  }
0x15a: {  	_ =	swait.ge @!p0 [sflag:s0], s1  }
0x15b: {  	s1 =	ssub.s32 @!p0 $0x0, s1;
	[sflag:s0] =	ssyncset.done @!p0 $0x0  }
0x15c: {  	[sflag:s0] =	ssyncadd.s32 @!p0 s1  }
0x15d: {  	[bflag:$0x3] =	sbarrier.arrive $0xFFFF  }
0x15e: {  	_ =	shalt  }

// kernel: sparse-core-data-format-call.cloned.1.call-start
scs
called_computation_lowered:
.L_overlay_start_0:
0x0: {  	s2 =	sld [smem:$0x3FD9]  }
0x1: {  	s3 =	sld [smem:$0x3FFE];
	_ =	sdelay $0x1  }
0x2: {  	s1 =	srdreg.scid  }
0x3: {  	s0 =	sand.u32 $0x1, s1  }
0x4: {  	s18 =	sshll.u32 s0, $0xA;
	s2 =	sadd.s32 s3, s2  }
0x5: {  	s2 =	sadd.s32 s2, s18  }
0x6: {  	[smem:$0x3FC4] =	sst s2  }
0x7: {  	_ = 	snop  }
0x8: {  	s2 =	sld [smem:$0x3FC6];
	(tm) =	ssettm $0x1  }
0x9: {  	s19 =	sld [smem:$0x3FFB];
	_ =	sdelay $0x3  }
0xa: {  	_ =	strace s19  }
0xb: {  	s3 =	sld [smem:$0x3FFC];
	_ =	sdelay $0x3  }
0xc: {  	_ =	strace s3  }
0xd: {  	s3 =	sld [smem:$0x3FFD];
	_ =	sdelay $0x3  }
0xe: {  	_ =	strace s3  }
0xf: {  	_ =	strace $0x8FFFFFFF  }
0x10: {  	s20 =	sld [smem:$0x3FDB];
	_ =	sdelay $0x1  }
0x11: {  	s4 =	simm.s32 $_scs_section_size  }
0x12: {  	s5 =	simm.s32 $_size__tile_overlayer_lowered;
	s6 =	simm.s32 $_tile_overlayer_lowered  }
0x13: {  	s23 =	simm.s32 $0x1BFF;
	s22 =	sshll.u32 s6, $0x1;
	s3 =	sadd.s32 s4, s20  }
0x14: {  	s7 =	simm.s32 $0x0;
	s21 =	sshll.u32 s5, $0x1;
	s5 =	sadd.s32 s22, s3  }
0x15: {  	[timem:s7], [sflag:s23] =	dma.local [hbm:s5], s21  }
0x16: {  	_ =	swait.ge [sflag:s23], s21  }
0x17: {  	s4 =	ssub.s32 $0x0, s21;
	[sflag:s23] =	ssyncset.done $0x0  }
0x18: {  	[sflag:s23] =	ssyncadd.s32 s4;
	_ =	sdelay $0x1  }
0x19: {  	s24 =	simm.s32 $0x1B8B  }
0x1a: {  	_ =	swait.ge [sflag:s24], $0x1  }
0x1b: {  	[sflag:s24] =	ssyncset.done $0x0  }
0x1c: {  	s26 =	simm.s32 $0x1B8E;
	s25 =	sld [smem:$0x3FFE];
	[sflag:s24] =	ssyncadd.s32 $0xFFFFFFFF  }
0x1d: {  	s27 =	simm.s32 $execute0_lowered;
	[smem:$0x3FD2] =	sst s26  }
0x1e: {  	s5 =	sshll.u32 s27, $0x1;
	_ =	strace $0x80000046;
	[dreg:$0x1] =	wrdreg $0xFFFFFFFF  }
0x1f: {  	s28 =	simm.s32 $_size_execute0_lowered;
	s3 =	sadd.s32 s3, s5;
	[dreg:$0x0] =	wrdreg $0x0  }
0x20: {  	s5 =	sshll.u32 s28, $0x1;
	[dreg:$0x2] =	wrdreg s3  }
0x21: {  	[dreg:$0x3] =	wrdreg s5  }
0x22: {  	[dreg:$0x4] =	wrdreg $0xC0  }
0x23: {  	_ =	task [dreg:s7], $0x5FFFF  }
0x24: {  	[dreg:$0x1] =	wrdreg $0xFFFFFFFF  }
0x25: {  	[dreg:$0x0] =	wrdreg $0x60  }
0x26: {  	[dreg:$0x2] =	wrdreg s2  }
0x27: {  	[dreg:$0x3] =	wrdreg s25  }
0x28: {  	[dreg:$0x4] =	wrdreg $0x9  }
0x29: {  	_ =	task.clear_ibuf [dreg:s7], $0x5FFFF;
	_ =	strace $0x90000046  }
0x2a: {  	s29 =	simm.s32 $0x9;
	_ =	strace $0x80000048  }
0x2b: {  	_ =	swait.ge [sflag:s29], $0x1  }
0x2c: {  	[sflag:s29] =	ssyncadd.s32 $0xFFFFFFFF  }
0x2d: {  	_ =	strace $0x90000048  }
0x2e: {  	_ =	sfence  }
0x2f: {  	s30 =	sld [smem:$0x0];
	_ =	sdelay $0x2  }
0x30: {  	s31 =	sshll.u32 s1, $0xD;
	s1 =	sshrl.u32 s1, $0x2  }
0x31: {  	s3 =	sand.u32 $0x4000, s31;
	s1 =	sadd.s32 s1, s30  }
0x32: {  	s0 =	sor.u32 s3, s0;
	s1 =	sshll.u32 s1, $0x11  }
0x33: {  	s0 =	sor.u32 s1, s0  }
0x34: {  	s0 =	sadd.s32 $0x8F2B, s0  }
0x35: {  	[sflag:s0] =	ssyncadd.remote.s32 $0x1  }
0x36: {  	_ =	sfence.sel $0xFFFF  }
0x37: {  	[dreg:$0x0] =	wrdreg $0xFFFFFFFF;
	(pc) =	sbr.abs _section_cstart, $3  }
0x38: {  	[dreg:$0x1] =	wrdreg $0xFFFFFFFF  }
0x39: {  	_ =	task.clear_ibuf [dreg:s7], $0x2FFFF;
	_ =	strace $0x9FFFFFFF  }
0x3a: {  	(tm) =	ssettm $0x7FFFFFFF  }
0x3b: {  	_ =	shalt  }
tec
execute0_lowered:
.L_overlay_start_1:
0x0: {  	(tag) =	ssettag $0x1  }
0x1: {  	s0 =	stileid.u32;
	s7 =	rddreg [dreg:$0x0]  }
0x2: {  	s1 =	srdreg.scid;
	s4 =	rddreg [dreg:$0x1]  }
0x3: {  	s30 =	simm.s32 $0x2;
	s10 =	simm.s32 $0x0;
	s14 =	simm.s32 $0x0  }
0x4: {  	s15 =	simm.s32 $0x0;
	s11 =	simm.s32 $0x0;
	s13 =	simm.s32 $0x0  }
0x5: {  	s2 =	sand.u32 $0x1, s1;
	s3 =	sshll.u32 s0, $0x7;
	s1 =	rddreg [dreg:$0x2]  }
0x6: {  	_ =	strace $0x80000047;
	s5 =	ssub.s32 $0xC300, s3;
	s6 =	ssub.s32 $0x2, s2  }
.Ltmp0:
0x7: {  	s5 =	sshrl.u32 s5, $0xB;
	s8 =	sshrl.u32 s6, $0x1;
	(pc) =	sbr.rel .LBB1_1-.Ltmp0, $4  }
0x8: {  	s4 =	sadd.s32 $0x800, s4;
	s9 =	sadd.s32 $0x1, s5;
	s6 =	ssub.s32 s6, s8  }
0x9: {  	s31 =	sshll.u32 s2, $0x4;
	s5 =	simm.s32 $0x1;
	s6 =	smul.u32 s9, s6  }
0xa: {  	s12 =	smov.u32 s3;
	s7 =	sadd.s32 s7, s31;
	[sflag:s5] =	ssyncpa.u1 $0x0  }
0xb: {  	s9 =	simm.s32 $0x0;
	[sflag:s30] =	ssyncpa.u1 $0x0;
	s8 =	sadd.s32 $0x1, s6  }
.LBB1_4:
0xc: {  	s21 =	simm.s32 $0x0  }
.LBB1_8:
0xd: {  	_ =	sdelay $0x3  }
0xe: {  	v6 =	vld [tilespmem:s18+$0xFFFFFFC0];
	[tilespmem:v0+s20+$0x30 ss:$0x1] =	vst.idx.msk @p0 $0xffff, v2  }
0xf: {  	v58 =	vld [tilespmem:s18+$0xFFFFFFD0];
	[tilespmem:v0+s20+$0x40 ss:$0x1] =	vst.idx.msk @p0 $0xffff, v3;
	s21 =	sadd.s32 @p0 $0x80, s21  }
0x10: {  	v59 =	vld [tilespmem:s18+$0xFFFFFFE0];
	[tilespmem:v0+s20+$0x50 ss:$0x1] =	vst.idx.msk @p0 $0xffff, v5;
	s19 =	smov.u32 @p0 s21  }
0x11: {  	v60 =	vld [tilespmem:s18+$0xFFFFFFF0];
	[tilespmem:v0+s20+$0x60 ss:$0x1] =	vst.idx.msk @p0 $0xffff, v4;
	s19 =	sand.u32 $0x3F80, s19  }
0x12: {  	v61 =	vld [tilespmem:s18+$0x0];
	[tilespmem:v0+s19+$0x70 ss:$0x1] =	vst.idx.msk $0xffff, v1  }
0x13: {  	v62 =	vld [tilespmem:s18+$0x10];
	[tilespmem:v0+s19+$0x0 ss:$0x1] =	vst.idx.msk $0xffff, v6  }
0x14: {  	v63 =	vld [tilespmem:s18+$0x20];
	[tilespmem:v0+s19+$0x10 ss:$0x1] =	vst.idx.msk $0xffff, v58  }
0x15: {  	[tilespmem:v0+s19+$0x20 ss:$0x1] =	vst.idx.msk $0xffff, v59  }
0x16: {  	[tilespmem:v0+s19+$0x30 ss:$0x1] =	vst.idx.msk $0xffff, v60  }
0x17: {  	[tilespmem:v0+s19+$0x40 ss:$0x1] =	vst.idx.msk $0xffff, v61  }
0x18: {  	[tilespmem:v0+s19+$0x50 ss:$0x1] =	vst.idx.msk $0xffff, v62  }
0x19: {  	[tilespmem:v0+s19+$0x60 ss:$0x1] =	vst.idx.msk $0xffff, v63  }
.LBB1_9:
0x1a: {  	s18 =	sand.u32 $0x1FFFFFF, s11  }
0x1b: {  	s19 =	smulhi.u32 $0x14F8B59, s18;
	_ =	sdelay $0x1  }
0x1c: {  	s19 =	sshrl.u32 s19, $0x8  }
0x1d: {  	s19 =	smul.u32 $0xC350, s19  }
0x1e: {  	s15 =	smul.u32 $0xC3500, s15  }
0x1f: {  	s18 =	ssub.s32 s18, s19  }
0x20: {  	s15 =	sadd.s32 s4, s15;
	s18 =	sshll.u32 s18, $0x4  }
0x21: {  	s15 =	sadd.s32 s18, s15  }
0x22: {  	[hbm4b:s15+s9] =	stream.linear.scatter [tilespmem:s17], [sflag:$0x2], s16, $0x38;
	[tilespmem:$0x10000] =	vst v63  }
.LBB1_10:
0x23: {  	p0 =	slt.u32 s13, $0x2  }
0x24: {  	p1 =	sgt.s32 @!p0 s14, $0xC2D0  }
0x25: {  	s15 =	smov.u32 s14;
	s16 =	sshra.s32 @!p0 s14, $0x1F;
	p1 =	por !p1, p0  }
0x26: {  	s14 =	sand.u32 @!p0 s16, s14;
	s15 =	simm.s32 @p1 $0xC2D0  }
0x27: {  	s14 =	ssub.s32 @!p0 s15, s14  }
0x28: {  	s14 =	sadd.s32 @!p0 $0xFFFF3D30, s14  }
0x29: {  	s15 =	sshll.u32 @!p0 s14, $0x7  }
0x2a: {  	p1 =	sgt.s32 @!p0 s14, $0x7F;
	s14 =	ssub.s32 @!p0 $0x4000, s15  }
0x2b: {  	s16 =	sadd.s32 $0x800, s12;
	p1 =	por !p1, p0;
	s14 =	sand.u32 @!p0 $0x3FFFFF80, s14  }
0x2c: {  	s14 =	simm.s32 @!p1 $0x0;
	p1 =	sgt.s32 s16, $0xC34F  }
0x2d: {  	s16 =	smov.u32 @p1 s3;
	p1 =	sne.s32 s13, s8  }
.Ltmp1:
0x2e: {  	_ = 	snop;
	(pc) =	sbr.rel @!p1 .LBB1_11-.Ltmp1, $4  }
0x2f: {  	s10 =	sadd.s32 $0x4000, s10;
	s15 =	simm.s32 @!p0 $0x2  }
0x30: {  	_ =	swait.ge @!p0 [sflag:s15], s14;
	s17 =	ssub.s32 @!p0 $0x0, s14;
	s14 =	smov.u32 s11  }
0x31: {  	s13 =	sadd.s32 $0x1, s13;
	s11 =	smov.u32 s12;
	[sflag:s15] =	ssyncset.done @!p0 $0x0  }
0x32: {  	s12 =	smov.u32 s16;
	[sflag:s15] =	ssyncadd.s32 @!p0 s17;
	s15 =	smov.u32 s2  }
.LBB1_1:
0x33: {  	p0 =	sge.u32 s13, s6  }
0x34: {  	p1 =	sgt.s32 @!p0 s12, $0xC2D0  }
0x35: {  	s16 =	smov.u32 s12;
	s17 =	sshra.s32 @!p0 s12, $0x1F;
	p1 =	por !p1, p0  }
0x36: {  	s17 =	sand.u32 @!p0 s17, s12;
	s16 =	simm.s32 @p1 $0xC2D0  }
0x37: {  	s16 =	ssub.s32 @!p0 s16, s17  }
0x38: {  	s31 =	sadd.s32 $0xFFFFFFFF, s13;
	s18 =	sxor.u32 @!p0 $0xFFFFFFFF, s13;
	s16 =	sadd.s32 @!p0 $0xFFFF3D30, s16  }
0x39: {  	s19 =	simm.s32 @!p0 $0x80;
	s20 =	simm.s32 @!p0 $0x100;
	s17 =	sshll.u32 @!p0 s16, $0x7  }
0x3a: {  	p1 =	sgt.s32 @!p0 s16, $0x7F;
	s16 =	ssub.s32 @!p0 $0x4000, s17;
	s17 =	sshll.u32 @!p0 s18, $0xE  }
0x3b: {  	p1 =	por !p1, p0;
	s18 =	sshll.u32 @!p0 s12, $0x5;
	s16 =	sand.u32 @!p0 $0x3FFFFF80, s16  }
0x3c: {  	s17 =	sand.u32 @!p0 $0x4000, s17;
	s18 =	sadd.s32 @!p0 s18, s7;
	s16 =	simm.s32 @!p1 $0x0  }
0x3d: {  	[tilespmem:s17], [sflag:$0x1] =	stream.strided.gather @!p0 [hbm4b:s18+s19], s16, s20, s19, $0x38;
	[tilespmem:$0x10000] =	vst v63  }
0x3e: {  	p0 =	sge.u32 s31, s6  }
.Ltmp2:
0x3f: {  	_ = 	snop;
	(pc) =	sbr.rel @p0 .LBB1_10-.Ltmp2, $1  }
0x40: {  	_ =	sdelay $0x3  }
0x41: {  	p0 =	sgt.s32 s11, $0xC2D0;
	s16 =	smov.u32 s11;
	s17 =	sshra.s32 s11, $0x1F  }
0x42: {  	s16 =	simm.s32 @!p0 $0xC2D0;
	s17 =	sand.u32 s17, s11  }
0x43: {  	s16 =	ssub.s32 s16, s17  }
0x44: {  	s16 =	sadd.s32 $0xFFFF3D30, s16  }
0x45: {  	s30 =	sshll.u32 s16, $0x7  }
0x46: {  	s17 =	ssub.s32 $0x4000, s30  }
0x47: {  	p0 =	sgt.s32 s16, $0x7F;
	s16 =	sand.u32 $0x3FFFFF80, s17;
	s17 =	sadd.s32 $0x80, s11  }
0x48: {  	s16 =	simm.s32 @p0 $0x0;
	p0 =	slt.s32 s17, $0xC350  }
0x49: {  	s17 =	simm.s32 @!p0 $0xC350  }
0x4a: {  	s20 =	ssub.s32 s17, s11  }
0x4b: {  	p0 =	slt.s32 s20, $0x1  }
.Ltmp3:
0x4c: {  	_ = 	snop;
	(pc) =	sbr.rel @p0 .LBB1_9-.Ltmp3, $4  }
0x4d: {  	_ = 	snop  }
0x4e: {  	s19 =	sshll.u32 s13, $0xE;
	_ =	swait.ge [sflag:s5], s16  }
0x4f: {  	s31 =	sand.u32 $0x4000, s19;
	s18 =	ssub.s32 $0x0, s16;
	[sflag:s5] =	ssyncset.done $0x0  }
0x50: {  	s17 =	sor.u32 $0x8000, s31;
	[sflag:s5] =	ssyncadd.s32 s18  }
0x51: {  	p1 =	sne.s32 s20, $0x1  }
.Ltmp4:
0x52: {  	v0 =	vmov s17;
	(pc) =	sbr.rel @!p1 .LBB1_4-.Ltmp4, $4  }
0x53: {  	_ = 	snop  }
0x54: {  	s18 =	sand.u32 $0x4000, s10  }
0x55: {  	s18 =	sor.u32 $0x40, s18  }
0x56: {  	s19 =	simm.s32 $0x0;
	s21 =	sadd.s32 $0xFFFFFFFF, s20;
	p0 =	por $0x0, $0x0;
	v1 =	vld [tilespmem:s18+$0x30]  }
0x57: {  	v4 =	vld [tilespmem:s18+$0xFFFFFFC0]  }
0x58: {  	v6 =	vld [tilespmem:s18+$0xFFFFFFD0]  }
0x59: {  	v7 =	vld [tilespmem:s18+$0xFFFFFFE0];
	p1 =	sne.s32 s21, $0x1  }
.Ltmp5:
0x5a: {  	v2 =	vld [tilespmem:s18+$0xFFFFFFF0];
	s20 =	sand.u32 $0x3F80, s19;
	(pc) =	sbr.rel @!p1 .LBB1_6-.Ltmp5, $4  }
0x5b: {  	v3 =	vld [tilespmem:s18+$0x0];
	[tilespmem:v0+s20+$0x70 ss:$0x1] =	vst.idx.msk $0xffff, v1  }
0x5c: {  	v5 =	vld [tilespmem:s18+$0x10];
	[tilespmem:v0+s20+$0x0 ss:$0x1] =	vst.idx.msk $0xffff, v4  }
0x5d: {  	v4 =	vld [tilespmem:s18+$0x20];
	[tilespmem:v0+s20+$0x10 ss:$0x1] =	vst.idx.msk $0xffff, v6;
	s18 =	sadd.s32 $0x80, s18  }
0x5e: {  	s22 =	sadd.s32 $0xFFFFFFFF, s21;
	p0 =	por $0x1, $0x1;
	s21 =	simm.s32 $0x0;
	[tilespmem:v0+s20+$0x20 ss:$0x1] =	vst.idx.msk $0xffff, v7;
	v1 =	vld [tilespmem:s18+$0x30]  }
.LBB1_7:
0x5f: {  	p1 =	sne.s32 s22, $0x1;
	v6 =	vld [tilespmem:s18+$0xFFFFFFC0];
	[tilespmem:v0+s20+$0x30 ss:$0x1] =	vst.idx.msk $0xffff, v2  }
0x60: {  	v7 =	vld [tilespmem:s18+$0xFFFFFFD0];
	[tilespmem:v0+s20+$0x40 ss:$0x1] =	vst.idx.msk $0xffff, v3  }
0x61: {  	s21 =	sadd.s32 $0x80, s21;
	v8 =	vld [tilespmem:s18+$0xFFFFFFE0];
	[tilespmem:v0+s20+$0x50 ss:$0x1] =	vst.idx.msk $0xffff, v5  }
.Ltmp6:
0x62: {  	v2 =	vld [tilespmem:s18+$0xFFFFFFF0];
	[tilespmem:v0+s20+$0x60 ss:$0x1] =	vst.idx.msk $0xffff, v4;
	s20 =	sand.u32 $0x3F80, s21;
	(pc) =	sbr.rel @p1 .LBB1_7-.Ltmp6, $4  }
0x63: {  	v3 =	vld [tilespmem:s18+$0x0];
	[tilespmem:v0+s20+$0x70 ss:$0x1] =	vst.idx.msk $0xffff, v1  }
0x64: {  	[tilespmem:v0+s20+$0x0 ss:$0x1] =	vst.idx.msk $0xffff, v6;
	v5 =	vld [tilespmem:s18+$0x10]  }
0x65: {  	[tilespmem:v0+s20+$0x10 ss:$0x1] =	vst.idx.msk $0xffff, v7;
	v4 =	vld [tilespmem:s18+$0x20];
	s18 =	sadd.s32 $0x80, s18  }
0x66: {  	s22 =	sadd.s32 $0xFFFFFFFF, s22;
	v1 =	vld [tilespmem:s18+$0x30];
	[tilespmem:v0+s20+$0x20 ss:$0x1] =	vst.idx.msk $0xffff, v8  }
.Ltmp7:
0x67: {  	_ = 	snop;
	(pc) =	sbr.rel .LBB1_8-.Ltmp7, $1  }
0x68: {  	_ =	sdelay $0x3  }
.LBB1_6:
.Ltmp8:
0x69: {  	(pc) =	sbr.rel .LBB1_8-.Ltmp8, $2  }
0x6a: {  	_ =	sdelay $0x2  }
0x6b: {  	s21 =	simm.s32 $0x0  }
.LBB1_11:
0x6c: {  	_ =	sfence.sel $0x180000  }
0x6d: {  	s2 =	simm.s32 $0x1;
	[bflag:$0x0] =	sbarrier.arrive $0xFFFF  }
0x6e: {  	s31 =	simm.s32 $0x2;
	[sflag:s2] =	ssyncpa.u1 $0x1  }
0x6f: {  	[sflag:s31] =	ssyncpa.u1 $0x1  }
0x70: {  	p0 =	sne.s32 s0, $0x0;
	_ =	strace $0x90000047  }
0x71: {  	s0 =	sadd.s32 @!p0 $0x100000, s1;
	[bflag:$0x2] =	sbarrier.arrive $0xFFFF  }
0x72: {  	[sflag:s0] =	ssyncadd.tile.s32 @!p0 $0x1;
	_ =	shalt  }
.Lfunc_end1:
_tile_overlayer_lowered:
.L_overlay_start_2:
0x73: {  	(tag) =	ssettag $0x2  }
0x74: {  	s0 =	rddreg [dreg:$0x0];
	s2 =	stileid.u32  }
0x75: {  	s1 =	rddreg [dreg:$0x1];
	p0 =	sne.s32 s2, $0x0  }
0x76: {  	s3 =	rddreg [dreg:$0x2];
	[bflag:$0x3] =	sbarrier.arrive $0xFFFF;
	s2 =	simm.s32 @!p0 $0x1C01  }
0x77: {  	[timem:s3], [sflag:s2] =	dma.local @!p0 [hbm:s0], s1  }
0x78: {  	s0 =	simm.s32 @!p0 $0x1  }
0x79: {  	_ =	swait.ge @!p0 [sflag:s0], s1  }
0x7a: {  	s1 =	ssub.s32 @!p0 $0x0, s1;
	[sflag:s0] =	ssyncset.done @!p0 $0x0  }
0x7b: {  	[sflag:s0] =	ssyncadd.s32 @!p0 s1  }
0x7c: {  	[bflag:$0x3] =	sbarrier.arrive $0xFFFF  }
0x7d: {  	_ =	shalt  }

</sc_bundles>
